<compile_context>
chip_gen: v7x
topology: tpu7x:2x2x1
jax: 0.10.2.dev20260603
libtpu: 0.0.44.dev20260713+nightly
codegen_flags: <defaults>
</compile_context>

<pallas_src>
import dataclasses
import functools
import numpy as np
import jax
import jax.numpy as jnp
from jax import lax
from jax.experimental import pallas as pl
from jax.experimental.pallas import tpu as pltpu
from jax.experimental.pallas import tpu_sc as plsc

_B = 2
_C = 8
_K = 32768
_BK = _B * _K
_IM = 256
_GR = 512
_J = 6
_L = 1024
_CTR = _L * _J // 2
_NW = 32
_PTS = _BK // _NW
_GSZ = 16
_NG = _PTS // _GSZ
_NTAP = _J * _J
_TBL_PAD = 6152
_NSHIFT = (128.0, 128.0)

_m = np.arange(_GR)[:, None]
_n = np.arange(_IM)[None, :]
_ang = -2.0 * np.pi * (_m * _n) / float(_GR)
_FR = np.cos(_ang).astype(np.float32)
_FI = np.sin(_ang).astype(np.float32)


def _grid_body(x_ref, s_ref, ap_ref, fr_ref, fi_ref, o_ref):
    xr = x_ref[0, 0]
    xi = x_ref[0, 1]
    sr = s_ref[0, 0, 0]
    si = s_ref[0, 0, 1]
    ap = ap_ref[...]
    Xr = (xr * sr - xi * si) * ap
    Xi = (xr * si + xi * sr) * ap
    fr = fr_ref[...]
    fi = fi_ref[...]
    dot = functools.partial(
        lax.dot_general,
        dimension_numbers=(((1,), (0,)), ((), ())),
        preferred_element_type=jnp.float32,
        precision=lax.Precision.HIGHEST,
    )
    dott = functools.partial(
        lax.dot_general,
        dimension_numbers=(((1,), (1,)), ((), ())),
        preferred_element_type=jnp.float32,
        precision=lax.Precision.HIGHEST,
    )
    Ar = dot(fr, Xr) - dot(fi, Xi)
    Ai = dot(fr, Xi) + dot(fi, Xr)
    o_ref[0, 0, 0] = dott(Ar, fr) - dott(Ai, fi)
    o_ref[0, 0, 1] = dott(Ar, fi) + dott(Ai, fr)


def _build_grid(x, smap, scaling_coef, frv, fiv):
    return pl.pallas_call(
        _grid_body,
        grid=(_B, _C),
        in_specs=[
            pl.BlockSpec((1, 2, _IM, _IM), lambda b, c: (b, 0, 0, 0)),
            pl.BlockSpec((1, 1, 2, _IM, _IM), lambda b, c: (b, c, 0, 0, 0)),
            pl.BlockSpec((_IM, _IM), lambda b, c: (0, 0)),
            pl.BlockSpec((_GR, _IM), lambda b, c: (0, 0)),
            pl.BlockSpec((_GR, _IM), lambda b, c: (0, 0)),
        ],
        out_specs=pl.BlockSpec((1, 1, 2, _GR, _GR), lambda b, c: (b, c, 0, 0, 0)),
        out_shape=jax.ShapeDtypeStruct((_B, _C, 2, _GR, _GR), jnp.float32),
    )(x, smap, scaling_coef, frv, fiv)


_WB = 2048
_SCALE = float(np.float32(_GR) / np.float32(2.0 * np.pi))


def _prep_body(om_ref, i0_ref, i1_ref, d0_ref, d1_ref):
    b = pl.program_id(0) // (_K // _WB)
    om = om_ref[0]
    tm = om * _SCALE
    base = jnp.floor(tm - _J / 2.0)
    for j in range(_J):
        gi = base + (j + 1.0)
        d = jnp.around((tm - gi) * float(_L)).astype(jnp.int32) + _CTR
        ii = jnp.mod(gi, float(_GR)).astype(jnp.int32)
        i0_ref[j, :] = b * (_GR * _GR) + ii[0] * _GR
        i1_ref[j, :] = ii[1]
        d0_ref[j, :] = d[0]
        d1_ref[j, :] = d[1]


def _build_prep(om):
    nsteps = _BK // _WB
    out_shapes = [
        jax.ShapeDtypeStruct((_J, _BK), jnp.int32),
        jax.ShapeDtypeStruct((_J, _BK), jnp.int32),
        jax.ShapeDtypeStruct((_J, _BK), jnp.int32),
        jax.ShapeDtypeStruct((_J, _BK), jnp.int32),
    ]
    col_spec6 = pl.BlockSpec((_J, _WB), lambda i: (0, i))
    return pl.pallas_call(
        _prep_body,
        grid=(nsteps,),
        in_specs=[pl.BlockSpec((1, 2, _WB), lambda i: (i // (_K // _WB), 0, i % (_K // _WB)))],
        out_specs=[col_spec6, col_spec6, col_spec6, col_spec6],
        out_shape=out_shapes,
    )(om)


def _sc_body(g_hbm, i0_hbm, i1_hbm, d0_hbm, d1_hbm, ph_hbm, t0_hbm, t1_hbm,
             out_hbm,
             t0_v, t1_v, i0_v, i1_v, d0_v, d1_v, ph_v,
             gidx_v, rows_v, cf_v, acc_v, accT_v, sem):
    wid = lax.axis_index("s") * 2 + lax.axis_index("c")
    b = wid // (_NW // _B)
    colbase = wid * _PTS
    kbase = colbase - b * _K

    pltpu.sync_copy(t0_hbm, t0_v)
    pltpu.sync_copy(t1_hbm, t1_v)
    pltpu.sync_copy(i0_hbm.at[:, pl.ds(colbase, _PTS)], i0_v)
    pltpu.sync_copy(i1_hbm.at[:, pl.ds(colbase, _PTS)], i1_v)
    pltpu.sync_copy(d0_hbm.at[:, pl.ds(colbase, _PTS)], d0_v)
    pltpu.sync_copy(d1_hbm.at[:, pl.ds(colbase, _PTS)], d1_v)
    pltpu.sync_copy(ph_hbm.at[:, pl.ds(colbase, _PTS)], ph_v)

    lane = lax.iota(jnp.int32, 16)
    lane36 = lane * _NTAP
    lane_x = lane ^ 1
    sgn = jnp.where((lane & 1) == 1, 1.0, -1.0).astype(jnp.float32)
    zero16 = jnp.zeros((16,), jnp.int32)
    one16 = zero16 + 1

    @pl.loop(0, _NG // 8)
    def _ogroup(og):
        @pl.loop(0, 8)
        def _group(sg):
            g = og * 8 + sg
            p0 = g * _GSZ
            c1s = []
            for j1 in range(_J):
                c1s.append(plsc.load_gather(t1_v, [d1_v[j1, pl.ds(p0, 16)]]))
            for j0 in range(_J):
                a0 = i0_v[j0, pl.ds(p0, 16)]
                c0 = plsc.load_gather(t0_v, [d0_v[j0, pl.ds(p0, 16)]])
                for j1 in range(_J):
                    t = j0 * _J + j1
                    fl = a0 + i1_v[j1, pl.ds(p0, 16)]
                    plsc.store_scatter(gidx_v, [lane36 + t], fl)
                    cf_v[t, :] = c0 * c1s[j1]
            cps = [
                pltpu.async_copy(
                    g_hbm.at[gidx_v.at[pl.ds(s * 96, 96)]],
                    rows_v.at[pl.ds(s * 96, 96)], sem)
                for s in range(6)
            ]
            for cp in cps:
                cp.wait()

            @pl.loop(0, _GSZ)
            def _point(p):
                fullp = jnp.full((16,), p, jnp.int32)
                p36 = p * _NTAP

                def tap(t, acc):
                    cf = plsc.load_gather(cf_v, [jnp.full((16,), t, jnp.int32), fullp])
                    rw = plsc.load_gather(rows_v, [jnp.full((16,), p36 + t, jnp.int32), lane])
                    return acc + cf * rw

                acc = lax.fori_loop(0, _NTAP, tap, jnp.zeros((16,), jnp.float32))
                plsc.store_scatter(acc_v, [fullp, lane], acc)
                sw = plsc.load_gather(acc_v, [fullp, lane_x])
                phcol = jnp.full((16,), p0 + p, jnp.int32)
                pr = plsc.load_gather(ph_v, [zero16, phcol])
                pi = plsc.load_gather(ph_v, [one16, phcol])
                res = acc * pr + sw * pi * sgn
                plsc.store_scatter(accT_v, [lane, jnp.full((16,), sg * _GSZ, jnp.int32) + fullp], res)

        pltpu.sync_copy(accT_v, out_hbm.at[b, :, pl.ds(kbase + og * 128, 128)])


def _build_sc(g, i0, i1, d0, d1, ph, t0, t1):
    mesh = plsc.VectorSubcoreMesh(core_axis_name="c", subcore_axis_name="s")
    cp = pltpu.CompilerParams()
    if "needs_layout_passes" in pltpu.CompilerParams.__dataclass_fields__:
        cp = dataclasses.replace(cp, needs_layout_passes=False)
    if "use_tc_tiling_on_sc" in pltpu.CompilerParams.__dataclass_fields__:
        cp = dataclasses.replace(cp, use_tc_tiling_on_sc=False)
    kfn = pl.kernel(
        _sc_body,
        out_type=jax.ShapeDtypeStruct((_B, 16, _K), jnp.float32),
        mesh=mesh,
        compiler_params=cp,
        scratch_types=[
            pltpu.VMEM((_TBL_PAD,), jnp.float32),
            pltpu.VMEM((_TBL_PAD,), jnp.float32),
            pltpu.VMEM((_J, _PTS), jnp.int32),
            pltpu.VMEM((_J, _PTS), jnp.int32),
            pltpu.VMEM((_J, _PTS), jnp.int32),
            pltpu.VMEM((_J, _PTS), jnp.int32),
            pltpu.VMEM((2, _PTS), jnp.float32),
            pltpu.VMEM((_NTAP * _GSZ,), jnp.int32),
            pltpu.VMEM((_NTAP * _GSZ, 16), jnp.float32),
            pltpu.VMEM((_NTAP, 16), jnp.float32),
            pltpu.VMEM((16, 16), jnp.float32),
            pltpu.VMEM((16, 128), jnp.float32),
            pltpu.SemaphoreType.DMA,
        ],
    )
    return kfn(g, i0, i1, d0, d1, ph, t0, t1)


def kernel(x, smap, om, scaling_coef, table0, table1):
    xs = x.reshape(_B, 2, _IM, _IM)
    frv = jnp.asarray(_FR)
    fiv = jnp.asarray(_FI)
    gp = _build_grid(xs, smap, scaling_coef, frv, fiv)
    g = jnp.transpose(gp, (0, 3, 4, 1, 2)).reshape(_B * _GR * _GR, 16)
    i0, i1, d0, d1 = _build_prep(om)
    th = jnp.einsum('bdk,d->bk', om, jnp.array(_NSHIFT, dtype=om.dtype))
    ph = jnp.stack([jnp.cos(th), jnp.sin(th)]).reshape(2, _BK)
    t0p = jnp.concatenate([table0, jnp.zeros((_TBL_PAD - table0.shape[0],), jnp.float32)])
    t1p = jnp.concatenate([table1, jnp.zeros((_TBL_PAD - table1.shape[0],), jnp.float32)])
    out = _build_sc(g, i0, i1, d0, d1, ph, t0p, t1p)
    return out.reshape(_B, _C, 2, _K)

# --- scband reference (transcript-rebuilt; emitter-appended) ---
"""Pipeline reference for scband-mri-sense-nufft-39213051412566 (READ-ONLY COPY).

The authoritative reference and input builder live on the scoring server;
editing this copy changes nothing except your own understanding.
"""

import jax, jax.numpy as jnp
import numpy as np

NBATCH = 2; NCOIL = 8; KLEN = 32768
IM_SIZE = (256, 256); GRID_SIZE = (512, 512)
NUMPOINTS = (6, 6); TABLE_OVERSAMP = (1024, 1024)
ALPHA = (2.34 * 6.0, 2.34 * 6.0); N_SHIFT = (128.0, 128.0)


def _kaiser_bessel_ft(om, npts, alpha, order, d):
    # order=0, d=1 -> nu=0.5, J_{1/2}(z) = sqrt(2/(pi z)) sin(z), iv(0,a)=i0(a)
    z = np.sqrt((2.0 * np.pi * (npts / 2.0) * om) ** 2 - alpha ** 2 + 0j)
    nu = d / 2.0 + order
    jv = np.sqrt(2.0 / (np.pi * z)) * np.sin(z)
    sc = (2.0 * np.pi) ** (d / 2.0) * (npts / 2.0) ** d * alpha ** order / np.i0(alpha) * jv / z ** nu
    return np.real(sc)


def _compute_scaling_coefs():
    axes = []
    for i in range(2):
        ind = np.arange(IM_SIZE[i]) - (IM_SIZE[i] - 1) / 2.0
        axes.append(1.0 / _kaiser_bessel_ft(ind / GRID_SIZE[i], NUMPOINTS[i], ALPHA[i], 0, 1))
    return np.outer(axes[0], axes[1]).astype(np.float32)


def _kb_kernel(u, J, alpha):
    out = np.zeros_like(u)
    m = np.abs(u) < J / 2.0
    out[m] = np.i0(alpha * np.sqrt(1.0 - (2.0 * u[m] / J) ** 2)) / np.i0(alpha)
    return out


def _build_table(d):
    J, L = NUMPOINTS[d], TABLE_OVERSAMP[d]
    c = L * J // 2
    pts = (np.arange(J * L + 1) - c) / float(L)
    h = _kb_kernel(pts, J, ALPHA[d])
    h[-1] = 0.0
    return h.astype(np.float32)


def setup_inputs(seed: int = 0):
    key = jax.random.key(seed)
    k1, k2, k3 = jax.random.split(key, 3)
    x = jax.random.normal(k1, (NBATCH, 1, 2, IM_SIZE[0], IM_SIZE[1]), dtype=jnp.float32)
    smap = jax.random.normal(k2, (NBATCH, NCOIL, 2, IM_SIZE[0], IM_SIZE[1]), dtype=jnp.float32) * 0.25
    om = (jax.random.uniform(k3, (NBATCH, 2, KLEN), dtype=jnp.float32) - 0.5) * (2.0 * np.pi)
    return {"x": x, "smap": smap, "om": om,
            "scaling_coef": jnp.asarray(_compute_scaling_coefs()),
            "table0": jnp.asarray(_build_table(0)),
            "table1": jnp.asarray(_build_table(1))}


def reference(x, smap, om, scaling_coef, table0, table1):
    # SENSE coil multiply (complex)
    xc = x[:, :, 0] + 1j * x[:, :, 1]          # (B, 1, H, W)
    sc = smap[:, :, 0] + 1j * smap[:, :, 1]     # (B, C, H, W)
    xs = xc * sc
    # apodization (scaling coefficients)
    xs = xs * scaling_coef[None, None].astype(xs.dtype)
    # zero-pad to oversampled grid and unnormalized FFT (norm='None')
    xg = jnp.pad(xs, ((0, 0), (0, 0), (0, GRID_SIZE[0] - IM_SIZE[0]), (0, GRID_SIZE[1] - IM_SIZE[1])))
    kg = jnp.fft.fftn(xg, axes=(-2, -1))
    kgf = kg.reshape(NBATCH, NCOIL, GRID_SIZE[0] * GRID_SIZE[1])
    # Kaiser-Bessel table interpolation to off-grid locations
    gsz = jnp.array(GRID_SIZE, dtype=om.dtype)
    tm = om * (gsz[None, :, None] / (2.0 * np.pi))                      # (B, 2, K)
    base = jnp.floor(tm - jnp.array(NUMPOINTS, dtype=om.dtype)[None, :, None] / 2.0)
    J0, J1 = NUMPOINTS
    L0, L1 = TABLE_OVERSAMP
    c0 = L0 * J0 // 2
    c1 = L1 * J1 // 2
    out = jnp.zeros((NBATCH, NCOIL, KLEN), dtype=kg.dtype)
    for j0 in range(J0):
        gi0 = base[:, 0] + (j0 + 1)
        d0 = jnp.around((tm[:, 0] - gi0) * L0).astype(jnp.int32) + c0
        coef0 = jnp.take(table0, d0)
        i0 = jnp.mod(gi0, GRID_SIZE[0]).astype(jnp.int32)
        for j1 in range(J1):
            gi1 = base[:, 1] + (j1 + 1)
            d1 = jnp.around((tm[:, 1] - gi1) * L1).astype(jnp.int32) + c1
            coef = coef0 * jnp.take(table1, d1)
            flat = i0 * GRID_SIZE[1] + jnp.mod(gi1, GRID_SIZE[1]).astype(jnp.int32)
            vals = jnp.take_along_axis(kgf, jnp.broadcast_to(flat[:, None, :], (NBATCH, NCOIL, KLEN)), axis=2)
            out = out + coef[:, None, :].astype(kg.dtype) * vals
    # n_shift phase roll
    phase = jnp.exp(1j * jnp.einsum('bdk,d->bk', om, jnp.array(N_SHIFT, dtype=om.dtype)))
    out = out * phase[:, None, :].astype(out.dtype)
    return jnp.stack((jnp.real(out), jnp.imag(out)), axis=2).astype(jnp.float32)

if __name__ == "__main__":
    import jax
    _d = setup_inputs()
    print(jax.jit(kernel)(*tuple(_d.values())))

</pallas_src>

<mosaic_0001>
#map = affine_map<(d0, d1) -> (0, 0)>
#map1 = affine_map<(d0, d1) -> (0)>
#map2 = affine_map<(d0, d1) -> (0, 0, 0)>
module attributes {stable_mosaic.version = 14 : i64} {
  func.func @_sc_body(%arg0: i32, %arg1: i32, %arg2: memref<524288x16xf32, #tpu.memory_space<hbm>>, %arg3: memref<6x65536xi32, #tpu.memory_space<hbm>>, %arg4: memref<6x65536xi32, #tpu.memory_space<hbm>>, %arg5: memref<6x65536xi32, #tpu.memory_space<hbm>>, %arg6: memref<6x65536xi32, #tpu.memory_space<hbm>>, %arg7: memref<2x65536xf32, #tpu.memory_space<hbm>>, %arg8: memref<6152xf32, #tpu.memory_space<hbm>>, %arg9: memref<6152xf32, #tpu.memory_space<hbm>>, %arg10: memref<2x16x32768xf32, #tpu.memory_space<hbm>>, %arg11: memref<6152xf32, #tpu.memory_space<vmem>>, %arg12: memref<6152xf32, #tpu.memory_space<vmem>>, %arg13: memref<6x2048xi32, #tpu.memory_space<vmem>>, %arg14: memref<6x2048xi32, #tpu.memory_space<vmem>>, %arg15: memref<6x2048xi32, #tpu.memory_space<vmem>>, %arg16: memref<6x2048xi32, #tpu.memory_space<vmem>>, %arg17: memref<2x2048xf32, #tpu.memory_space<vmem>>, %arg18: memref<576xi32, #tpu.memory_space<vmem>>, %arg19: memref<576x16xf32, #tpu.memory_space<vmem>>, %arg20: memref<36x16xf32, #tpu.memory_space<vmem>>, %arg21: memref<16x16xf32, #tpu.memory_space<vmem>>, %arg22: memref<16x128xf32, #tpu.memory_space<vmem>>, %arg23: memref<!tpu.dma_semaphore, #tpu.memory_space<semaphore_mem>>) attributes {dimension_semantics = [#tpu.dimension_semantics<core_parallel>, #tpu.dimension_semantics<subcore_parallel>], iteration_bounds = array<i64: 2, 16>, scalar_prefetch = 0 : i64, scratch_operands = 13 : i64, tpu.core_type = #tpu.core_type<sc_vector_subcore>, window_params = [{transform_indices = #map}, {transform_indices = #map}, {transform_indices = #map}, {transform_indices = #map}, {transform_indices = #map}, {transform_indices = #map}, {transform_indices = #map1}, {transform_indices = #map1}, {transform_indices = #map2}]} {
    %mul3A = arith.constant 2 : i32
    %mul3A_0 = arith.muli %arg1, %mul3A : i32
    %add3A = arith.addi %mul3A_0, %arg0 : i32
    %jit3A = arith.constant 16 : i32
    %div3A = arith.divsi %add3A, %jit3A : i32
    %sign3A = arith.constant 0 : i32
    %sign3A_1 = arith.cmpi sgt, %add3A, %sign3A : i32
    %sign3A_2 = arith.extui %sign3A_1 : i1 to i32
    %sign3A_3 = arith.constant 0 : i32
    %sign3A_4 = arith.cmpi slt, %add3A, %sign3A_3 : i32
    %sign3A_5 = arith.extui %sign3A_4 : i1 to i32
    %sign3A_6 = arith.subi %sign3A_2, %sign3A_5 : i32
    %sign3A_7 = arith.constant 0 : i32
    %sign3A_8 = arith.cmpi sgt, %jit3A, %sign3A_7 : i32
    %sign3A_9 = arith.extui %sign3A_8 : i1 to i32
    %sign3A_10 = arith.constant 0 : i32
    %sign3A_11 = arith.cmpi slt, %jit3A, %sign3A_10 : i32
    %sign3A_12 = arith.extui %sign3A_11 : i1 to i32
    %sign3A_13 = arith.subi %sign3A_9, %sign3A_12 : i32
    %ne3A = arith.cmpi ne, %sign3A_6, %sign3A_13 : i32
    %rem3A = arith.remsi %add3A, %jit3A : i32
    %ne3A_14 = arith.constant 0 : i32
    %ne3A_15 = arith.cmpi ne, %rem3A, %ne3A_14 : i32
    %and3A = arith.andi %ne3A, %ne3A_15 : i1
    %sub3A = arith.constant 1 : i32
    %sub3A_16 = arith.subi %div3A, %sub3A : i32
    %select_n3A = arith.select %and3A, %sub3A_16, %div3A : i32
    %mul3A_17 = arith.constant 2048 : i32
    %mul3A_18 = arith.muli %add3A, %mul3A_17 : i32
    %mul3A_19 = arith.constant 32768 : i32
    %mul3A_20 = arith.muli %select_n3A, %mul3A_19 : i32
    %sub3A_21 = arith.subi %mul3A_18, %mul3A_20 : i32
    "tpu.region"() ({
      %run_scoped3A = tpu.sem_alloc : memref<!tpu.dma_semaphore, #tpu.memory_space<semaphore_mem>>
      tpu.enqueue_dma source(%arg8 : memref<6152xf32, #tpu.memory_space<hbm>>) target(%arg11 : memref<6152xf32, #tpu.memory_space<vmem>>) target_semaphore(%run_scoped3A : memref<!tpu.dma_semaphore, #tpu.memory_space<semaphore_mem>>)
      tpu.wait_dma2 semaphore(%run_scoped3A : memref<!tpu.dma_semaphore, #tpu.memory_space<semaphore_mem>>) src(%arg8 : memref<6152xf32, #tpu.memory_space<hbm>>) dst(%arg11 : memref<6152xf32, #tpu.memory_space<vmem>>)
      tpu.yield
    }) : () -> ()
    "tpu.region"() ({
      %run_scoped3A = tpu.sem_alloc : memref<!tpu.dma_semaphore, #tpu.memory_space<semaphore_mem>>
      tpu.enqueue_dma source(%arg9 : memref<6152xf32, #tpu.memory_space<hbm>>) target(%arg12 : memref<6152xf32, #tpu.memory_space<vmem>>) target_semaphore(%run_scoped3A : memref<!tpu.dma_semaphore, #tpu.memory_space<semaphore_mem>>)
      tpu.wait_dma2 semaphore(%run_scoped3A : memref<!tpu.dma_semaphore, #tpu.memory_space<semaphore_mem>>) src(%arg9 : memref<6152xf32, #tpu.memory_space<hbm>>) dst(%arg12 : memref<6152xf32, #tpu.memory_space<vmem>>)
      tpu.yield
    }) : () -> ()
    "tpu.region"() ({
      %run_scoped3A = tpu.sem_alloc : memref<!tpu.dma_semaphore, #tpu.memory_space<semaphore_mem>>
      %dma_start3A = arith.constant 0 : i32
      %dma_start3A_45 = tpu.memref_slice %arg3[%dma_start3A, %mul3A_18] : memref<6x65536xi32, #tpu.memory_space<hbm>> -> memref<6x2048xi32, #tpu.memory_space<hbm>>
      %dma_start3A_46 = arith.constant 0 : i32
      %dma_start3A_47 = tpu.memref_slice %arg3[%dma_start3A_46, %mul3A_18] : memref<6x65536xi32, #tpu.memory_space<hbm>> -> memref<6x2048xi32, #tpu.memory_space<hbm>>
      tpu.enqueue_dma source(%dma_start3A_47 : memref<6x2048xi32, #tpu.memory_space<hbm>>) target(%arg13 : memref<6x2048xi32, #tpu.memory_space<vmem>>) target_semaphore(%run_scoped3A : memref<!tpu.dma_semaphore, #tpu.memory_space<semaphore_mem>>)
      %dma_wait3A = arith.constant 0 : i32
      %dma_wait3A_48 = tpu.memref_slice %arg3[%dma_wait3A, %mul3A_18] : memref<6x65536xi32, #tpu.memory_space<hbm>> -> memref<6x2048xi32, #tpu.memory_space<hbm>>
      %dma_wait3A_49 = arith.constant 0 : i32
      %dma_wait3A_50 = tpu.memref_slice %arg3[%dma_wait3A_49, %mul3A_18] : memref<6x65536xi32, #tpu.memory_space<hbm>> -> memref<6x2048xi32, #tpu.memory_space<hbm>>
      tpu.wait_dma2 semaphore(%run_scoped3A : memref<!tpu.dma_semaphore, #tpu.memory_space<semaphore_mem>>) src(%dma_wait3A_50 : memref<6x2048xi32, #tpu.memory_space<hbm>>) dst(%arg13 : memref<6x2048xi32, #tpu.memory_space<vmem>>)
      tpu.yield
    }) : () -> ()
    "tpu.region"() ({
      %run_scoped3A = tpu.sem_alloc : memref<!tpu.dma_semaphore, #tpu.memory_space<semaphore_mem>>
      %dma_start3A = arith.constant 0 : i32
      %dma_start3A_45 = tpu.memref_slice %arg4[%dma_start3A, %mul3A_18] : memref<6x65536xi32, #tpu.memory_space<hbm>> -> memref<6x2048xi32, #tpu.memory_space<hbm>>
      %dma_start3A_46 = arith.constant 0 : i32
      %dma_start3A_47 = tpu.memref_slice %arg4[%dma_start3A_46, %mul3A_18] : memref<6x65536xi32, #tpu.memory_space<hbm>> -> memref<6x2048xi32, #tpu.memory_space<hbm>>
      tpu.enqueue_dma source(%dma_start3A_47 : memref<6x2048xi32, #tpu.memory_space<hbm>>) target(%arg14 : memref<6x2048xi32, #tpu.memory_space<vmem>>) target_semaphore(%run_scoped3A : memref<!tpu.dma_semaphore, #tpu.memory_space<semaphore_mem>>)
      %dma_wait3A = arith.constant 0 : i32
      %dma_wait3A_48 = tpu.memref_slice %arg4[%dma_wait3A, %mul3A_18] : memref<6x65536xi32, #tpu.memory_space<hbm>> -> memref<6x2048xi32, #tpu.memory_space<hbm>>
      %dma_wait3A_49 = arith.constant 0 : i32
      %dma_wait3A_50 = tpu.memref_slice %arg4[%dma_wait3A_49, %mul3A_18] : memref<6x65536xi32, #tpu.memory_space<hbm>> -> memref<6x2048xi32, #tpu.memory_space<hbm>>
      tpu.wait_dma2 semaphore(%run_scoped3A : memref<!tpu.dma_semaphore, #tpu.memory_space<semaphore_mem>>) src(%dma_wait3A_50 : memref<6x2048xi32, #tpu.memory_space<hbm>>) dst(%arg14 : memref<6x2048xi32, #tpu.memory_space<vmem>>)
      tpu.yield
    }) : () -> ()
    "tpu.region"() ({
      %run_scoped3A = tpu.sem_alloc : memref<!tpu.dma_semaphore, #tpu.memory_space<semaphore_mem>>
      %dma_start3A = arith.constant 0 : i32
      %dma_start3A_45 = tpu.memref_slice %arg5[%dma_start3A, %mul3A_18] : memref<6x65536xi32, #tpu.memory_space<hbm>> -> memref<6x2048xi32, #tpu.memory_space<hbm>>
      %dma_start3A_46 = arith.constant 0 : i32
      %dma_start3A_47 = tpu.memref_slice %arg5[%dma_start3A_46, %mul3A_18] : memref<6x65536xi32, #tpu.memory_space<hbm>> -> memref<6x2048xi32, #tpu.memory_space<hbm>>
      tpu.enqueue_dma source(%dma_start3A_47 : memref<6x2048xi32, #tpu.memory_space<hbm>>) target(%arg15 : memref<6x2048xi32, #tpu.memory_space<vmem>>) target_semaphore(%run_scoped3A : memref<!tpu.dma_semaphore, #tpu.memory_space<semaphore_mem>>)
      %dma_wait3A = arith.constant 0 : i32
      %dma_wait3A_48 = tpu.memref_slice %arg5[%dma_wait3A, %mul3A_18] : memref<6x65536xi32, #tpu.memory_space<hbm>> -> memref<6x2048xi32, #tpu.memory_space<hbm>>
      %dma_wait3A_49 = arith.constant 0 : i32
      %dma_wait3A_50 = tpu.memref_slice %arg5[%dma_wait3A_49, %mul3A_18] : memref<6x65536xi32, #tpu.memory_space<hbm>> -> memref<6x2048xi32, #tpu.memory_space<hbm>>
      tpu.wait_dma2 semaphore(%run_scoped3A : memref<!tpu.dma_semaphore, #tpu.memory_space<semaphore_mem>>) src(%dma_wait3A_50 : memref<6x2048xi32, #tpu.memory_space<hbm>>) dst(%arg15 : memref<6x2048xi32, #tpu.memory_space<vmem>>)
      tpu.yield
    }) : () -> ()
    "tpu.region"() ({
      %run_scoped3A = tpu.sem_alloc : memref<!tpu.dma_semaphore, #tpu.memory_space<semaphore_mem>>
      %dma_start3A = arith.constant 0 : i32
      %dma_start3A_45 = tpu.memref_slice %arg6[%dma_start3A, %mul3A_18] : memref<6x65536xi32, #tpu.memory_space<hbm>> -> memref<6x2048xi32, #tpu.memory_space<hbm>>
      %dma_start3A_46 = arith.constant 0 : i32
      %dma_start3A_47 = tpu.memref_slice %arg6[%dma_start3A_46, %mul3A_18] : memref<6x65536xi32, #tpu.memory_space<hbm>> -> memref<6x2048xi32, #tpu.memory_space<hbm>>
      tpu.enqueue_dma source(%dma_start3A_47 : memref<6x2048xi32, #tpu.memory_space<hbm>>) target(%arg16 : memref<6x2048xi32, #tpu.memory_space<vmem>>) target_semaphore(%run_scoped3A : memref<!tpu.dma_semaphore, #tpu.memory_space<semaphore_mem>>)
      %dma_wait3A = arith.constant 0 : i32
      %dma_wait3A_48 = tpu.memref_slice %arg6[%dma_wait3A, %mul3A_18] : memref<6x65536xi32, #tpu.memory_space<hbm>> -> memref<6x2048xi32, #tpu.memory_space<hbm>>
      %dma_wait3A_49 = arith.constant 0 : i32
      %dma_wait3A_50 = tpu.memref_slice %arg6[%dma_wait3A_49, %mul3A_18] : memref<6x65536xi32, #tpu.memory_space<hbm>> -> memref<6x2048xi32, #tpu.memory_space<hbm>>
      tpu.wait_dma2 semaphore(%run_scoped3A : memref<!tpu.dma_semaphore, #tpu.memory_space<semaphore_mem>>) src(%dma_wait3A_50 : memref<6x2048xi32, #tpu.memory_space<hbm>>) dst(%arg16 : memref<6x2048xi32, #tpu.memory_space<vmem>>)
      tpu.yield
    }) : () -> ()
    "tpu.region"() ({
      %run_scoped3A = tpu.sem_alloc : memref<!tpu.dma_semaphore, #tpu.memory_space<semaphore_mem>>
      %dma_start3A = arith.constant 0 : i32
      %dma_start3A_45 = tpu.memref_slice %arg7[%dma_start3A, %mul3A_18] : memref<2x65536xf32, #tpu.memory_space<hbm>> -> memref<2x2048xf32, #tpu.memory_space<hbm>>
      %dma_start3A_46 = arith.constant 0 : i32
      %dma_start3A_47 = tpu.memref_slice %arg7[%dma_start3A_46, %mul3A_18] : memref<2x65536xf32, #tpu.memory_space<hbm>> -> memref<2x2048xf32, #tpu.memory_space<hbm>>
      tpu.enqueue_dma source(%dma_start3A_47 : memref<2x2048xf32, #tpu.memory_space<hbm>>) target(%arg17 : memref<2x2048xf32, #tpu.memory_space<vmem>>) target_semaphore(%run_scoped3A : memref<!tpu.dma_semaphore, #tpu.memory_space<semaphore_mem>>)
      %dma_wait3A = arith.constant 0 : i32
      %dma_wait3A_48 = tpu.memref_slice %arg7[%dma_wait3A, %mul3A_18] : memref<2x65536xf32, #tpu.memory_space<hbm>> -> memref<2x2048xf32, #tpu.memory_space<hbm>>
      %dma_wait3A_49 = arith.constant 0 : i32
      %dma_wait3A_50 = tpu.memref_slice %arg7[%dma_wait3A_49, %mul3A_18] : memref<2x65536xf32, #tpu.memory_space<hbm>> -> memref<2x2048xf32, #tpu.memory_space<hbm>>
      tpu.wait_dma2 semaphore(%run_scoped3A : memref<!tpu.dma_semaphore, #tpu.memory_space<semaphore_mem>>) src(%dma_wait3A_50 : memref<2x2048xf32, #tpu.memory_space<hbm>>) dst(%arg17 : memref<2x2048xf32, #tpu.memory_space<vmem>>)
      tpu.yield
    }) : () -> ()
    %iota3A = tpu.iota {dimensions = array<i32: 0>} : vector<16xi32>
    %mul3A_22 = arith.constant 36 : i32
    %mul3A_23 = vector.broadcast %mul3A_22 : i32 to vector<16xi32>
    %mul3A_24 = arith.muli %iota3A, %mul3A_23 : vector<16xi32>
    %xor3A = arith.constant 1 : i32
    %xor3A_25 = vector.broadcast %xor3A : i32 to vector<16xi32>
    %xor3A_26 = arith.xori %iota3A, %xor3A_25 : vector<16xi32>
    %and3A_27 = arith.constant 1 : i32
    %and3A_28 = vector.broadcast %and3A_27 : i32 to vector<16xi32>
    %and3A_29 = arith.andi %iota3A, %and3A_28 : vector<16xi32>
    %eq3A = arith.constant 1 : i32
    %eq3A_30 = vector.broadcast %eq3A : i32 to vector<16xi32>
    %eq3A_31 = arith.cmpi eq, %and3A_29, %eq3A_30 : vector<16xi32>
    %jit3A_32 = arith.constant 1.000000e+00 : f32
    %jit3A_33 = arith.constant -1.000000e+00 : f32
    %broadcast_in_dim3A = vector.broadcast %jit3A_32 : f32 to vector<16xf32>
    %broadcast_in_dim3A_34 = vector.broadcast %jit3A_33 : f32 to vector<16xf32>
    %select_n3A_35 = arith.select %eq3A_31, %broadcast_in_dim3A, %broadcast_in_dim3A_34 : vector<16xi1>, vector<16xf32>
    %broadcast_in_dim3A_36 = arith.constant 0 : i32
    %broadcast_in_dim3A_37 = vector.broadcast %broadcast_in_dim3A_36 : i32 to vector<16xi32>
    %add3A_38 = arith.constant 1 : i32
    %add3A_39 = vector.broadcast %add3A_38 : i32 to vector<16xi32>
    %add3A_40 = arith.addi %broadcast_in_dim3A_37, %add3A_39 : vector<16xi32>
    %scan3A = arith.constant 0 : i32
    %scan3A_41 = arith.constant 16 : i32
    %scan3A_42 = arith.addi %scan3A, %scan3A_41 : i32
    %scan3A_43 = arith.constant 1 : i32
    scf.for %scan3A_45 = %scan3A to %scan3A_42 step %scan3A_43  : i32 {
      %mul3A_46 = arith.constant 1 : i32
      %mul3A_47 = arith.muli %scan3A_45, %mul3A_46 : i32
      %add3A_48 = arith.constant 0 : i32
      %add3A_49 = arith.addi %add3A_48, %mul3A_47 : i32
      %scan3A_50 = arith.constant 0 : i32
      %scan3A_51 = arith.constant 8 : i32
      %scan3A_52 = arith.addi %scan3A_50, %scan3A_51 : i32
      %scan3A_53 = arith.constant 1 : i32
      scf.for %scan3A_58 = %scan3A_50 to %scan3A_52 step %scan3A_53  : i32 {
        %mul3A_59 = arith.constant 1 : i32
        %mul3A_60 = arith.muli %scan3A_58, %mul3A_59 : i32
        %add3A_61 = arith.constant 0 : i32
        %add3A_62 = arith.addi %add3A_61, %mul3A_60 : i32
        %mul3A_63 = arith.constant 8 : i32
        %mul3A_64 = arith.muli %add3A_49, %mul3A_63 : i32
        %add3A_65 = arith.addi %mul3A_64, %add3A_62 : i32
        %mul3A_66 = arith.constant 16 : i32
        %mul3A_67 = arith.muli %add3A_65, %mul3A_66 : i32
        %get3A = arith.constant 0 : i32
        %get3A_68 = arith.index_cast %get3A : i32 to index
        %get3A_69 = arith.index_cast %mul3A_67 : i32 to index
        %get3A_70 = tpu.vector_load %arg16[%get3A_68, %get3A_69] {strides = array<i32>} : memref<6x2048xi32, #tpu.memory_space<vmem>>, vector<16xi32>,
        %gather3A = tpu.vector_load_idx %arg12[%get3A_70] : memref<6152xf32, #tpu.memory_space<vmem>>[vector<16xi32>], vector<16xf32>,
        %get3A_71 = arith.constant 1 : i32
        %get3A_72 = arith.index_cast %get3A_71 : i32 to index
        %get3A_73 = arith.index_cast %mul3A_67 : i32 to index
        %get3A_74 = tpu.vector_load %arg16[%get3A_72, %get3A_73] {strides = array<i32>} : memref<6x2048xi32, #tpu.memory_space<vmem>>, vector<16xi32>,
        %gather3A_75 = tpu.vector_load_idx %arg12[%get3A_74] : memref<6152xf32, #tpu.memory_space<vmem>>[vector<16xi32>], vector<16xf32>,
        %get3A_76 = arith.constant 2 : i32
        %get3A_77 = arith.index_cast %get3A_76 : i32 to index
        %get3A_78 = arith.index_cast %mul3A_67 : i32 to index
        %get3A_79 = tpu.vector_load %arg16[%get3A_77, %get3A_78] {strides = array<i32>} : memref<6x2048xi32, #tpu.memory_space<vmem>>, vector<16xi32>,
        %gather3A_80 = tpu.vector_load_idx %arg12[%get3A_79] : memref<6152xf32, #tpu.memory_space<vmem>>[vector<16xi32>], vector<16xf32>,
        %get3A_81 = arith.constant 3 : i32
        %get3A_82 = arith.index_cast %get3A_81 : i32 to index
        %get3A_83 = arith.index_cast %mul3A_67 : i32 to index
        %get3A_84 = tpu.vector_load %arg16[%get3A_82, %get3A_83] {strides = array<i32>} : memref<6x2048xi32, #tpu.memory_space<vmem>>, vector<16xi32>,
        %gather3A_85 = tpu.vector_load_idx %arg12[%get3A_84] : memref<6152xf32, #tpu.memory_space<vmem>>[vector<16xi32>], vector<16xf32>,
        %get3A_86 = arith.constant 4 : i32
        %get3A_87 = arith.index_cast %get3A_86 : i32 to index
        %get3A_88 = arith.index_cast %mul3A_67 : i32 to index
        %get3A_89 = tpu.vector_load %arg16[%get3A_87, %get3A_88] {strides = array<i32>} : memref<6x2048xi32, #tpu.memory_space<vmem>>, vector<16xi32>,
        %gather3A_90 = tpu.vector_load_idx %arg12[%get3A_89] : memref<6152xf32, #tpu.memory_space<vmem>>[vector<16xi32>], vector<16xf32>,
        %get3A_91 = arith.constant 5 : i32
        %get3A_92 = arith.index_cast %get3A_91 : i32 to index
        %get3A_93 = arith.index_cast %mul3A_67 : i32 to index
        %get3A_94 = tpu.vector_load %arg16[%get3A_92, %get3A_93] {strides = array<i32>} : memref<6x2048xi32, #tpu.memory_space<vmem>>, vector<16xi32>,
        %gather3A_95 = tpu.vector_load_idx %arg12[%get3A_94] : memref<6152xf32, #tpu.memory_space<vmem>>[vector<16xi32>], vector<16xf32>,
        %get3A_96 = arith.constant 0 : i32
        %get3A_97 = arith.index_cast %get3A_96 : i32 to index
        %get3A_98 = arith.index_cast %mul3A_67 : i32 to index
        %get3A_99 = tpu.vector_load %arg13[%get3A_97, %get3A_98] {strides = array<i32>} : memref<6x2048xi32, #tpu.memory_space<vmem>>, vector<16xi32>,
        %get3A_100 = arith.constant 0 : i32
        %get3A_101 = arith.index_cast %get3A_100 : i32 to index
        %get3A_102 = arith.index_cast %mul3A_67 : i32 to index
        %get3A_103 = tpu.vector_load %arg15[%get3A_101, %get3A_102] {strides = array<i32>} : memref<6x2048xi32, #tpu.memory_space<vmem>>, vector<16xi32>,
        %gather3A_104 = tpu.vector_load_idx %arg11[%get3A_103] : memref<6152xf32, #tpu.memory_space<vmem>>[vector<16xi32>], vector<16xf32>,
        %get3A_105 = arith.constant 0 : i32
        %get3A_106 = arith.index_cast %get3A_105 : i32 to index
        %get3A_107 = arith.index_cast %mul3A_67 : i32 to index
        %get3A_108 = tpu.vector_load %arg14[%get3A_106, %get3A_107] {strides = array<i32>} : memref<6x2048xi32, #tpu.memory_space<vmem>>, vector<16xi32>,
        %add3A_109 = arith.addi %get3A_99, %get3A_108 : vector<16xi32>
        %add3A_110 = arith.constant 0 : i32
        %add3A_111 = vector.broadcast %add3A_110 : i32 to vector<16xi32>
        %add3A_112 = arith.addi %mul3A_24, %add3A_111 : vector<16xi32>
        tpu.vector_store_idx %arg18[%add3A_112], %add3A_109 : memref<576xi32, #tpu.memory_space<vmem>>[vector<16xi32>], vector<16xi32>,
        %mul3A_113 = arith.mulf %gather3A_104, %gather3A : vector<16xf32>
        %swap3A = arith.constant 0 : i32
        %swap3A_114 = arith.index_cast %swap3A : i32 to index
        %swap3A_115 = arith.constant 0 : index
        %swap3A_116 = tpu.vector_load %arg20[%swap3A_114, %swap3A_115] {strides = array<i32>} : memref<36x16xf32, #tpu.memory_space<vmem>>, vector<16xf32>,
        tpu.vector_store %arg20[%swap3A_114, %swap3A_115], %mul3A_113 {strides = array<i32>} : memref<36x16xf32, #tpu.memory_space<vmem>>, vector<16xf32>,
        %get3A_117 = arith.constant 1 : i32
        %get3A_118 = arith.index_cast %get3A_117 : i32 to index
        %get3A_119 = arith.index_cast %mul3A_67 : i32 to index
        %get3A_120 = tpu.vector_load %arg14[%get3A_118, %get3A_119] {strides = array<i32>} : memref<6x2048xi32, #tpu.memory_space<vmem>>, vector<16xi32>,
        %add3A_121 = arith.addi %get3A_99, %get3A_120 : vector<16xi32>
        %add3A_122 = arith.constant 1 : i32
        %add3A_123 = vector.broadcast %add3A_122 : i32 to vector<16xi32>
        %add3A_124 = arith.addi %mul3A_24, %add3A_123 : vector<16xi32>
        tpu.vector_store_idx %arg18[%add3A_124], %add3A_121 : memref<576xi32, #tpu.memory_space<vmem>>[vector<16xi32>], vector<16xi32>,
        %mul3A_125 = arith.mulf %gather3A_104, %gather3A_75 : vector<16xf32>
        %swap3A_126 = arith.constant 1 : i32
        %swap3A_127 = arith.index_cast %swap3A_126 : i32 to index
        %swap3A_128 = arith.constant 0 : index
        %swap3A_129 = tpu.vector_load %arg20[%swap3A_127, %swap3A_128] {strides = array<i32>} : memref<36x16xf32, #tpu.memory_space<vmem>>, vector<16xf32>,
        tpu.vector_store %arg20[%swap3A_127, %swap3A_128], %mul3A_125 {strides = array<i32>} : memref<36x16xf32, #tpu.memory_space<vmem>>, vector<16xf32>,
        %get3A_130 = arith.constant 2 : i32
        %get3A_131 = arith.index_cast %get3A_130 : i32 to index
        %get3A_132 = arith.index_cast %mul3A_67 : i32 to index
        %get3A_133 = tpu.vector_load %arg14[%get3A_131, %get3A_132] {strides = array<i32>} : memref<6x2048xi32, #tpu.memory_space<vmem>>, vector<16xi32>,
        %add3A_134 = arith.addi %get3A_99, %get3A_133 : vector<16xi32>
        %add3A_135 = arith.constant 2 : i32
        %add3A_136 = vector.broadcast %add3A_135 : i32 to vector<16xi32>
        %add3A_137 = arith.addi %mul3A_24, %add3A_136 : vector<16xi32>
        tpu.vector_store_idx %arg18[%add3A_137], %add3A_134 : memref<576xi32, #tpu.memory_space<vmem>>[vector<16xi32>], vector<16xi32>,
        %mul3A_138 = arith.mulf %gather3A_104, %gather3A_80 : vector<16xf32>
        %swap3A_139 = arith.constant 2 : i32
        %swap3A_140 = arith.index_cast %swap3A_139 : i32 to index
        %swap3A_141 = arith.constant 0 : index
        %swap3A_142 = tpu.vector_load %arg20[%swap3A_140, %swap3A_141] {strides = array<i32>} : memref<36x16xf32, #tpu.memory_space<vmem>>, vector<16xf32>,
        tpu.vector_store %arg20[%swap3A_140, %swap3A_141], %mul3A_138 {strides = array<i32>} : memref<36x16xf32, #tpu.memory_space<vmem>>, vector<16xf32>,
        %get3A_143 = arith.constant 3 : i32
        %get3A_144 = arith.index_cast %get3A_143 : i32 to index
        %get3A_145 = arith.index_cast %mul3A_67 : i32 to index
        %get3A_146 = tpu.vector_load %arg14[%get3A_144, %get3A_145] {strides = array<i32>} : memref<6x2048xi32, #tpu.memory_space<vmem>>, vector<16xi32>,
        %add3A_147 = arith.addi %get3A_99, %get3A_146 : vector<16xi32>
        %add3A_148 = arith.constant 3 : i32
        %add3A_149 = vector.broadcast %add3A_148 : i32 to vector<16xi32>
        %add3A_150 = arith.addi %mul3A_24, %add3A_149 : vector<16xi32>
        tpu.vector_store_idx %arg18[%add3A_150], %add3A_147 : memref<576xi32, #tpu.memory_space<vmem>>[vector<16xi32>], vector<16xi32>,
        %mul3A_151 = arith.mulf %gather3A_104, %gather3A_85 : vector<16xf32>
        %swap3A_152 = arith.constant 3 : i32
        %swap3A_153 = arith.index_cast %swap3A_152 : i32 to index
        %swap3A_154 = arith.constant 0 : index
        %swap3A_155 = tpu.vector_load %arg20[%swap3A_153, %swap3A_154] {strides = array<i32>} : memref<36x16xf32, #tpu.memory_space<vmem>>, vector<16xf32>,
        tpu.vector_store %arg20[%swap3A_153, %swap3A_154], %mul3A_151 {strides = array<i32>} : memref<36x16xf32, #tpu.memory_space<vmem>>, vector<16xf32>,
        %get3A_156 = arith.constant 4 : i32
        %get3A_157 = arith.index_cast %get3A_156 : i32 to index
        %get3A_158 = arith.index_cast %mul3A_67 : i32 to index
        %get3A_159 = tpu.vector_load %arg14[%get3A_157, %get3A_158] {strides = array<i32>} : memref<6x2048xi32, #tpu.memory_space<vmem>>, vector<16xi32>,
        %add3A_160 = arith.addi %get3A_99, %get3A_159 : vector<16xi32>
        %add3A_161 = arith.constant 4 : i32
        %add3A_162 = vector.broadcast %add3A_161 : i32 to vector<16xi32>
        %add3A_163 = arith.addi %mul3A_24, %add3A_162 : vector<16xi32>
        tpu.vector_store_idx %arg18[%add3A_163], %add3A_160 : memref<576xi32, #tpu.memory_space<vmem>>[vector<16xi32>], vector<16xi32>,
        %mul3A_164 = arith.mulf %gather3A_104, %gather3A_90 : vector<16xf32>
        %swap3A_165 = arith.constant 4 : i32
        %swap3A_166 = arith.index_cast %swap3A_165 : i32 to index
        %swap3A_167 = arith.constant 0 : index
        %swap3A_168 = tpu.vector_load %arg20[%swap3A_166, %swap3A_167] {strides = array<i32>} : memref<36x16xf32, #tpu.memory_space<vmem>>, vector<16xf32>,
        tpu.vector_store %arg20[%swap3A_166, %swap3A_167], %mul3A_164 {strides = array<i32>} : memref<36x16xf32, #tpu.memory_space<vmem>>, vector<16xf32>,
        %get3A_169 = arith.constant 5 : i32
        %get3A_170 = arith.index_cast %get3A_169 : i32 to index
        %get3A_171 = arith.index_cast %mul3A_67 : i32 to index
        %get3A_172 = tpu.vector_load %arg14[%get3A_170, %get3A_171] {strides = array<i32>} : memref<6x2048xi32, #tpu.memory_space<vmem>>, vector<16xi32>,
        %add3A_173 = arith.addi %get3A_99, %get3A_172 : vector<16xi32>
        %add3A_174 = arith.constant 5 : i32
        %add3A_175 = vector.broadcast %add3A_174 : i32 to vector<16xi32>
        %add3A_176 = arith.addi %mul3A_24, %add3A_175 : vector<16xi32>
        tpu.vector_store_idx %arg18[%add3A_176], %add3A_173 : memref<576xi32, #tpu.memory_space<vmem>>[vector<16xi32>], vector<16xi32>,
        %mul3A_177 = arith.mulf %gather3A_104, %gather3A_95 : vector<16xf32>
        %swap3A_178 = arith.constant 5 : i32
        %swap3A_179 = arith.index_cast %swap3A_178 : i32 to index
        %swap3A_180 = arith.constant 0 : index
        %swap3A_181 = tpu.vector_load %arg20[%swap3A_179, %swap3A_180] {strides = array<i32>} : memref<36x16xf32, #tpu.memory_space<vmem>>, vector<16xf32>,
        tpu.vector_store %arg20[%swap3A_179, %swap3A_180], %mul3A_177 {strides = array<i32>} : memref<36x16xf32, #tpu.memory_space<vmem>>, vector<16xf32>,
        %get3A_182 = arith.constant 1 : i32
        %get3A_183 = arith.index_cast %get3A_182 : i32 to index
        %get3A_184 = arith.index_cast %mul3A_67 : i32 to index
        %get3A_185 = tpu.vector_load %arg13[%get3A_183, %get3A_184] {strides = array<i32>} : memref<6x2048xi32, #tpu.memory_space<vmem>>, vector<16xi32>,
        %get3A_186 = arith.constant 1 : i32
        %get3A_187 = arith.index_cast %get3A_186 : i32 to index
        %get3A_188 = arith.index_cast %mul3A_67 : i32 to index
        %get3A_189 = tpu.vector_load %arg15[%get3A_187, %get3A_188] {strides = array<i32>} : memref<6x2048xi32, #tpu.memory_space<vmem>>, vector<16xi32>,
        %gather3A_190 = tpu.vector_load_idx %arg11[%get3A_189] : memref<6152xf32, #tpu.memory_space<vmem>>[vector<16xi32>], vector<16xf32>,
        %get3A_191 = arith.constant 0 : i32
        %get3A_192 = arith.index_cast %get3A_191 : i32 to index
        %get3A_193 = arith.index_cast %mul3A_67 : i32 to index
        %get3A_194 = tpu.vector_load %arg14[%get3A_192, %get3A_193] {strides = array<i32>} : memref<6x2048xi32, #tpu.memory_space<vmem>>, vector<16xi32>,
        %add3A_195 = arith.addi %get3A_185, %get3A_194 : vector<16xi32>
        %add3A_196 = arith.constant 6 : i32
        %add3A_197 = vector.broadcast %add3A_196 : i32 to vector<16xi32>
        %add3A_198 = arith.addi %mul3A_24, %add3A_197 : vector<16xi32>
        tpu.vector_store_idx %arg18[%add3A_198], %add3A_195 : memref<576xi32, #tpu.memory_space<vmem>>[vector<16xi32>], vector<16xi32>,
        %mul3A_199 = arith.mulf %gather3A_190, %gather3A : vector<16xf32>
        %swap3A_200 = arith.constant 6 : i32
        %swap3A_201 = arith.index_cast %swap3A_200 : i32 to index
        %swap3A_202 = arith.constant 0 : index
        %swap3A_203 = tpu.vector_load %arg20[%swap3A_201, %swap3A_202] {strides = array<i32>} : memref<36x16xf32, #tpu.memory_space<vmem>>, vector<16xf32>,
        tpu.vector_store %arg20[%swap3A_201, %swap3A_202], %mul3A_199 {strides = array<i32>} : memref<36x16xf32, #tpu.memory_space<vmem>>, vector<16xf32>,
        %get3A_204 = arith.constant 1 : i32
        %get3A_205 = arith.index_cast %get3A_204 : i32 to index
        %get3A_206 = arith.index_cast %mul3A_67 : i32 to index
        %get3A_207 = tpu.vector_load %arg14[%get3A_205, %get3A_206] {strides = array<i32>} : memref<6x2048xi32, #tpu.memory_space<vmem>>, vector<16xi32>,
        %add3A_208 = arith.addi %get3A_185, %get3A_207 : vector<16xi32>
        %add3A_209 = arith.constant 7 : i32
        %add3A_210 = vector.broadcast %add3A_209 : i32 to vector<16xi32>
        %add3A_211 = arith.addi %mul3A_24, %add3A_210 : vector<16xi32>
        tpu.vector_store_idx %arg18[%add3A_211], %add3A_208 : memref<576xi32, #tpu.memory_space<vmem>>[vector<16xi32>], vector<16xi32>,
        %mul3A_212 = arith.mulf %gather3A_190, %gather3A_75 : vector<16xf32>
        %swap3A_213 = arith.constant 7 : i32
        %swap3A_214 = arith.index_cast %swap3A_213 : i32 to index
        %swap3A_215 = arith.constant 0 : index
        %swap3A_216 = tpu.vector_load %arg20[%swap3A_214, %swap3A_215] {strides = array<i32>} : memref<36x16xf32, #tpu.memory_space<vmem>>, vector<16xf32>,
        tpu.vector_store %arg20[%swap3A_214, %swap3A_215], %mul3A_212 {strides = array<i32>} : memref<36x16xf32, #tpu.memory_space<vmem>>, vector<16xf32>,
        %get3A_217 = arith.constant 2 : i32
        %get3A_218 = arith.index_cast %get3A_217 : i32 to index
        %get3A_219 = arith.index_cast %mul3A_67 : i32 to index
        %get3A_220 = tpu.vector_load %arg14[%get3A_218, %get3A_219] {strides = array<i32>} : memref<6x2048xi32, #tpu.memory_space<vmem>>, vector<16xi32>,
        %add3A_221 = arith.addi %get3A_185, %get3A_220 : vector<16xi32>
        %add3A_222 = arith.constant 8 : i32
        %add3A_223 = vector.broadcast %add3A_222 : i32 to vector<16xi32>
        %add3A_224 = arith.addi %mul3A_24, %add3A_223 : vector<16xi32>
        tpu.vector_store_idx %arg18[%add3A_224], %add3A_221 : memref<576xi32, #tpu.memory_space<vmem>>[vector<16xi32>], vector<16xi32>,
        %mul3A_225 = arith.mulf %gather3A_190, %gather3A_80 : vector<16xf32>
        %swap3A_226 = arith.constant 8 : i32
        %swap3A_227 = arith.index_cast %swap3A_226 : i32 to index
        %swap3A_228 = arith.constant 0 : index
        %swap3A_229 = tpu.vector_load %arg20[%swap3A_227, %swap3A_228] {strides = array<i32>} : memref<36x16xf32, #tpu.memory_space<vmem>>, vector<16xf32>,
        tpu.vector_store %arg20[%swap3A_227, %swap3A_228], %mul3A_225 {strides = array<i32>} : memref<36x16xf32, #tpu.memory_space<vmem>>, vector<16xf32>,
        %get3A_230 = arith.constant 3 : i32
        %get3A_231 = arith.index_cast %get3A_230 : i32 to index
        %get3A_232 = arith.index_cast %mul3A_67 : i32 to index
        %get3A_233 = tpu.vector_load %arg14[%get3A_231, %get3A_232] {strides = array<i32>} : memref<6x2048xi32, #tpu.memory_space<vmem>>, vector<16xi32>,
        %add3A_234 = arith.addi %get3A_185, %get3A_233 : vector<16xi32>
        %add3A_235 = arith.constant 9 : i32
        %add3A_236 = vector.broadcast %add3A_235 : i32 to vector<16xi32>
        %add3A_237 = arith.addi %mul3A_24, %add3A_236 : vector<16xi32>
        tpu.vector_store_idx %arg18[%add3A_237], %add3A_234 : memref<576xi32, #tpu.memory_space<vmem>>[vector<16xi32>], vector<16xi32>,
        %mul3A_238 = arith.mulf %gather3A_190, %gather3A_85 : vector<16xf32>
        %swap3A_239 = arith.constant 9 : i32
        %swap3A_240 = arith.index_cast %swap3A_239 : i32 to index
        %swap3A_241 = arith.constant 0 : index
        %swap3A_242 = tpu.vector_load %arg20[%swap3A_240, %swap3A_241] {strides = array<i32>} : memref<36x16xf32, #tpu.memory_space<vmem>>, vector<16xf32>,
        tpu.vector_store %arg20[%swap3A_240, %swap3A_241], %mul3A_238 {strides = array<i32>} : memref<36x16xf32, #tpu.memory_space<vmem>>, vector<16xf32>,
        %get3A_243 = arith.constant 4 : i32
        %get3A_244 = arith.index_cast %get3A_243 : i32 to index
        %get3A_245 = arith.index_cast %mul3A_67 : i32 to index
        %get3A_246 = tpu.vector_load %arg14[%get3A_244, %get3A_245] {strides = array<i32>} : memref<6x2048xi32, #tpu.memory_space<vmem>>, vector<16xi32>,
        %add3A_247 = arith.addi %get3A_185, %get3A_246 : vector<16xi32>
        %add3A_248 = arith.constant 10 : i32
        %add3A_249 = vector.broadcast %add3A_248 : i32 to vector<16xi32>
        %add3A_250 = arith.addi %mul3A_24, %add3A_249 : vector<16xi32>
        tpu.vector_store_idx %arg18[%add3A_250], %add3A_247 : memref<576xi32, #tpu.memory_space<vmem>>[vector<16xi32>], vector<16xi32>,
        %mul3A_251 = arith.mulf %gather3A_190, %gather3A_90 : vector<16xf32>
        %swap3A_252 = arith.constant 10 : i32
        %swap3A_253 = arith.index_cast %swap3A_252 : i32 to index
        %swap3A_254 = arith.constant 0 : index
        %swap3A_255 = tpu.vector_load %arg20[%swap3A_253, %swap3A_254] {strides = array<i32>} : memref<36x16xf32, #tpu.memory_space<vmem>>, vector<16xf32>,
        tpu.vector_store %arg20[%swap3A_253, %swap3A_254], %mul3A_251 {strides = array<i32>} : memref<36x16xf32, #tpu.memory_space<vmem>>, vector<16xf32>,
        %get3A_256 = arith.constant 5 : i32
        %get3A_257 = arith.index_cast %get3A_256 : i32 to index
        %get3A_258 = arith.index_cast %mul3A_67 : i32 to index
        %get3A_259 = tpu.vector_load %arg14[%get3A_257, %get3A_258] {strides = array<i32>} : memref<6x2048xi32, #tpu.memory_space<vmem>>, vector<16xi32>,
        %add3A_260 = arith.addi %get3A_185, %get3A_259 : vector<16xi32>
        %add3A_261 = arith.constant 11 : i32
        %add3A_262 = vector.broadcast %add3A_261 : i32 to vector<16xi32>
        %add3A_263 = arith.addi %mul3A_24, %add3A_262 : vector<16xi32>
        tpu.vector_store_idx %arg18[%add3A_263], %add3A_260 : memref<576xi32, #tpu.memory_space<vmem>>[vector<16xi32>], vector<16xi32>,
        %mul3A_264 = arith.mulf %gather3A_190, %gather3A_95 : vector<16xf32>
        %swap3A_265 = arith.constant 11 : i32
        %swap3A_266 = arith.index_cast %swap3A_265 : i32 to index
        %swap3A_267 = arith.constant 0 : index
        %swap3A_268 = tpu.vector_load %arg20[%swap3A_266, %swap3A_267] {strides = array<i32>} : memref<36x16xf32, #tpu.memory_space<vmem>>, vector<16xf32>,
        tpu.vector_store %arg20[%swap3A_266, %swap3A_267], %mul3A_264 {strides = array<i32>} : memref<36x16xf32, #tpu.memory_space<vmem>>, vector<16xf32>,
        %get3A_269 = arith.constant 2 : i32
        %get3A_270 = arith.index_cast %get3A_269 : i32 to index
        %get3A_271 = arith.index_cast %mul3A_67 : i32 to index
        %get3A_272 = tpu.vector_load %arg13[%get3A_270, %get3A_271] {strides = array<i32>} : memref<6x2048xi32, #tpu.memory_space<vmem>>, vector<16xi32>,
        %get3A_273 = arith.constant 2 : i32
        %get3A_274 = arith.index_cast %get3A_273 : i32 to index
        %get3A_275 = arith.index_cast %mul3A_67 : i32 to index
        %get3A_276 = tpu.vector_load %arg15[%get3A_274, %get3A_275] {strides = array<i32>} : memref<6x2048xi32, #tpu.memory_space<vmem>>, vector<16xi32>,
        %gather3A_277 = tpu.vector_load_idx %arg11[%get3A_276] : memref<6152xf32, #tpu.memory_space<vmem>>[vector<16xi32>], vector<16xf32>,
        %get3A_278 = arith.constant 0 : i32
        %get3A_279 = arith.index_cast %get3A_278 : i32 to index
        %get3A_280 = arith.index_cast %mul3A_67 : i32 to index
        %get3A_281 = tpu.vector_load %arg14[%get3A_279, %get3A_280] {strides = array<i32>} : memref<6x2048xi32, #tpu.memory_space<vmem>>, vector<16xi32>,
        %add3A_282 = arith.addi %get3A_272, %get3A_281 : vector<16xi32>
        %add3A_283 = arith.constant 12 : i32
        %add3A_284 = vector.broadcast %add3A_283 : i32 to vector<16xi32>
        %add3A_285 = arith.addi %mul3A_24, %add3A_284 : vector<16xi32>
        tpu.vector_store_idx %arg18[%add3A_285], %add3A_282 : memref<576xi32, #tpu.memory_space<vmem>>[vector<16xi32>], vector<16xi32>,
        %mul3A_286 = arith.mulf %gather3A_277, %gather3A : vector<16xf32>
        %swap3A_287 = arith.constant 12 : i32
        %swap3A_288 = arith.index_cast %swap3A_287 : i32 to index
        %swap3A_289 = arith.constant 0 : index
        %swap3A_290 = tpu.vector_load %arg20[%swap3A_288, %swap3A_289] {strides = array<i32>} : memref<36x16xf32, #tpu.memory_space<vmem>>, vector<16xf32>,
        tpu.vector_store %arg20[%swap3A_288, %swap3A_289], %mul3A_286 {strides = array<i32>} : memref<36x16xf32, #tpu.memory_space<vmem>>, vector<16xf32>,
        %get3A_291 = arith.constant 1 : i32
        %get3A_292 = arith.index_cast %get3A_291 : i32 to index
        %get3A_293 = arith.index_cast %mul3A_67 : i32 to index
        %get3A_294 = tpu.vector_load %arg14[%get3A_292, %get3A_293] {strides = array<i32>} : memref<6x2048xi32, #tpu.memory_space<vmem>>, vector<16xi32>,
        %add3A_295 = arith.addi %get3A_272, %get3A_294 : vector<16xi32>
        %add3A_296 = arith.constant 13 : i32
        %add3A_297 = vector.broadcast %add3A_296 : i32 to vector<16xi32>
        %add3A_298 = arith.addi %mul3A_24, %add3A_297 : vector<16xi32>
        tpu.vector_store_idx %arg18[%add3A_298], %add3A_295 : memref<576xi32, #tpu.memory_space<vmem>>[vector<16xi32>], vector<16xi32>,
        %mul3A_299 = arith.mulf %gather3A_277, %gather3A_75 : vector<16xf32>
        %swap3A_300 = arith.constant 13 : i32
        %swap3A_301 = arith.index_cast %swap3A_300 : i32 to index
        %swap3A_302 = arith.constant 0 : index
        %swap3A_303 = tpu.vector_load %arg20[%swap3A_301, %swap3A_302] {strides = array<i32>} : memref<36x16xf32, #tpu.memory_space<vmem>>, vector<16xf32>,
        tpu.vector_store %arg20[%swap3A_301, %swap3A_302], %mul3A_299 {strides = array<i32>} : memref<36x16xf32, #tpu.memory_space<vmem>>, vector<16xf32>,
        %get3A_304 = arith.constant 2 : i32
        %get3A_305 = arith.index_cast %get3A_304 : i32 to index
        %get3A_306 = arith.index_cast %mul3A_67 : i32 to index
        %get3A_307 = tpu.vector_load %arg14[%get3A_305, %get3A_306] {strides = array<i32>} : memref<6x2048xi32, #tpu.memory_space<vmem>>, vector<16xi32>,
        %add3A_308 = arith.addi %get3A_272, %get3A_307 : vector<16xi32>
        %add3A_309 = arith.constant 14 : i32
        %add3A_310 = vector.broadcast %add3A_309 : i32 to vector<16xi32>
        %add3A_311 = arith.addi %mul3A_24, %add3A_310 : vector<16xi32>
        tpu.vector_store_idx %arg18[%add3A_311], %add3A_308 : memref<576xi32, #tpu.memory_space<vmem>>[vector<16xi32>], vector<16xi32>,
        %mul3A_312 = arith.mulf %gather3A_277, %gather3A_80 : vector<16xf32>
        %swap3A_313 = arith.constant 14 : i32
        %swap3A_314 = arith.index_cast %swap3A_313 : i32 to index
        %swap3A_315 = arith.constant 0 : index
        %swap3A_316 = tpu.vector_load %arg20[%swap3A_314, %swap3A_315] {strides = array<i32>} : memref<36x16xf32, #tpu.memory_space<vmem>>, vector<16xf32>,
        tpu.vector_store %arg20[%swap3A_314, %swap3A_315], %mul3A_312 {strides = array<i32>} : memref<36x16xf32, #tpu.memory_space<vmem>>, vector<16xf32>,
        %get3A_317 = arith.constant 3 : i32
        %get3A_318 = arith.index_cast %get3A_317 : i32 to index
        %get3A_319 = arith.index_cast %mul3A_67 : i32 to index
        %get3A_320 = tpu.vector_load %arg14[%get3A_318, %get3A_319] {strides = array<i32>} : memref<6x2048xi32, #tpu.memory_space<vmem>>, vector<16xi32>,
        %add3A_321 = arith.addi %get3A_272, %get3A_320 : vector<16xi32>
        %add3A_322 = arith.constant 15 : i32
        %add3A_323 = vector.broadcast %add3A_322 : i32 to vector<16xi32>
        %add3A_324 = arith.addi %mul3A_24, %add3A_323 : vector<16xi32>
        tpu.vector_store_idx %arg18[%add3A_324], %add3A_321 : memref<576xi32, #tpu.memory_space<vmem>>[vector<16xi32>], vector<16xi32>,
        %mul3A_325 = arith.mulf %gather3A_277, %gather3A_85 : vector<16xf32>
        %swap3A_326 = arith.constant 15 : i32
        %swap3A_327 = arith.index_cast %swap3A_326 : i32 to index
        %swap3A_328 = arith.constant 0 : index
        %swap3A_329 = tpu.vector_load %arg20[%swap3A_327, %swap3A_328] {strides = array<i32>} : memref<36x16xf32, #tpu.memory_space<vmem>>, vector<16xf32>,
        tpu.vector_store %arg20[%swap3A_327, %swap3A_328], %mul3A_325 {strides = array<i32>} : memref<36x16xf32, #tpu.memory_space<vmem>>, vector<16xf32>,
        %get3A_330 = arith.constant 4 : i32
        %get3A_331 = arith.index_cast %get3A_330 : i32 to index
        %get3A_332 = arith.index_cast %mul3A_67 : i32 to index
        %get3A_333 = tpu.vector_load %arg14[%get3A_331, %get3A_332] {strides = array<i32>} : memref<6x2048xi32, #tpu.memory_space<vmem>>, vector<16xi32>,
        %add3A_334 = arith.addi %get3A_272, %get3A_333 : vector<16xi32>
        %add3A_335 = arith.constant 16 : i32
        %add3A_336 = vector.broadcast %add3A_335 : i32 to vector<16xi32>
        %add3A_337 = arith.addi %mul3A_24, %add3A_336 : vector<16xi32>
        tpu.vector_store_idx %arg18[%add3A_337], %add3A_334 : memref<576xi32, #tpu.memory_space<vmem>>[vector<16xi32>], vector<16xi32>,
        %mul3A_338 = arith.mulf %gather3A_277, %gather3A_90 : vector<16xf32>
        %swap3A_339 = arith.constant 16 : i32
        %swap3A_340 = arith.index_cast %swap3A_339 : i32 to index
        %swap3A_341 = arith.constant 0 : index
        %swap3A_342 = tpu.vector_load %arg20[%swap3A_340, %swap3A_341] {strides = array<i32>} : memref<36x16xf32, #tpu.memory_space<vmem>>, vector<16xf32>,
        tpu.vector_store %arg20[%swap3A_340, %swap3A_341], %mul3A_338 {strides = array<i32>} : memref<36x16xf32, #tpu.memory_space<vmem>>, vector<16xf32>,
        %get3A_343 = arith.constant 5 : i32
        %get3A_344 = arith.index_cast %get3A_343 : i32 to index
        %get3A_345 = arith.index_cast %mul3A_67 : i32 to index
        %get3A_346 = tpu.vector_load %arg14[%get3A_344, %get3A_345] {strides = array<i32>} : memref<6x2048xi32, #tpu.memory_space<vmem>>, vector<16xi32>,
        %add3A_347 = arith.addi %get3A_272, %get3A_346 : vector<16xi32>
        %add3A_348 = arith.constant 17 : i32
        %add3A_349 = vector.broadcast %add3A_348 : i32 to vector<16xi32>
        %add3A_350 = arith.addi %mul3A_24, %add3A_349 : vector<16xi32>
        tpu.vector_store_idx %arg18[%add3A_350], %add3A_347 : memref<576xi32, #tpu.memory_space<vmem>>[vector<16xi32>], vector<16xi32>,
        %mul3A_351 = arith.mulf %gather3A_277, %gather3A_95 : vector<16xf32>
        %swap3A_352 = arith.constant 17 : i32
        %swap3A_353 = arith.index_cast %swap3A_352 : i32 to index
        %swap3A_354 = arith.constant 0 : index
        %swap3A_355 = tpu.vector_load %arg20[%swap3A_353, %swap3A_354] {strides = array<i32>} : memref<36x16xf32, #tpu.memory_space<vmem>>, vector<16xf32>,
        tpu.vector_store %arg20[%swap3A_353, %swap3A_354], %mul3A_351 {strides = array<i32>} : memref<36x16xf32, #tpu.memory_space<vmem>>, vector<16xf32>,
        %get3A_356 = arith.constant 3 : i32
        %get3A_357 = arith.index_cast %get3A_356 : i32 to index
        %get3A_358 = arith.index_cast %mul3A_67 : i32 to index
        %get3A_359 = tpu.vector_load %arg13[%get3A_357, %get3A_358] {strides = array<i32>} : memref<6x2048xi32, #tpu.memory_space<vmem>>, vector<16xi32>,
        %get3A_360 = arith.constant 3 : i32
        %get3A_361 = arith.index_cast %get3A_360 : i32 to index
        %get3A_362 = arith.index_cast %mul3A_67 : i32 to index
        %get3A_363 = tpu.vector_load %arg15[%get3A_361, %get3A_362] {strides = array<i32>} : memref<6x2048xi32, #tpu.memory_space<vmem>>, vector<16xi32>,
        %gather3A_364 = tpu.vector_load_idx %arg11[%get3A_363] : memref<6152xf32, #tpu.memory_space<vmem>>[vector<16xi32>], vector<16xf32>,
        %get3A_365 = arith.constant 0 : i32
        %get3A_366 = arith.index_cast %get3A_365 : i32 to index
        %get3A_367 = arith.index_cast %mul3A_67 : i32 to index
        %get3A_368 = tpu.vector_load %arg14[%get3A_366, %get3A_367] {strides = array<i32>} : memref<6x2048xi32, #tpu.memory_space<vmem>>, vector<16xi32>,
        %add3A_369 = arith.addi %get3A_359, %get3A_368 : vector<16xi32>
        %add3A_370 = arith.constant 18 : i32
        %add3A_371 = vector.broadcast %add3A_370 : i32 to vector<16xi32>
        %add3A_372 = arith.addi %mul3A_24, %add3A_371 : vector<16xi32>
        tpu.vector_store_idx %arg18[%add3A_372], %add3A_369 : memref<576xi32, #tpu.memory_space<vmem>>[vector<16xi32>], vector<16xi32>,
        %mul3A_373 = arith.mulf %gather3A_364, %gather3A : vector<16xf32>
        %swap3A_374 = arith.constant 18 : i32
        %swap3A_375 = arith.index_cast %swap3A_374 : i32 to index
        %swap3A_376 = arith.constant 0 : index
        %swap3A_377 = tpu.vector_load %arg20[%swap3A_375, %swap3A_376] {strides = array<i32>} : memref<36x16xf32, #tpu.memory_space<vmem>>, vector<16xf32>,
        tpu.vector_store %arg20[%swap3A_375, %swap3A_376], %mul3A_373 {strides = array<i32>} : memref<36x16xf32, #tpu.memory_space<vmem>>, vector<16xf32>,
        %get3A_378 = arith.constant 1 : i32
        %get3A_379 = arith.index_cast %get3A_378 : i32 to index
        %get3A_380 = arith.index_cast %mul3A_67 : i32 to index
        %get3A_381 = tpu.vector_load %arg14[%get3A_379, %get3A_380] {strides = array<i32>} : memref<6x2048xi32, #tpu.memory_space<vmem>>, vector<16xi32>,
        %add3A_382 = arith.addi %get3A_359, %get3A_381 : vector<16xi32>
        %add3A_383 = arith.constant 19 : i32
        %add3A_384 = vector.broadcast %add3A_383 : i32 to vector<16xi32>
        %add3A_385 = arith.addi %mul3A_24, %add3A_384 : vector<16xi32>
        tpu.vector_store_idx %arg18[%add3A_385], %add3A_382 : memref<576xi32, #tpu.memory_space<vmem>>[vector<16xi32>], vector<16xi32>,
        %mul3A_386 = arith.mulf %gather3A_364, %gather3A_75 : vector<16xf32>
        %swap3A_387 = arith.constant 19 : i32
        %swap3A_388 = arith.index_cast %swap3A_387 : i32 to index
        %swap3A_389 = arith.constant 0 : index
        %swap3A_390 = tpu.vector_load %arg20[%swap3A_388, %swap3A_389] {strides = array<i32>} : memref<36x16xf32, #tpu.memory_space<vmem>>, vector<16xf32>,
        tpu.vector_store %arg20[%swap3A_388, %swap3A_389], %mul3A_386 {strides = array<i32>} : memref<36x16xf32, #tpu.memory_space<vmem>>, vector<16xf32>,
        %get3A_391 = arith.constant 2 : i32
        %get3A_392 = arith.index_cast %get3A_391 : i32 to index
        %get3A_393 = arith.index_cast %mul3A_67 : i32 to index
        %get3A_394 = tpu.vector_load %arg14[%get3A_392, %get3A_393] {strides = array<i32>} : memref<6x2048xi32, #tpu.memory_space<vmem>>, vector<16xi32>,
        %add3A_395 = arith.addi %get3A_359, %get3A_394 : vector<16xi32>
        %add3A_396 = arith.constant 20 : i32
        %add3A_397 = vector.broadcast %add3A_396 : i32 to vector<16xi32>
        %add3A_398 = arith.addi %mul3A_24, %add3A_397 : vector<16xi32>
        tpu.vector_store_idx %arg18[%add3A_398], %add3A_395 : memref<576xi32, #tpu.memory_space<vmem>>[vector<16xi32>], vector<16xi32>,
        %mul3A_399 = arith.mulf %gather3A_364, %gather3A_80 : vector<16xf32>
        %swap3A_400 = arith.constant 20 : i32
        %swap3A_401 = arith.index_cast %swap3A_400 : i32 to index
        %swap3A_402 = arith.constant 0 : index
        %swap3A_403 = tpu.vector_load %arg20[%swap3A_401, %swap3A_402] {strides = array<i32>} : memref<36x16xf32, #tpu.memory_space<vmem>>, vector<16xf32>,
        tpu.vector_store %arg20[%swap3A_401, %swap3A_402], %mul3A_399 {strides = array<i32>} : memref<36x16xf32, #tpu.memory_space<vmem>>, vector<16xf32>,
        %get3A_404 = arith.constant 3 : i32
        %get3A_405 = arith.index_cast %get3A_404 : i32 to index
        %get3A_406 = arith.index_cast %mul3A_67 : i32 to index
        %get3A_407 = tpu.vector_load %arg14[%get3A_405, %get3A_406] {strides = array<i32>} : memref<6x2048xi32, #tpu.memory_space<vmem>>, vector<16xi32>,
        %add3A_408 = arith.addi %get3A_359, %get3A_407 : vector<16xi32>
        %add3A_409 = arith.constant 21 : i32
        %add3A_410 = vector.broadcast %add3A_409 : i32 to vector<16xi32>
        %add3A_411 = arith.addi %mul3A_24, %add3A_410 : vector<16xi32>
        tpu.vector_store_idx %arg18[%add3A_411], %add3A_408 : memref<576xi32, #tpu.memory_space<vmem>>[vector<16xi32>], vector<16xi32>,
        %mul3A_412 = arith.mulf %gather3A_364, %gather3A_85 : vector<16xf32>
        %swap3A_413 = arith.constant 21 : i32
        %swap3A_414 = arith.index_cast %swap3A_413 : i32 to index
        %swap3A_415 = arith.constant 0 : index
        %swap3A_416 = tpu.vector_load %arg20[%swap3A_414, %swap3A_415] {strides = array<i32>} : memref<36x16xf32, #tpu.memory_space<vmem>>, vector<16xf32>,
        tpu.vector_store %arg20[%swap3A_414, %swap3A_415], %mul3A_412 {strides = array<i32>} : memref<36x16xf32, #tpu.memory_space<vmem>>, vector<16xf32>,
        %get3A_417 = arith.constant 4 : i32
        %get3A_418 = arith.index_cast %get3A_417 : i32 to index
        %get3A_419 = arith.index_cast %mul3A_67 : i32 to index
        %get3A_420 = tpu.vector_load %arg14[%get3A_418, %get3A_419] {strides = array<i32>} : memref<6x2048xi32, #tpu.memory_space<vmem>>, vector<16xi32>,
        %add3A_421 = arith.addi %get3A_359, %get3A_420 : vector<16xi32>
        %add3A_422 = arith.constant 22 : i32
        %add3A_423 = vector.broadcast %add3A_422 : i32 to vector<16xi32>
        %add3A_424 = arith.addi %mul3A_24, %add3A_423 : vector<16xi32>
        tpu.vector_store_idx %arg18[%add3A_424], %add3A_421 : memref<576xi32, #tpu.memory_space<vmem>>[vector<16xi32>], vector<16xi32>,
        %mul3A_425 = arith.mulf %gather3A_364, %gather3A_90 : vector<16xf32>
        %swap3A_426 = arith.constant 22 : i32
        %swap3A_427 = arith.index_cast %swap3A_426 : i32 to index
        %swap3A_428 = arith.constant 0 : index
        %swap3A_429 = tpu.vector_load %arg20[%swap3A_427, %swap3A_428] {strides = array<i32>} : memref<36x16xf32, #tpu.memory_space<vmem>>, vector<16xf32>,
        tpu.vector_store %arg20[%swap3A_427, %swap3A_428], %mul3A_425 {strides = array<i32>} : memref<36x16xf32, #tpu.memory_space<vmem>>, vector<16xf32>,
        %get3A_430 = arith.constant 5 : i32
        %get3A_431 = arith.index_cast %get3A_430 : i32 to index
        %get3A_432 = arith.index_cast %mul3A_67 : i32 to index
        %get3A_433 = tpu.vector_load %arg14[%get3A_431, %get3A_432] {strides = array<i32>} : memref<6x2048xi32, #tpu.memory_space<vmem>>, vector<16xi32>,
        %add3A_434 = arith.addi %get3A_359, %get3A_433 : vector<16xi32>
        %add3A_435 = arith.constant 23 : i32
        %add3A_436 = vector.broadcast %add3A_435 : i32 to vector<16xi32>
        %add3A_437 = arith.addi %mul3A_24, %add3A_436 : vector<16xi32>
        tpu.vector_store_idx %arg18[%add3A_437], %add3A_434 : memref<576xi32, #tpu.memory_space<vmem>>[vector<16xi32>], vector<16xi32>,
        %mul3A_438 = arith.mulf %gather3A_364, %gather3A_95 : vector<16xf32>
        %swap3A_439 = arith.constant 23 : i32
        %swap3A_440 = arith.index_cast %swap3A_439 : i32 to index
        %swap3A_441 = arith.constant 0 : index
        %swap3A_442 = tpu.vector_load %arg20[%swap3A_440, %swap3A_441] {strides = array<i32>} : memref<36x16xf32, #tpu.memory_space<vmem>>, vector<16xf32>,
        tpu.vector_store %arg20[%swap3A_440, %swap3A_441], %mul3A_438 {strides = array<i32>} : memref<36x16xf32, #tpu.memory_space<vmem>>, vector<16xf32>,
        %get3A_443 = arith.constant 4 : i32
        %get3A_444 = arith.index_cast %get3A_443 : i32 to index
        %get3A_445 = arith.index_cast %mul3A_67 : i32 to index
        %get3A_446 = tpu.vector_load %arg13[%get3A_444, %get3A_445] {strides = array<i32>} : memref<6x2048xi32, #tpu.memory_space<vmem>>, vector<16xi32>,
        %get3A_447 = arith.constant 4 : i32
        %get3A_448 = arith.index_cast %get3A_447 : i32 to index
        %get3A_449 = arith.index_cast %mul3A_67 : i32 to index
        %get3A_450 = tpu.vector_load %arg15[%get3A_448, %get3A_449] {strides = array<i32>} : memref<6x2048xi32, #tpu.memory_space<vmem>>, vector<16xi32>,
        %gather3A_451 = tpu.vector_load_idx %arg11[%get3A_450] : memref<6152xf32, #tpu.memory_space<vmem>>[vector<16xi32>], vector<16xf32>,
        %get3A_452 = arith.constant 0 : i32
        %get3A_453 = arith.index_cast %get3A_452 : i32 to index
        %get3A_454 = arith.index_cast %mul3A_67 : i32 to index
        %get3A_455 = tpu.vector_load %arg14[%get3A_453, %get3A_454] {strides = array<i32>} : memref<6x2048xi32, #tpu.memory_space<vmem>>, vector<16xi32>,
        %add3A_456 = arith.addi %get3A_446, %get3A_455 : vector<16xi32>
        %add3A_457 = arith.constant 24 : i32
        %add3A_458 = vector.broadcast %add3A_457 : i32 to vector<16xi32>
        %add3A_459 = arith.addi %mul3A_24, %add3A_458 : vector<16xi32>
        tpu.vector_store_idx %arg18[%add3A_459], %add3A_456 : memref<576xi32, #tpu.memory_space<vmem>>[vector<16xi32>], vector<16xi32>,
        %mul3A_460 = arith.mulf %gather3A_451, %gather3A : vector<16xf32>
        %swap3A_461 = arith.constant 24 : i32
        %swap3A_462 = arith.index_cast %swap3A_461 : i32 to index
        %swap3A_463 = arith.constant 0 : index
        %swap3A_464 = tpu.vector_load %arg20[%swap3A_462, %swap3A_463] {strides = array<i32>} : memref<36x16xf32, #tpu.memory_space<vmem>>, vector<16xf32>,
        tpu.vector_store %arg20[%swap3A_462, %swap3A_463], %mul3A_460 {strides = array<i32>} : memref<36x16xf32, #tpu.memory_space<vmem>>, vector<16xf32>,
        %get3A_465 = arith.constant 1 : i32
        %get3A_466 = arith.index_cast %get3A_465 : i32 to index
        %get3A_467 = arith.index_cast %mul3A_67 : i32 to index
        %get3A_468 = tpu.vector_load %arg14[%get3A_466, %get3A_467] {strides = array<i32>} : memref<6x2048xi32, #tpu.memory_space<vmem>>, vector<16xi32>,
        %add3A_469 = arith.addi %get3A_446, %get3A_468 : vector<16xi32>
        %add3A_470 = arith.constant 25 : i32
        %add3A_471 = vector.broadcast %add3A_470 : i32 to vector<16xi32>
        %add3A_472 = arith.addi %mul3A_24, %add3A_471 : vector<16xi32>
        tpu.vector_store_idx %arg18[%add3A_472], %add3A_469 : memref<576xi32, #tpu.memory_space<vmem>>[vector<16xi32>], vector<16xi32>,
        %mul3A_473 = arith.mulf %gather3A_451, %gather3A_75 : vector<16xf32>
        %swap3A_474 = arith.constant 25 : i32
        %swap3A_475 = arith.index_cast %swap3A_474 : i32 to index
        %swap3A_476 = arith.constant 0 : index
        %swap3A_477 = tpu.vector_load %arg20[%swap3A_475, %swap3A_476] {strides = array<i32>} : memref<36x16xf32, #tpu.memory_space<vmem>>, vector<16xf32>,
        tpu.vector_store %arg20[%swap3A_475, %swap3A_476], %mul3A_473 {strides = array<i32>} : memref<36x16xf32, #tpu.memory_space<vmem>>, vector<16xf32>,
        %get3A_478 = arith.constant 2 : i32
        %get3A_479 = arith.index_cast %get3A_478 : i32 to index
        %get3A_480 = arith.index_cast %mul3A_67 : i32 to index
        %get3A_481 = tpu.vector_load %arg14[%get3A_479, %get3A_480] {strides = array<i32>} : memref<6x2048xi32, #tpu.memory_space<vmem>>, vector<16xi32>,
        %add3A_482 = arith.addi %get3A_446, %get3A_481 : vector<16xi32>
        %add3A_483 = arith.constant 26 : i32
        %add3A_484 = vector.broadcast %add3A_483 : i32 to vector<16xi32>
        %add3A_485 = arith.addi %mul3A_24, %add3A_484 : vector<16xi32>
        tpu.vector_store_idx %arg18[%add3A_485], %add3A_482 : memref<576xi32, #tpu.memory_space<vmem>>[vector<16xi32>], vector<16xi32>,
        %mul3A_486 = arith.mulf %gather3A_451, %gather3A_80 : vector<16xf32>
        %swap3A_487 = arith.constant 26 : i32
        %swap3A_488 = arith.index_cast %swap3A_487 : i32 to index
        %swap3A_489 = arith.constant 0 : index
        %swap3A_490 = tpu.vector_load %arg20[%swap3A_488, %swap3A_489] {strides = array<i32>} : memref<36x16xf32, #tpu.memory_space<vmem>>, vector<16xf32>,
        tpu.vector_store %arg20[%swap3A_488, %swap3A_489], %mul3A_486 {strides = array<i32>} : memref<36x16xf32, #tpu.memory_space<vmem>>, vector<16xf32>,
        %get3A_491 = arith.constant 3 : i32
        %get3A_492 = arith.index_cast %get3A_491 : i32 to index
        %get3A_493 = arith.index_cast %mul3A_67 : i32 to index
        %get3A_494 = tpu.vector_load %arg14[%get3A_492, %get3A_493] {strides = array<i32>} : memref<6x2048xi32, #tpu.memory_space<vmem>>, vector<16xi32>,
        %add3A_495 = arith.addi %get3A_446, %get3A_494 : vector<16xi32>
        %add3A_496 = arith.constant 27 : i32
        %add3A_497 = vector.broadcast %add3A_496 : i32 to vector<16xi32>
        %add3A_498 = arith.addi %mul3A_24, %add3A_497 : vector<16xi32>
        tpu.vector_store_idx %arg18[%add3A_498], %add3A_495 : memref<576xi32, #tpu.memory_space<vmem>>[vector<16xi32>], vector<16xi32>,
        %mul3A_499 = arith.mulf %gather3A_451, %gather3A_85 : vector<16xf32>
        %swap3A_500 = arith.constant 27 : i32
        %swap3A_501 = arith.index_cast %swap3A_500 : i32 to index
        %swap3A_502 = arith.constant 0 : index
        %swap3A_503 = tpu.vector_load %arg20[%swap3A_501, %swap3A_502] {strides = array<i32>} : memref<36x16xf32, #tpu.memory_space<vmem>>, vector<16xf32>,
        tpu.vector_store %arg20[%swap3A_501, %swap3A_502], %mul3A_499 {strides = array<i32>} : memref<36x16xf32, #tpu.memory_space<vmem>>, vector<16xf32>,
        %get3A_504 = arith.constant 4 : i32
        %get3A_505 = arith.index_cast %get3A_504 : i32 to index
        %get3A_506 = arith.index_cast %mul3A_67 : i32 to index
        %get3A_507 = tpu.vector_load %arg14[%get3A_505, %get3A_506] {strides = array<i32>} : memref<6x2048xi32, #tpu.memory_space<vmem>>, vector<16xi32>,
        %add3A_508 = arith.addi %get3A_446, %get3A_507 : vector<16xi32>
        %add3A_509 = arith.constant 28 : i32
        %add3A_510 = vector.broadcast %add3A_509 : i32 to vector<16xi32>
        %add3A_511 = arith.addi %mul3A_24, %add3A_510 : vector<16xi32>
        tpu.vector_store_idx %arg18[%add3A_511], %add3A_508 : memref<576xi32, #tpu.memory_space<vmem>>[vector<16xi32>], vector<16xi32>,
        %mul3A_512 = arith.mulf %gather3A_451, %gather3A_90 : vector<16xf32>
        %swap3A_513 = arith.constant 28 : i32
        %swap3A_514 = arith.index_cast %swap3A_513 : i32 to index
        %swap3A_515 = arith.constant 0 : index
        %swap3A_516 = tpu.vector_load %arg20[%swap3A_514, %swap3A_515] {strides = array<i32>} : memref<36x16xf32, #tpu.memory_space<vmem>>, vector<16xf32>,
        tpu.vector_store %arg20[%swap3A_514, %swap3A_515], %mul3A_512 {strides = array<i32>} : memref<36x16xf32, #tpu.memory_space<vmem>>, vector<16xf32>,
        %get3A_517 = arith.constant 5 : i32
        %get3A_518 = arith.index_cast %get3A_517 : i32 to index
        %get3A_519 = arith.index_cast %mul3A_67 : i32 to index
        %get3A_520 = tpu.vector_load %arg14[%get3A_518, %get3A_519] {strides = array<i32>} : memref<6x2048xi32, #tpu.memory_space<vmem>>, vector<16xi32>,
        %add3A_521 = arith.addi %get3A_446, %get3A_520 : vector<16xi32>
        %add3A_522 = arith.constant 29 : i32
        %add3A_523 = vector.broadcast %add3A_522 : i32 to vector<16xi32>
        %add3A_524 = arith.addi %mul3A_24, %add3A_523 : vector<16xi32>
        tpu.vector_store_idx %arg18[%add3A_524], %add3A_521 : memref<576xi32, #tpu.memory_space<vmem>>[vector<16xi32>], vector<16xi32>,
        %mul3A_525 = arith.mulf %gather3A_451, %gather3A_95 : vector<16xf32>
        %swap3A_526 = arith.constant 29 : i32
        %swap3A_527 = arith.index_cast %swap3A_526 : i32 to index
        %swap3A_528 = arith.constant 0 : index
        %swap3A_529 = tpu.vector_load %arg20[%swap3A_527, %swap3A_528] {strides = array<i32>} : memref<36x16xf32, #tpu.memory_space<vmem>>, vector<16xf32>,
        tpu.vector_store %arg20[%swap3A_527, %swap3A_528], %mul3A_525 {strides = array<i32>} : memref<36x16xf32, #tpu.memory_space<vmem>>, vector<16xf32>,
        %get3A_530 = arith.constant 5 : i32
        %get3A_531 = arith.index_cast %get3A_530 : i32 to index
        %get3A_532 = arith.index_cast %mul3A_67 : i32 to index
        %get3A_533 = tpu.vector_load %arg13[%get3A_531, %get3A_532] {strides = array<i32>} : memref<6x2048xi32, #tpu.memory_space<vmem>>, vector<16xi32>,
        %get3A_534 = arith.constant 5 : i32
        %get3A_535 = arith.index_cast %get3A_534 : i32 to index
        %get3A_536 = arith.index_cast %mul3A_67 : i32 to index
        %get3A_537 = tpu.vector_load %arg15[%get3A_535, %get3A_536] {strides = array<i32>} : memref<6x2048xi32, #tpu.memory_space<vmem>>, vector<16xi32>,
        %gather3A_538 = tpu.vector_load_idx %arg11[%get3A_537] : memref<6152xf32, #tpu.memory_space<vmem>>[vector<16xi32>], vector<16xf32>,
        %get3A_539 = arith.constant 0 : i32
        %get3A_540 = arith.index_cast %get3A_539 : i32 to index
        %get3A_541 = arith.index_cast %mul3A_67 : i32 to index
        %get3A_542 = tpu.vector_load %arg14[%get3A_540, %get3A_541] {strides = array<i32>} : memref<6x2048xi32, #tpu.memory_space<vmem>>, vector<16xi32>,
        %add3A_543 = arith.addi %get3A_533, %get3A_542 : vector<16xi32>
        %add3A_544 = arith.constant 30 : i32
        %add3A_545 = vector.broadcast %add3A_544 : i32 to vector<16xi32>
        %add3A_546 = arith.addi %mul3A_24, %add3A_545 : vector<16xi32>
        tpu.vector_store_idx %arg18[%add3A_546], %add3A_543 : memref<576xi32, #tpu.memory_space<vmem>>[vector<16xi32>], vector<16xi32>,
        %mul3A_547 = arith.mulf %gather3A_538, %gather3A : vector<16xf32>
        %swap3A_548 = arith.constant 30 : i32
        %swap3A_549 = arith.index_cast %swap3A_548 : i32 to index
        %swap3A_550 = arith.constant 0 : index
        %swap3A_551 = tpu.vector_load %arg20[%swap3A_549, %swap3A_550] {strides = array<i32>} : memref<36x16xf32, #tpu.memory_space<vmem>>, vector<16xf32>,
        tpu.vector_store %arg20[%swap3A_549, %swap3A_550], %mul3A_547 {strides = array<i32>} : memref<36x16xf32, #tpu.memory_space<vmem>>, vector<16xf32>,
        %get3A_552 = arith.constant 1 : i32
        %get3A_553 = arith.index_cast %get3A_552 : i32 to index
        %get3A_554 = arith.index_cast %mul3A_67 : i32 to index
        %get3A_555 = tpu.vector_load %arg14[%get3A_553, %get3A_554] {strides = array<i32>} : memref<6x2048xi32, #tpu.memory_space<vmem>>, vector<16xi32>,
        %add3A_556 = arith.addi %get3A_533, %get3A_555 : vector<16xi32>
        %add3A_557 = arith.constant 31 : i32
        %add3A_558 = vector.broadcast %add3A_557 : i32 to vector<16xi32>
        %add3A_559 = arith.addi %mul3A_24, %add3A_558 : vector<16xi32>
        tpu.vector_store_idx %arg18[%add3A_559], %add3A_556 : memref<576xi32, #tpu.memory_space<vmem>>[vector<16xi32>], vector<16xi32>,
        %mul3A_560 = arith.mulf %gather3A_538, %gather3A_75 : vector<16xf32>
        %swap3A_561 = arith.constant 31 : i32
        %swap3A_562 = arith.index_cast %swap3A_561 : i32 to index
        %swap3A_563 = arith.constant 0 : index
        %swap3A_564 = tpu.vector_load %arg20[%swap3A_562, %swap3A_563] {strides = array<i32>} : memref<36x16xf32, #tpu.memory_space<vmem>>, vector<16xf32>,
        tpu.vector_store %arg20[%swap3A_562, %swap3A_563], %mul3A_560 {strides = array<i32>} : memref<36x16xf32, #tpu.memory_space<vmem>>, vector<16xf32>,
        %get3A_565 = arith.constant 2 : i32
        %get3A_566 = arith.index_cast %get3A_565 : i32 to index
        %get3A_567 = arith.index_cast %mul3A_67 : i32 to index
        %get3A_568 = tpu.vector_load %arg14[%get3A_566, %get3A_567] {strides = array<i32>} : memref<6x2048xi32, #tpu.memory_space<vmem>>, vector<16xi32>,
        %add3A_569 = arith.addi %get3A_533, %get3A_568 : vector<16xi32>
        %add3A_570 = arith.constant 32 : i32
        %add3A_571 = vector.broadcast %add3A_570 : i32 to vector<16xi32>
        %add3A_572 = arith.addi %mul3A_24, %add3A_571 : vector<16xi32>
        tpu.vector_store_idx %arg18[%add3A_572], %add3A_569 : memref<576xi32, #tpu.memory_space<vmem>>[vector<16xi32>], vector<16xi32>,
        %mul3A_573 = arith.mulf %gather3A_538, %gather3A_80 : vector<16xf32>
        %swap3A_574 = arith.constant 32 : i32
        %swap3A_575 = arith.index_cast %swap3A_574 : i32 to index
        %swap3A_576 = arith.constant 0 : index
        %swap3A_577 = tpu.vector_load %arg20[%swap3A_575, %swap3A_576] {strides = array<i32>} : memref<36x16xf32, #tpu.memory_space<vmem>>, vector<16xf32>,
        tpu.vector_store %arg20[%swap3A_575, %swap3A_576], %mul3A_573 {strides = array<i32>} : memref<36x16xf32, #tpu.memory_space<vmem>>, vector<16xf32>,
        %get3A_578 = arith.constant 3 : i32
        %get3A_579 = arith.index_cast %get3A_578 : i32 to index
        %get3A_580 = arith.index_cast %mul3A_67 : i32 to index
        %get3A_581 = tpu.vector_load %arg14[%get3A_579, %get3A_580] {strides = array<i32>} : memref<6x2048xi32, #tpu.memory_space<vmem>>, vector<16xi32>,
        %add3A_582 = arith.addi %get3A_533, %get3A_581 : vector<16xi32>
        %add3A_583 = arith.constant 33 : i32
        %add3A_584 = vector.broadcast %add3A_583 : i32 to vector<16xi32>
        %add3A_585 = arith.addi %mul3A_24, %add3A_584 : vector<16xi32>
        tpu.vector_store_idx %arg18[%add3A_585], %add3A_582 : memref<576xi32, #tpu.memory_space<vmem>>[vector<16xi32>], vector<16xi32>,
        %mul3A_586 = arith.mulf %gather3A_538, %gather3A_85 : vector<16xf32>
        %swap3A_587 = arith.constant 33 : i32
        %swap3A_588 = arith.index_cast %swap3A_587 : i32 to index
        %swap3A_589 = arith.constant 0 : index
        %swap3A_590 = tpu.vector_load %arg20[%swap3A_588, %swap3A_589] {strides = array<i32>} : memref<36x16xf32, #tpu.memory_space<vmem>>, vector<16xf32>,
        tpu.vector_store %arg20[%swap3A_588, %swap3A_589], %mul3A_586 {strides = array<i32>} : memref<36x16xf32, #tpu.memory_space<vmem>>, vector<16xf32>,
        %get3A_591 = arith.constant 4 : i32
        %get3A_592 = arith.index_cast %get3A_591 : i32 to index
        %get3A_593 = arith.index_cast %mul3A_67 : i32 to index
        %get3A_594 = tpu.vector_load %arg14[%get3A_592, %get3A_593] {strides = array<i32>} : memref<6x2048xi32, #tpu.memory_space<vmem>>, vector<16xi32>,
        %add3A_595 = arith.addi %get3A_533, %get3A_594 : vector<16xi32>
        %add3A_596 = arith.constant 34 : i32
        %add3A_597 = vector.broadcast %add3A_596 : i32 to vector<16xi32>
        %add3A_598 = arith.addi %mul3A_24, %add3A_597 : vector<16xi32>
        tpu.vector_store_idx %arg18[%add3A_598], %add3A_595 : memref<576xi32, #tpu.memory_space<vmem>>[vector<16xi32>], vector<16xi32>,
        %mul3A_599 = arith.mulf %gather3A_538, %gather3A_90 : vector<16xf32>
        %swap3A_600 = arith.constant 34 : i32
        %swap3A_601 = arith.index_cast %swap3A_600 : i32 to index
        %swap3A_602 = arith.constant 0 : index
        %swap3A_603 = tpu.vector_load %arg20[%swap3A_601, %swap3A_602] {strides = array<i32>} : memref<36x16xf32, #tpu.memory_space<vmem>>, vector<16xf32>,
        tpu.vector_store %arg20[%swap3A_601, %swap3A_602], %mul3A_599 {strides = array<i32>} : memref<36x16xf32, #tpu.memory_space<vmem>>, vector<16xf32>,
        %get3A_604 = arith.constant 5 : i32
        %get3A_605 = arith.index_cast %get3A_604 : i32 to index
        %get3A_606 = arith.index_cast %mul3A_67 : i32 to index
        %get3A_607 = tpu.vector_load %arg14[%get3A_605, %get3A_606] {strides = array<i32>} : memref<6x2048xi32, #tpu.memory_space<vmem>>, vector<16xi32>,
        %add3A_608 = arith.addi %get3A_533, %get3A_607 : vector<16xi32>
        %add3A_609 = arith.constant 35 : i32
        %add3A_610 = vector.broadcast %add3A_609 : i32 to vector<16xi32>
        %add3A_611 = arith.addi %mul3A_24, %add3A_610 : vector<16xi32>
        tpu.vector_store_idx %arg18[%add3A_611], %add3A_608 : memref<576xi32, #tpu.memory_space<vmem>>[vector<16xi32>], vector<16xi32>,
        %mul3A_612 = arith.mulf %gather3A_538, %gather3A_95 : vector<16xf32>
        %swap3A_613 = arith.constant 35 : i32
        %swap3A_614 = arith.index_cast %swap3A_613 : i32 to index
        %swap3A_615 = arith.constant 0 : index
        %swap3A_616 = tpu.vector_load %arg20[%swap3A_614, %swap3A_615] {strides = array<i32>} : memref<36x16xf32, #tpu.memory_space<vmem>>, vector<16xf32>,
        tpu.vector_store %arg20[%swap3A_614, %swap3A_615], %mul3A_612 {strides = array<i32>} : memref<36x16xf32, #tpu.memory_space<vmem>>, vector<16xf32>,
        %dma_start3A = arith.constant 0 : i32
        %dma_start3A_617 = arith.constant 0 : i32
        %dma_start3A_618 = tpu.memref_slice %arg19[%dma_start3A, %dma_start3A_617] : memref<576x16xf32, #tpu.memory_space<vmem>> -> memref<96x16xf32, #tpu.memory_space<vmem>>
        %dma_start3A_619 = arith.constant 0 : i32
        %dma_start3A_620 = tpu.memref_slice %arg18[%dma_start3A_619] : memref<576xi32, #tpu.memory_space<vmem>> -> memref<96xi32, #tpu.memory_space<vmem>>
        %dma_start3A_621 = arith.constant 0 : i32
        %dma_start3A_622 = arith.constant 0 : i32
        %dma_start3A_623 = tpu.memref_slice %arg2[%dma_start3A_621, %dma_start3A_622] : memref<524288x16xf32, #tpu.memory_space<hbm>> -> memref<524288x16xf32, #tpu.memory_space<hbm>>
        tpu.enqueue_indirect_dma source(%dma_start3A_623 : memref<524288x16xf32, #tpu.memory_space<hbm>>) target(%dma_start3A_618 : memref<96x16xf32, #tpu.memory_space<vmem>>) offsets(%dma_start3A_620 : memref<96xi32, #tpu.memory_space<vmem>>) semaphore(%arg23 : memref<!tpu.dma_semaphore, #tpu.memory_space<semaphore_mem>>)
        %dma_start3A_624 = arith.constant 96 : i32
        %dma_start3A_625 = arith.constant 0 : i32
        %dma_start3A_626 = tpu.memref_slice %arg19[%dma_start3A_624, %dma_start3A_625] : memref<576x16xf32, #tpu.memory_space<vmem>> -> memref<96x16xf32, #tpu.memory_space<vmem>>
        %dma_start3A_627 = arith.constant 96 : i32
        %dma_start3A_628 = tpu.memref_slice %arg18[%dma_start3A_627] : memref<576xi32, #tpu.memory_space<vmem>> -> memref<96xi32, #tpu.memory_space<vmem>>
        %dma_start3A_629 = arith.constant 0 : i32
        %dma_start3A_630 = arith.constant 0 : i32
        %dma_start3A_631 = tpu.memref_slice %arg2[%dma_start3A_629, %dma_start3A_630] : memref<524288x16xf32, #tpu.memory_space<hbm>> -> memref<524288x16xf32, #tpu.memory_space<hbm>>
        tpu.enqueue_indirect_dma source(%dma_start3A_631 : memref<524288x16xf32, #tpu.memory_space<hbm>>) target(%dma_start3A_626 : memref<96x16xf32, #tpu.memory_space<vmem>>) offsets(%dma_start3A_628 : memref<96xi32, #tpu.memory_space<vmem>>) semaphore(%arg23 : memref<!tpu.dma_semaphore, #tpu.memory_space<semaphore_mem>>)
        %dma_start3A_632 = arith.constant 192 : i32
        %dma_start3A_633 = arith.constant 0 : i32
        %dma_start3A_634 = tpu.memref_slice %arg19[%dma_start3A_632, %dma_start3A_633] : memref<576x16xf32, #tpu.memory_space<vmem>> -> memref<96x16xf32, #tpu.memory_space<vmem>>
        %dma_start3A_635 = arith.constant 192 : i32
        %dma_start3A_636 = tpu.memref_slice %arg18[%dma_start3A_635] : memref<576xi32, #tpu.memory_space<vmem>> -> memref<96xi32, #tpu.memory_space<vmem>>
        %dma_start3A_637 = arith.constant 0 : i32
        %dma_start3A_638 = arith.constant 0 : i32
        %dma_start3A_639 = tpu.memref_slice %arg2[%dma_start3A_637, %dma_start3A_638] : memref<524288x16xf32, #tpu.memory_space<hbm>> -> memref<524288x16xf32, #tpu.memory_space<hbm>>
        tpu.enqueue_indirect_dma source(%dma_start3A_639 : memref<524288x16xf32, #tpu.memory_space<hbm>>) target(%dma_start3A_634 : memref<96x16xf32, #tpu.memory_space<vmem>>) offsets(%dma_start3A_636 : memref<96xi32, #tpu.memory_space<vmem>>) semaphore(%arg23 : memref<!tpu.dma_semaphore, #tpu.memory_space<semaphore_mem>>)
        %dma_start3A_640 = arith.constant 288 : i32
        %dma_start3A_641 = arith.constant 0 : i32
        %dma_start3A_642 = tpu.memref_slice %arg19[%dma_start3A_640, %dma_start3A_641] : memref<576x16xf32, #tpu.memory_space<vmem>> -> memref<96x16xf32, #tpu.memory_space<vmem>>
        %dma_start3A_643 = arith.constant 288 : i32
        %dma_start3A_644 = tpu.memref_slice %arg18[%dma_start3A_643] : memref<576xi32, #tpu.memory_space<vmem>> -> memref<96xi32, #tpu.memory_space<vmem>>
        %dma_start3A_645 = arith.constant 0 : i32
        %dma_start3A_646 = arith.constant 0 : i32
        %dma_start3A_647 = tpu.memref_slice %arg2[%dma_start3A_645, %dma_start3A_646] : memref<524288x16xf32, #tpu.memory_space<hbm>> -> memref<524288x16xf32, #tpu.memory_space<hbm>>
        tpu.enqueue_indirect_dma source(%dma_start3A_647 : memref<524288x16xf32, #tpu.memory_space<hbm>>) target(%dma_start3A_642 : memref<96x16xf32, #tpu.memory_space<vmem>>) offsets(%dma_start3A_644 : memref<96xi32, #tpu.memory_space<vmem>>) semaphore(%arg23 : memref<!tpu.dma_semaphore, #tpu.memory_space<semaphore_mem>>)
        %dma_start3A_648 = arith.constant 384 : i32
        %dma_start3A_649 = arith.constant 0 : i32
        %dma_start3A_650 = tpu.memref_slice %arg19[%dma_start3A_648, %dma_start3A_649] : memref<576x16xf32, #tpu.memory_space<vmem>> -> memref<96x16xf32, #tpu.memory_space<vmem>>
        %dma_start3A_651 = arith.constant 384 : i32
        %dma_start3A_652 = tpu.memref_slice %arg18[%dma_start3A_651] : memref<576xi32, #tpu.memory_space<vmem>> -> memref<96xi32, #tpu.memory_space<vmem>>
        %dma_start3A_653 = arith.constant 0 : i32
        %dma_start3A_654 = arith.constant 0 : i32
        %dma_start3A_655 = tpu.memref_slice %arg2[%dma_start3A_653, %dma_start3A_654] : memref<524288x16xf32, #tpu.memory_space<hbm>> -> memref<524288x16xf32, #tpu.memory_space<hbm>>
        tpu.enqueue_indirect_dma source(%dma_start3A_655 : memref<524288x16xf32, #tpu.memory_space<hbm>>) target(%dma_start3A_650 : memref<96x16xf32, #tpu.memory_space<vmem>>) offsets(%dma_start3A_652 : memref<96xi32, #tpu.memory_space<vmem>>) semaphore(%arg23 : memref<!tpu.dma_semaphore, #tpu.memory_space<semaphore_mem>>)
        %dma_start3A_656 = arith.constant 480 : i32
        %dma_start3A_657 = arith.constant 0 : i32
        %dma_start3A_658 = tpu.memref_slice %arg19[%dma_start3A_656, %dma_start3A_657] : memref<576x16xf32, #tpu.memory_space<vmem>> -> memref<96x16xf32, #tpu.memory_space<vmem>>
        %dma_start3A_659 = arith.constant 480 : i32
        %dma_start3A_660 = tpu.memref_slice %arg18[%dma_start3A_659] : memref<576xi32, #tpu.memory_space<vmem>> -> memref<96xi32, #tpu.memory_space<vmem>>
        %dma_start3A_661 = arith.constant 0 : i32
        %dma_start3A_662 = arith.constant 0 : i32
        %dma_start3A_663 = tpu.memref_slice %arg2[%dma_start3A_661, %dma_start3A_662] : memref<524288x16xf32, #tpu.memory_space<hbm>> -> memref<524288x16xf32, #tpu.memory_space<hbm>>
        tpu.enqueue_indirect_dma source(%dma_start3A_663 : memref<524288x16xf32, #tpu.memory_space<hbm>>) target(%dma_start3A_658 : memref<96x16xf32, #tpu.memory_space<vmem>>) offsets(%dma_start3A_660 : memref<96xi32, #tpu.memory_space<vmem>>) semaphore(%arg23 : memref<!tpu.dma_semaphore, #tpu.memory_space<semaphore_mem>>)
        %dma_wait3A = arith.constant 0 : i32
        %dma_wait3A_664 = arith.constant 0 : i32
        %dma_wait3A_665 = tpu.memref_slice %arg19[%dma_wait3A, %dma_wait3A_664] : memref<576x16xf32, #tpu.memory_space<vmem>> -> memref<96x16xf32, #tpu.memory_space<vmem>>
        %dma_wait3A_666 = arith.constant 0 : i32
        %dma_wait3A_667 = tpu.memref_slice %arg18[%dma_wait3A_666] : memref<576xi32, #tpu.memory_space<vmem>> -> memref<96xi32, #tpu.memory_space<vmem>>
        %dma_wait3A_668 = arith.constant 0 : i32
        %dma_wait3A_669 = arith.constant 0 : i32
        %dma_wait3A_670 = tpu.memref_slice %arg2[%dma_wait3A_668, %dma_wait3A_669] : memref<524288x16xf32, #tpu.memory_space<hbm>> -> memref<524288x16xf32, #tpu.memory_space<hbm>>
        tpu.wait_indirect_dma semaphore(%arg23 : memref<!tpu.dma_semaphore, #tpu.memory_space<semaphore_mem>>) src(%dma_wait3A_670 : memref<524288x16xf32, #tpu.memory_space<hbm>>) dst(%dma_wait3A_665 : memref<96x16xf32, #tpu.memory_space<vmem>>)
        %dma_wait3A_671 = arith.constant 96 : i32
        %dma_wait3A_672 = arith.constant 0 : i32
        %dma_wait3A_673 = tpu.memref_slice %arg19[%dma_wait3A_671, %dma_wait3A_672] : memref<576x16xf32, #tpu.memory_space<vmem>> -> memref<96x16xf32, #tpu.memory_space<vmem>>
        %dma_wait3A_674 = arith.constant 96 : i32
        %dma_wait3A_675 = tpu.memref_slice %arg18[%dma_wait3A_674] : memref<576xi32, #tpu.memory_space<vmem>> -> memref<96xi32, #tpu.memory_space<vmem>>
        %dma_wait3A_676 = arith.constant 0 : i32
        %dma_wait3A_677 = arith.constant 0 : i32
        %dma_wait3A_678 = tpu.memref_slice %arg2[%dma_wait3A_676, %dma_wait3A_677] : memref<524288x16xf32, #tpu.memory_space<hbm>> -> memref<524288x16xf32, #tpu.memory_space<hbm>>
        tpu.wait_indirect_dma semaphore(%arg23 : memref<!tpu.dma_semaphore, #tpu.memory_space<semaphore_mem>>) src(%dma_wait3A_678 : memref<524288x16xf32, #tpu.memory_space<hbm>>) dst(%dma_wait3A_673 : memref<96x16xf32, #tpu.memory_space<vmem>>)
        %dma_wait3A_679 = arith.constant 192 : i32
        %dma_wait3A_680 = arith.constant 0 : i32
        %dma_wait3A_681 = tpu.memref_slice %arg19[%dma_wait3A_679, %dma_wait3A_680] : memref<576x16xf32, #tpu.memory_space<vmem>> -> memref<96x16xf32, #tpu.memory_space<vmem>>
        %dma_wait3A_682 = arith.constant 192 : i32
        %dma_wait3A_683 = tpu.memref_slice %arg18[%dma_wait3A_682] : memref<576xi32, #tpu.memory_space<vmem>> -> memref<96xi32, #tpu.memory_space<vmem>>
        %dma_wait3A_684 = arith.constant 0 : i32
        %dma_wait3A_685 = arith.constant 0 : i32
        %dma_wait3A_686 = tpu.memref_slice %arg2[%dma_wait3A_684, %dma_wait3A_685] : memref<524288x16xf32, #tpu.memory_space<hbm>> -> memref<524288x16xf32, #tpu.memory_space<hbm>>
        tpu.wait_indirect_dma semaphore(%arg23 : memref<!tpu.dma_semaphore, #tpu.memory_space<semaphore_mem>>) src(%dma_wait3A_686 : memref<524288x16xf32, #tpu.memory_space<hbm>>) dst(%dma_wait3A_681 : memref<96x16xf32, #tpu.memory_space<vmem>>)
        %dma_wait3A_687 = arith.constant 288 : i32
        %dma_wait3A_688 = arith.constant 0 : i32
        %dma_wait3A_689 = tpu.memref_slice %arg19[%dma_wait3A_687, %dma_wait3A_688] : memref<576x16xf32, #tpu.memory_space<vmem>> -> memref<96x16xf32, #tpu.memory_space<vmem>>
        %dma_wait3A_690 = arith.constant 288 : i32
        %dma_wait3A_691 = tpu.memref_slice %arg18[%dma_wait3A_690] : memref<576xi32, #tpu.memory_space<vmem>> -> memref<96xi32, #tpu.memory_space<vmem>>
        %dma_wait3A_692 = arith.constant 0 : i32
        %dma_wait3A_693 = arith.constant 0 : i32
        %dma_wait3A_694 = tpu.memref_slice %arg2[%dma_wait3A_692, %dma_wait3A_693] : memref<524288x16xf32, #tpu.memory_space<hbm>> -> memref<524288x16xf32, #tpu.memory_space<hbm>>
        tpu.wait_indirect_dma semaphore(%arg23 : memref<!tpu.dma_semaphore, #tpu.memory_space<semaphore_mem>>) src(%dma_wait3A_694 : memref<524288x16xf32, #tpu.memory_space<hbm>>) dst(%dma_wait3A_689 : memref<96x16xf32, #tpu.memory_space<vmem>>)
        %dma_wait3A_695 = arith.constant 384 : i32
        %dma_wait3A_696 = arith.constant 0 : i32
        %dma_wait3A_697 = tpu.memref_slice %arg19[%dma_wait3A_695, %dma_wait3A_696] : memref<576x16xf32, #tpu.memory_space<vmem>> -> memref<96x16xf32, #tpu.memory_space<vmem>>
        %dma_wait3A_698 = arith.constant 384 : i32
        %dma_wait3A_699 = tpu.memref_slice %arg18[%dma_wait3A_698] : memref<576xi32, #tpu.memory_space<vmem>> -> memref<96xi32, #tpu.memory_space<vmem>>
        %dma_wait3A_700 = arith.constant 0 : i32
        %dma_wait3A_701 = arith.constant 0 : i32
        %dma_wait3A_702 = tpu.memref_slice %arg2[%dma_wait3A_700, %dma_wait3A_701] : memref<524288x16xf32, #tpu.memory_space<hbm>> -> memref<524288x16xf32, #tpu.memory_space<hbm>>
        tpu.wait_indirect_dma semaphore(%arg23 : memref<!tpu.dma_semaphore, #tpu.memory_space<semaphore_mem>>) src(%dma_wait3A_702 : memref<524288x16xf32, #tpu.memory_space<hbm>>) dst(%dma_wait3A_697 : memref<96x16xf32, #tpu.memory_space<vmem>>)
        %dma_wait3A_703 = arith.constant 480 : i32
        %dma_wait3A_704 = arith.constant 0 : i32
        %dma_wait3A_705 = tpu.memref_slice %arg19[%dma_wait3A_703, %dma_wait3A_704] : memref<576x16xf32, #tpu.memory_space<vmem>> -> memref<96x16xf32, #tpu.memory_space<vmem>>
        %dma_wait3A_706 = arith.constant 480 : i32
        %dma_wait3A_707 = tpu.memref_slice %arg18[%dma_wait3A_706] : memref<576xi32, #tpu.memory_space<vmem>> -> memref<96xi32, #tpu.memory_space<vmem>>
        %dma_wait3A_708 = arith.constant 0 : i32
        %dma_wait3A_709 = arith.constant 0 : i32
        %dma_wait3A_710 = tpu.memref_slice %arg2[%dma_wait3A_708, %dma_wait3A_709] : memref<524288x16xf32, #tpu.memory_space<hbm>> -> memref<524288x16xf32, #tpu.memory_space<hbm>>
        tpu.wait_indirect_dma semaphore(%arg23 : memref<!tpu.dma_semaphore, #tpu.memory_space<semaphore_mem>>) src(%dma_wait3A_710 : memref<524288x16xf32, #tpu.memory_space<hbm>>) dst(%dma_wait3A_705 : memref<96x16xf32, #tpu.memory_space<vmem>>)
        %scan3A_711 = arith.constant 0 : i32
        %scan3A_712 = arith.constant 16 : i32
        %scan3A_713 = arith.addi %scan3A_711, %scan3A_712 : i32
        %scan3A_714 = arith.constant 1 : i32
        scf.for %scan3A_716 = %scan3A_711 to %scan3A_713 step %scan3A_714  : i32 {
          %mul3A_717 = arith.constant 1 : i32
          %mul3A_718 = arith.muli %scan3A_716, %mul3A_717 : i32
          %add3A_719 = arith.constant 0 : i32
          %add3A_720 = arith.addi %add3A_719, %mul3A_718 : i32
          %broadcast_in_dim3A_721 = vector.broadcast %add3A_720 : i32 to vector<16xi32>
          %mul3A_722 = arith.constant 36 : i32
          %mul3A_723 = arith.muli %add3A_720, %mul3A_722 : i32
          %broadcast_in_dim3A_724 = arith.constant 0.000000e+00 : f32
          %broadcast_in_dim3A_725 = vector.broadcast %broadcast_in_dim3A_724 : f32 to vector<16xf32>
          %scan3A_726 = arith.constant 0 : i32
          %scan3A_727 = arith.constant 36 : i32
          %scan3A_728 = arith.addi %scan3A_726, %scan3A_727 : i32
          %scan3A_729 = arith.constant 1 : i32
          %scan3A_730 = scf.for %scan3A_745 = %scan3A_726 to %scan3A_728 step %scan3A_729 iter_args(%scan3A_746 = %broadcast_in_dim3A_725) -> (vector<16xf32>)  : i32 {
            %broadcast_in_dim3A_747 = vector.broadcast %scan3A_745 : i32 to vector<16xi32>
            %gather3A_748 = tpu.vector_load_idx %arg20[%broadcast_in_dim3A_747, %broadcast_in_dim3A_721] : memref<36x16xf32, #tpu.memory_space<vmem>>[vector<16xi32>, vector<16xi32>], vector<16xf32>,
            %add3A_749 = arith.addi %mul3A_723, %scan3A_745 : i32
            %broadcast_in_dim3A_750 = vector.broadcast %add3A_749 : i32 to vector<16xi32>
            %gather3A_751 = tpu.vector_load_idx %arg19[%broadcast_in_dim3A_750, %iota3A] : memref<576x16xf32, #tpu.memory_space<vmem>>[vector<16xi32>, vector<16xi32>], vector<16xf32>,
            %mul3A_752 = arith.mulf %gather3A_748, %gather3A_751 : vector<16xf32>
            %add3A_753 = arith.addf %scan3A_746, %mul3A_752 : vector<16xf32>
            scf.yield %add3A_753 : vector<16xf32>
          }
          %scan3A_731 = arith.constant 36 : i32
          tpu.vector_store_idx %arg21[%broadcast_in_dim3A_721, %iota3A], %scan3A_730 : memref<16x16xf32, #tpu.memory_space<vmem>>[vector<16xi32>, vector<16xi32>], vector<16xf32>,
          %gather3A_732 = tpu.vector_load_idx %arg21[%broadcast_in_dim3A_721, %xor3A_26] : memref<16x16xf32, #tpu.memory_space<vmem>>[vector<16xi32>, vector<16xi32>], vector<16xf32>,
          %add3A_733 = arith.addi %mul3A_67, %add3A_720 : i32
          %broadcast_in_dim3A_734 = vector.broadcast %add3A_733 : i32 to vector<16xi32>
          %gather3A_735 = tpu.vector_load_idx %arg17[%broadcast_in_dim3A_37, %broadcast_in_dim3A_734] : memref<2x2048xf32, #tpu.memory_space<vmem>>[vector<16xi32>, vector<16xi32>], vector<16xf32>,
          %gather3A_736 = tpu.vector_load_idx %arg17[%add3A_40, %broadcast_in_dim3A_734] : memref<2x2048xf32, #tpu.memory_space<vmem>>[vector<16xi32>, vector<16xi32>], vector<16xf32>,
          %mul3A_737 = arith.mulf %scan3A_730, %gather3A_735 : vector<16xf32>
          %mul3A_738 = arith.mulf %gather3A_732, %gather3A_736 : vector<16xf32>
          %mul3A_739 = arith.mulf %mul3A_738, %select_n3A_35 : vector<16xf32>
          %add3A_740 = arith.addf %mul3A_737, %mul3A_739 : vector<16xf32>
          %mul3A_741 = arith.constant 16 : i32
          %mul3A_742 = arith.muli %add3A_62, %mul3A_741 : i32
          %broadcast_in_dim3A_743 = vector.broadcast %mul3A_742 : i32 to vector<16xi32>
          %add3A_744 = arith.addi %broadcast_in_dim3A_743, %broadcast_in_dim3A_721 : vector<16xi32>
          tpu.vector_store_idx %arg22[%iota3A, %add3A_744], %add3A_740 : memref<16x128xf32, #tpu.memory_space<vmem>>[vector<16xi32>, vector<16xi32>], vector<16xf32>,
        }
        %scan3A_715 = arith.constant 16 : i32
      }
      %scan3A_54 = arith.constant 8 : i32
      %mul3A_55 = arith.constant 128 : i32
      %mul3A_56 = arith.muli %add3A_49, %mul3A_55 : i32
      %add3A_57 = arith.addi %sub3A_21, %mul3A_56 : i32
      "tpu.region"() ({
        %run_scoped3A = tpu.sem_alloc : memref<!tpu.dma_semaphore, #tpu.memory_space<semaphore_mem>>
        %dma_start3A = arith.constant 0 : i32
        %dma_start3A_58 = tpu.memref_slice %arg10[%select_n3A, %dma_start3A, %add3A_57] : memref<2x16x32768xf32, #tpu.memory_space<hbm>> -> memref<1x16x128xf32, #tpu.memory_space<hbm>>
        %dma_start3A_59 = tpu.memref_squeeze %dma_start3A_58 : memref<1x16x128xf32, #tpu.memory_space<hbm>> -> memref<16x128xf32, #tpu.memory_space<hbm>>
        %dma_start3A_60 = arith.constant 0 : i32
        %dma_start3A_61 = tpu.memref_slice %arg10[%select_n3A, %dma_start3A_60, %add3A_57] : memref<2x16x32768xf32, #tpu.memory_space<hbm>> -> memref<1x16x128xf32, #tpu.memory_space<hbm>>
        %dma_start3A_62 = tpu.memref_squeeze %dma_start3A_61 : memref<1x16x128xf32, #tpu.memory_space<hbm>> -> memref<16x128xf32, #tpu.memory_space<hbm>>
        tpu.enqueue_dma source(%arg22 : memref<16x128xf32, #tpu.memory_space<vmem>>) target(%dma_start3A_62 : memref<16x128xf32, #tpu.memory_space<hbm>>) target_semaphore(%run_scoped3A : memref<!tpu.dma_semaphore, #tpu.memory_space<semaphore_mem>>)
        %dma_wait3A = arith.constant 0 : i32
        %dma_wait3A_63 = tpu.memref_slice %arg10[%select_n3A, %dma_wait3A, %add3A_57] : memref<2x16x32768xf32, #tpu.memory_space<hbm>> -> memref<1x16x128xf32, #tpu.memory_space<hbm>>
        %dma_wait3A_64 = tpu.memref_squeeze %dma_wait3A_63 : memref<1x16x128xf32, #tpu.memory_space<hbm>> -> memref<16x128xf32, #tpu.memory_space<hbm>>
        %dma_wait3A_65 = arith.constant 0 : i32
        %dma_wait3A_66 = tpu.memref_slice %arg10[%select_n3A, %dma_wait3A_65, %add3A_57] : memref<2x16x32768xf32, #tpu.memory_space<hbm>> -> memref<1x16x128xf32, #tpu.memory_space<hbm>>
        %dma_wait3A_67 = tpu.memref_squeeze %dma_wait3A_66 : memref<1x16x128xf32, #tpu.memory_space<hbm>> -> memref<16x128xf32, #tpu.memory_space<hbm>>
        tpu.wait_dma2 semaphore(%run_scoped3A : memref<!tpu.dma_semaphore, #tpu.memory_space<semaphore_mem>>) src(%arg22 : memref<16x128xf32, #tpu.memory_space<vmem>>) dst(%dma_wait3A_67 : memref<16x128xf32, #tpu.memory_space<hbm>>)
        tpu.yield
      }) : () -> ()
    }
    %scan3A_44 = arith.constant 16 : i32
    return
  }
}

module attributes {stable_mosaic.version = 14 : i64} {
  func.func @_grid_body(%arg0: i32, %arg1: i32, %arg2: memref<1x2x256x256xf32, #tpu.memory_space<vmem>>, %arg3: memref<1x1x2x256x256xf32, #tpu.memory_space<vmem>>, %arg4: memref<256x256xf32, #tpu.memory_space<vmem>>, %arg5: memref<512x256xf32, #tpu.memory_space<vmem>>, %arg6: memref<512x256xf32, #tpu.memory_space<vmem>>, %arg7: memref<1x1x2x512x512xf32, #tpu.memory_space<vmem>>) attributes {dimension_semantics = [#tpu.dimension_semantics<arbitrary>, #tpu.dimension_semantics<arbitrary>], iteration_bounds = array<i64: 2, 8>, scalar_prefetch = 0 : i64, scratch_operands = 0 : i64, tpu.core_type = #tpu.core_type<tc>, window_params = [{transform_indices = @transform_0, window_bounds = array<i64: 1, 2, 256, 256>}, {transform_indices = @transform_1, window_bounds = array<i64: 1, 1, 2, 256, 256>}, {pipeline_mode = #tpu.pipeline_mode<synchronous>, transform_indices = @transform_2, window_bounds = array<i64: 256, 256>}, {pipeline_mode = #tpu.pipeline_mode<synchronous>, transform_indices = @transform_3, window_bounds = array<i64: 512, 256>}, {pipeline_mode = #tpu.pipeline_mode<synchronous>, transform_indices = @transform_4, window_bounds = array<i64: 512, 256>}, {transform_indices = @transform_5, window_bounds = array<i64: 1, 1, 2, 512, 512>}]} {
    %get3A = arith.constant 0 : index
    %get3A_0 = arith.constant 0 : index
    %get3A_1 = arith.constant 0 : index
    %get3A_2 = arith.constant 0 : index
    %get3A_3 = vector.load %arg2[%get3A, %get3A_0, %get3A_1, %get3A_2] : memref<1x2x256x256xf32, #tpu.memory_space<vmem>>, vector<1x1x256x256xf32>
    %get3A_4 = vector.shape_cast %get3A_3 : vector<1x1x256x256xf32> to vector<256x256xf32>
    %get3A_5 = arith.constant 0 : index
    %get3A_6 = arith.constant 1 : index
    %get3A_7 = arith.constant 0 : index
    %get3A_8 = arith.constant 0 : index
    %get3A_9 = vector.load %arg2[%get3A_5, %get3A_6, %get3A_7, %get3A_8] : memref<1x2x256x256xf32, #tpu.memory_space<vmem>>, vector<1x1x256x256xf32>
    %get3A_10 = vector.shape_cast %get3A_9 : vector<1x1x256x256xf32> to vector<256x256xf32>
    %get3A_11 = arith.constant 0 : index
    %get3A_12 = arith.constant 0 : index
    %get3A_13 = arith.constant 0 : index
    %get3A_14 = arith.constant 0 : index
    %get3A_15 = arith.constant 0 : index
    %get3A_16 = vector.load %arg3[%get3A_11, %get3A_12, %get3A_13, %get3A_14, %get3A_15] : memref<1x1x2x256x256xf32, #tpu.memory_space<vmem>>, vector<1x1x1x256x256xf32>
    %get3A_17 = vector.shape_cast %get3A_16 : vector<1x1x1x256x256xf32> to vector<256x256xf32>
    %get3A_18 = arith.constant 0 : index
    %get3A_19 = arith.constant 0 : index
    %get3A_20 = arith.constant 1 : index
    %get3A_21 = arith.constant 0 : index
    %get3A_22 = arith.constant 0 : index
    %get3A_23 = vector.load %arg3[%get3A_18, %get3A_19, %get3A_20, %get3A_21, %get3A_22] : memref<1x1x2x256x256xf32, #tpu.memory_space<vmem>>, vector<1x1x1x256x256xf32>
    %get3A_24 = vector.shape_cast %get3A_23 : vector<1x1x1x256x256xf32> to vector<256x256xf32>
    %get3A_25 = arith.constant 0 : index
    %get3A_26 = arith.constant 0 : index
    %get3A_27 = vector.load %arg4[%get3A_25, %get3A_26] : memref<256x256xf32, #tpu.memory_space<vmem>>, vector<256x256xf32>
    %mul3A = arith.mulf %get3A_4, %get3A_17 : vector<256x256xf32>
    %mul3A_28 = arith.mulf %get3A_10, %get3A_24 : vector<256x256xf32>
    %sub3A = arith.subf %mul3A, %mul3A_28 : vector<256x256xf32>
    %mul3A_29 = arith.mulf %sub3A, %get3A_27 : vector<256x256xf32>
    %mul3A_30 = arith.mulf %get3A_4, %get3A_24 : vector<256x256xf32>
    %mul3A_31 = arith.mulf %get3A_10, %get3A_17 : vector<256x256xf32>
    %add3A = arith.addf %mul3A_30, %mul3A_31 : vector<256x256xf32>
    %mul3A_32 = arith.mulf %add3A, %get3A_27 : vector<256x256xf32>
    %get3A_33 = arith.constant 0 : index
    %get3A_34 = arith.constant 0 : index
    %get3A_35 = vector.load %arg5[%get3A_33, %get3A_34] : memref<512x256xf32, #tpu.memory_space<vmem>>, vector<512x256xf32>
    %get3A_36 = arith.constant 0 : index
    %get3A_37 = arith.constant 0 : index
    %get3A_38 = vector.load %arg6[%get3A_36, %get3A_37] : memref<512x256xf32, #tpu.memory_space<vmem>>, vector<512x256xf32>
    %dot_general3A = arith.constant dense<0.000000e+00> : vector<512x256xf32>
    %dot_general3A_39 = tpu.matmul %get3A_35, %mul3A_29, %dot_general3A {dimension_numbers = #tpu.dot_dimension_numbers<[1], [0], [0], [1], [0, 0, 1, 1], [], []>, precision = #tpu.contract_precision<fp32>, transpose_lhs_hint = false} : vector<512x256xf32>, vector<256x256xf32>, vector<512x256xf32> -> vector<512x256xf32>
    %dot_general3A_40 = arith.constant dense<0.000000e+00> : vector<512x256xf32>
    %dot_general3A_41 = tpu.matmul %get3A_38, %mul3A_32, %dot_general3A_40 {dimension_numbers = #tpu.dot_dimension_numbers<[1], [0], [0], [1], [0, 0, 1, 1], [], []>, precision = #tpu.contract_precision<fp32>, transpose_lhs_hint = false} : vector<512x256xf32>, vector<256x256xf32>, vector<512x256xf32> -> vector<512x256xf32>
    %sub3A_42 = arith.subf %dot_general3A_39, %dot_general3A_41 : vector<512x256xf32>
    %dot_general3A_43 = arith.constant dense<0.000000e+00> : vector<512x256xf32>
    %dot_general3A_44 = tpu.matmul %get3A_35, %mul3A_32, %dot_general3A_43 {dimension_numbers = #tpu.dot_dimension_numbers<[1], [0], [0], [1], [0, 0, 1, 1], [], []>, precision = #tpu.contract_precision<fp32>, transpose_lhs_hint = false} : vector<512x256xf32>, vector<256x256xf32>, vector<512x256xf32> -> vector<512x256xf32>
    %dot_general3A_45 = arith.constant dense<0.000000e+00> : vector<512x256xf32>
    %dot_general3A_46 = tpu.matmul %get3A_38, %mul3A_29, %dot_general3A_45 {dimension_numbers = #tpu.dot_dimension_numbers<[1], [0], [0], [1], [0, 0, 1, 1], [], []>, precision = #tpu.contract_precision<fp32>, transpose_lhs_hint = false} : vector<512x256xf32>, vector<256x256xf32>, vector<512x256xf32> -> vector<512x256xf32>
    %add3A_47 = arith.addf %dot_general3A_44, %dot_general3A_46 : vector<512x256xf32>
    %dot_general3A_48 = arith.constant dense<0.000000e+00> : vector<512x512xf32>
    %dot_general3A_49 = tpu.matmul %sub3A_42, %get3A_35, %dot_general3A_48 {dimension_numbers = #tpu.dot_dimension_numbers<[1], [1], [0], [0], [0, 0, 1, 0], [], []>, precision = #tpu.contract_precision<fp32>, transpose_lhs_hint = false} : vector<512x256xf32>, vector<512x256xf32>, vector<512x512xf32> -> vector<512x512xf32>
    %dot_general3A_50 = arith.constant dense<0.000000e+00> : vector<512x512xf32>
    %dot_general3A_51 = tpu.matmul %add3A_47, %get3A_38, %dot_general3A_50 {dimension_numbers = #tpu.dot_dimension_numbers<[1], [1], [0], [0], [0, 0, 1, 0], [], []>, precision = #tpu.contract_precision<fp32>, transpose_lhs_hint = false} : vector<512x256xf32>, vector<512x256xf32>, vector<512x512xf32> -> vector<512x512xf32>
    %sub3A_52 = arith.subf %dot_general3A_49, %dot_general3A_51 : vector<512x512xf32>
    %swap3A = arith.constant 0 : index
    %swap3A_53 = arith.constant 0 : index
    %swap3A_54 = arith.constant 0 : index
    %swap3A_55 = arith.constant 0 : index
    %swap3A_56 = arith.constant 0 : index
    %swap3A_57 = vector.load %arg7[%swap3A, %swap3A_53, %swap3A_54, %swap3A_55, %swap3A_56] : memref<1x1x2x512x512xf32, #tpu.memory_space<vmem>>, vector<1x1x1x512x512xf32>
    %swap3A_58 = vector.shape_cast %swap3A_57 : vector<1x1x1x512x512xf32> to vector<512x512xf32>
    %swap3A_59 = vector.shape_cast %sub3A_52 : vector<512x512xf32> to vector<1x1x1x512x512xf32>
    tpu.vector_store %arg7[%swap3A, %swap3A_53, %swap3A_54, %swap3A_55, %swap3A_56], %swap3A_59 {strides = array<i32>} : memref<1x1x2x512x512xf32, #tpu.memory_space<vmem>>, vector<1x1x1x512x512xf32>,
    %dot_general3A_60 = arith.constant dense<0.000000e+00> : vector<512x512xf32>
    %dot_general3A_61 = tpu.matmul %sub3A_42, %get3A_38, %dot_general3A_60 {dimension_numbers = #tpu.dot_dimension_numbers<[1], [1], [0], [0], [0, 0, 1, 0], [], []>, precision = #tpu.contract_precision<fp32>, transpose_lhs_hint = false} : vector<512x256xf32>, vector<512x256xf32>, vector<512x512xf32> -> vector<512x512xf32>
    %dot_general3A_62 = arith.constant dense<0.000000e+00> : vector<512x512xf32>
    %dot_general3A_63 = tpu.matmul %add3A_47, %get3A_35, %dot_general3A_62 {dimension_numbers = #tpu.dot_dimension_numbers<[1], [1], [0], [0], [0, 0, 1, 0], [], []>, precision = #tpu.contract_precision<fp32>, transpose_lhs_hint = false} : vector<512x256xf32>, vector<512x256xf32>, vector<512x512xf32> -> vector<512x512xf32>
    %add3A_64 = arith.addf %dot_general3A_61, %dot_general3A_63 : vector<512x512xf32>
    %swap3A_65 = arith.constant 0 : index
    %swap3A_66 = arith.constant 0 : index
    %swap3A_67 = arith.constant 1 : index
    %swap3A_68 = arith.constant 0 : index
    %swap3A_69 = arith.constant 0 : index
    %swap3A_70 = vector.load %arg7[%swap3A_65, %swap3A_66, %swap3A_67, %swap3A_68, %swap3A_69] : memref<1x1x2x512x512xf32, #tpu.memory_space<vmem>>, vector<1x1x1x512x512xf32>
    %swap3A_71 = vector.shape_cast %swap3A_70 : vector<1x1x1x512x512xf32> to vector<512x512xf32>
    %swap3A_72 = vector.shape_cast %add3A_64 : vector<512x512xf32> to vector<1x1x1x512x512xf32>
    tpu.vector_store %arg7[%swap3A_65, %swap3A_66, %swap3A_67, %swap3A_68, %swap3A_69], %swap3A_72 {strides = array<i32>} : memref<1x1x2x512x512xf32, #tpu.memory_space<vmem>>, vector<1x1x1x512x512xf32>,
    return
  }
  func.func @transform_0(%arg0: i32, %arg1: i32) -> (i32, i32, i32, i32) {
    %c0_i32 = arith.constant 0 : i32
    %c0_i32_0 = arith.constant 0 : i32
    %c0_i32_1 = arith.constant 0 : i32
    %c0_i32_2 = arith.constant 0 : i32
    return %arg0, %c0_i32, %c0_i32_0, %c0_i32_1 : i32, i32, i32, i32
  }
  func.func @transform_1(%arg0: i32, %arg1: i32) -> (i32, i32, i32, i32, i32) {
    %c0_i32 = arith.constant 0 : i32
    %c0_i32_0 = arith.constant 0 : i32
    %c0_i32_1 = arith.constant 0 : i32
    %c0_i32_2 = arith.constant 0 : i32
    return %arg0, %arg1, %c0_i32, %c0_i32_0, %c0_i32_1 : i32, i32, i32, i32, i32
  }
  func.func @transform_2(%arg0: i32, %arg1: i32) -> (i32, i32) {
    %c0_i32 = arith.constant 0 : i32
    %c0_i32_0 = arith.constant 0 : i32
    %c0_i32_1 = arith.constant 0 : i32
    return %c0_i32, %c0_i32_0 : i32, i32
  }
  func.func @transform_3(%arg0: i32, %arg1: i32) -> (i32, i32) {
    %c0_i32 = arith.constant 0 : i32
    %c0_i32_0 = arith.constant 0 : i32
    %c0_i32_1 = arith.constant 0 : i32
    return %c0_i32, %c0_i32_0 : i32, i32
  }
  func.func @transform_4(%arg0: i32, %arg1: i32) -> (i32, i32) {
    %c0_i32 = arith.constant 0 : i32
    %c0_i32_0 = arith.constant 0 : i32
    %c0_i32_1 = arith.constant 0 : i32
    return %c0_i32, %c0_i32_0 : i32, i32
  }
  func.func @transform_5(%arg0: i32, %arg1: i32) -> (i32, i32, i32, i32, i32) {
    %c0_i32 = arith.constant 0 : i32
    %c0_i32_0 = arith.constant 0 : i32
    %c0_i32_1 = arith.constant 0 : i32
    %c0_i32_2 = arith.constant 0 : i32
    return %arg0, %arg1, %c0_i32, %c0_i32_0, %c0_i32_1 : i32, i32, i32, i32, i32
  }
}

module attributes {stable_mosaic.version = 14 : i64} {
  func.func @_prep_body(%arg0: i32, %arg1: memref<1x2x2048xf32, #tpu.memory_space<vmem>>, %arg2: memref<6x2048xi32, #tpu.memory_space<vmem>>, %arg3: memref<6x2048xi32, #tpu.memory_space<vmem>>, %arg4: memref<6x2048xi32, #tpu.memory_space<vmem>>, %arg5: memref<6x2048xi32, #tpu.memory_space<vmem>>) attributes {dimension_semantics = [#tpu.dimension_semantics<arbitrary>], iteration_bounds = array<i64: 32>, scalar_prefetch = 0 : i64, scratch_operands = 0 : i64, tpu.core_type = #tpu.core_type<tc>, window_params = [{transform_indices = @transform_0, window_bounds = array<i64: 1, 2, 2048>}, {transform_indices = @transform_1, window_bounds = array<i64: 6, 2048>}, {transform_indices = @transform_2, window_bounds = array<i64: 6, 2048>}, {transform_indices = @transform_3, window_bounds = array<i64: 6, 2048>}, {transform_indices = @transform_4, window_bounds = array<i64: 6, 2048>}]} {
    %jit3A = arith.constant 16 : i32
    %div3A = arith.divsi %arg0, %jit3A : i32
    %sign3A = arith.constant 0 : i32
    %sign3A_0 = arith.cmpi sgt, %arg0, %sign3A : i32
    %sign3A_1 = arith.extui %sign3A_0 : i1 to i32
    %sign3A_2 = arith.constant 0 : i32
    %sign3A_3 = arith.cmpi slt, %arg0, %sign3A_2 : i32
    %sign3A_4 = arith.extui %sign3A_3 : i1 to i32
    %sign3A_5 = arith.subi %sign3A_1, %sign3A_4 : i32
    %sign3A_6 = arith.constant 0 : i32
    %sign3A_7 = arith.cmpi sgt, %jit3A, %sign3A_6 : i32
    %sign3A_8 = arith.extui %sign3A_7 : i1 to i32
    %sign3A_9 = arith.constant 0 : i32
    %sign3A_10 = arith.cmpi slt, %jit3A, %sign3A_9 : i32
    %sign3A_11 = arith.extui %sign3A_10 : i1 to i32
    %sign3A_12 = arith.subi %sign3A_8, %sign3A_11 : i32
    %ne3A = arith.cmpi ne, %sign3A_5, %sign3A_12 : i32
    %rem3A = arith.remsi %arg0, %jit3A : i32
    %ne3A_13 = arith.constant 0 : i32
    %ne3A_14 = arith.cmpi ne, %rem3A, %ne3A_13 : i32
    %and3A = arith.andi %ne3A, %ne3A_14 : i1
    %sub3A = arith.constant 1 : i32
    %sub3A_15 = arith.subi %div3A, %sub3A : i32
    %select_n3A = arith.select %and3A, %sub3A_15, %div3A : i32
    %get3A = arith.constant 0 : index
    %get3A_16 = arith.constant 0 : index
    %get3A_17 = arith.constant 0 : index
    %get3A_18 = vector.load %arg1[%get3A, %get3A_16, %get3A_17] : memref<1x2x2048xf32, #tpu.memory_space<vmem>>, vector<1x2x2048xf32>
    %get3A_19 = vector.shape_cast %get3A_18 : vector<1x2x2048xf32> to vector<2x2048xf32>
    %mul3A = arith.constant 81.4873276 : f32
    %mul3A_20 = vector.broadcast %mul3A : f32 to vector<2x2048xf32>
    %mul3A_21 = arith.mulf %get3A_19, %mul3A_20 : vector<2x2048xf32>
    %sub3A_22 = arith.constant 3.000000e+00 : f32
    %sub3A_23 = vector.broadcast %sub3A_22 : f32 to vector<2x2048xf32>
    %sub3A_24 = arith.subf %mul3A_21, %sub3A_23 : vector<2x2048xf32>
    %floor3A = math.floor %sub3A_24 : vector<2x2048xf32>
    %add3A = arith.constant 1.000000e+00 : f32
    %add3A_25 = vector.broadcast %add3A : f32 to vector<2x2048xf32>
    %add3A_26 = arith.addf %floor3A, %add3A_25 : vector<2x2048xf32>
    %sub3A_27 = arith.subf %mul3A_21, %add3A_26 : vector<2x2048xf32>
    %mul3A_28 = arith.constant 1.024000e+03 : f32
    %mul3A_29 = vector.broadcast %mul3A_28 : f32 to vector<2x2048xf32>
    %mul3A_30 = arith.mulf %sub3A_27, %mul3A_29 : vector<2x2048xf32>
    %round3A = math.roundeven %mul3A_30 : vector<2x2048xf32>
    %convert_element_type3A = arith.fptosi %round3A : vector<2x2048xf32> to vector<2x2048xi32>
    %add3A_31 = arith.constant 3072 : i32
    %add3A_32 = vector.broadcast %add3A_31 : i32 to vector<2x2048xi32>
    %add3A_33 = arith.addi %convert_element_type3A, %add3A_32 : vector<2x2048xi32>
    %jit3A_34 = arith.constant 5.120000e+02 : f32
    %rem3A_35 = vector.broadcast %jit3A_34 : f32 to vector<2x2048xf32>
    %rem3A_36 = arith.remf %add3A_26, %rem3A_35 : vector<2x2048xf32>
    %ne3A_37 = arith.constant 0.000000e+00 : f32
    %ne3A_38 = vector.broadcast %ne3A_37 : f32 to vector<2x2048xf32>
    %ne3A_39 = arith.cmpf one, %rem3A_36, %ne3A_38 : vector<2x2048xf32>
    %lt3A = arith.constant 0.000000e+00 : f32
    %lt3A_40 = vector.broadcast %lt3A : f32 to vector<2x2048xf32>
    %lt3A_41 = arith.cmpf olt, %rem3A_36, %lt3A_40 : vector<2x2048xf32>
    %lt3A_42 = arith.constant 0.000000e+00 : f32
    %lt3A_43 = arith.cmpf olt, %jit3A_34, %lt3A_42 : f32
    %ne3A_44 = vector.broadcast %lt3A_43 : i1 to vector<2x2048xi1>
    %ne3A_45 = vector.broadcast %ne3A_44 : vector<2x2048xi1> to vector<2x2048xi1>
    %ne3A_46 = arith.xori %lt3A_41, %ne3A_45 : vector<2x2048xi1>
    %and3A_47 = arith.andi %ne3A_46, %ne3A_39 : vector<2x2048xi1>
    %add3A_48 = vector.broadcast %jit3A_34 : f32 to vector<2x2048xf32>
    %add3A_49 = arith.addf %rem3A_36, %add3A_48 : vector<2x2048xf32>
    %select_n3A_50 = arith.select %and3A_47, %add3A_49, %rem3A_36 : vector<2x2048xi1>, vector<2x2048xf32>
    %convert_element_type3A_51 = arith.fptosi %select_n3A_50 : vector<2x2048xf32> to vector<2x2048xi32>
    %mul3A_52 = arith.constant 262144 : i32
    %mul3A_53 = arith.muli %select_n3A, %mul3A_52 : i32
    %slice3A = vector.extract_strided_slice %convert_element_type3A_51 {offsets = [0, 0], sizes = [1, 2048], strides = [1, 1]} : vector<2x2048xi32> to vector<1x2048xi32>
    %squeeze3A = vector.shape_cast %slice3A : vector<1x2048xi32> to vector<2048xi32>
    %mul3A_54 = arith.constant 512 : i32
    %mul3A_55 = vector.broadcast %mul3A_54 : i32 to vector<2048xi32>
    %mul3A_56 = arith.muli %squeeze3A, %mul3A_55 : vector<2048xi32>
    %add3A_57 = vector.broadcast %mul3A_53 : i32 to vector<2048xi32>
    %add3A_58 = arith.addi %add3A_57, %mul3A_56 : vector<2048xi32>
    %swap3A = arith.constant 0 : index
    %swap3A_59 = arith.constant 0 : index
    %swap3A_60 = vector.load %arg2[%swap3A, %swap3A_59] : memref<6x2048xi32, #tpu.memory_space<vmem>>, vector<1x2048xi32>
    %swap3A_61 = vector.shape_cast %swap3A_60 : vector<1x2048xi32> to vector<2048xi32>
    %swap3A_62 = vector.shape_cast %add3A_58 : vector<2048xi32> to vector<1x2048xi32>
    tpu.vector_store %arg2[%swap3A, %swap3A_59], %swap3A_62 {strides = array<i32>} : memref<6x2048xi32, #tpu.memory_space<vmem>>, vector<1x2048xi32>,
    %slice3A_63 = vector.extract_strided_slice %convert_element_type3A_51 {offsets = [1, 0], sizes = [1, 2048], strides = [1, 1]} : vector<2x2048xi32> to vector<1x2048xi32>
    %squeeze3A_64 = vector.shape_cast %slice3A_63 : vector<1x2048xi32> to vector<2048xi32>
    %swap3A_65 = arith.constant 0 : index
    %swap3A_66 = arith.constant 0 : index
    %swap3A_67 = vector.load %arg3[%swap3A_65, %swap3A_66] : memref<6x2048xi32, #tpu.memory_space<vmem>>, vector<1x2048xi32>
    %swap3A_68 = vector.shape_cast %swap3A_67 : vector<1x2048xi32> to vector<2048xi32>
    %swap3A_69 = vector.shape_cast %squeeze3A_64 : vector<2048xi32> to vector<1x2048xi32>
    tpu.vector_store %arg3[%swap3A_65, %swap3A_66], %swap3A_69 {strides = array<i32>} : memref<6x2048xi32, #tpu.memory_space<vmem>>, vector<1x2048xi32>,
    %slice3A_70 = vector.extract_strided_slice %add3A_33 {offsets = [0, 0], sizes = [1, 2048], strides = [1, 1]} : vector<2x2048xi32> to vector<1x2048xi32>
    %squeeze3A_71 = vector.shape_cast %slice3A_70 : vector<1x2048xi32> to vector<2048xi32>
    %swap3A_72 = arith.constant 0 : index
    %swap3A_73 = arith.constant 0 : index
    %swap3A_74 = vector.load %arg4[%swap3A_72, %swap3A_73] : memref<6x2048xi32, #tpu.memory_space<vmem>>, vector<1x2048xi32>
    %swap3A_75 = vector.shape_cast %swap3A_74 : vector<1x2048xi32> to vector<2048xi32>
    %swap3A_76 = vector.shape_cast %squeeze3A_71 : vector<2048xi32> to vector<1x2048xi32>
    tpu.vector_store %arg4[%swap3A_72, %swap3A_73], %swap3A_76 {strides = array<i32>} : memref<6x2048xi32, #tpu.memory_space<vmem>>, vector<1x2048xi32>,
    %slice3A_77 = vector.extract_strided_slice %add3A_33 {offsets = [1, 0], sizes = [1, 2048], strides = [1, 1]} : vector<2x2048xi32> to vector<1x2048xi32>
    %squeeze3A_78 = vector.shape_cast %slice3A_77 : vector<1x2048xi32> to vector<2048xi32>
    %swap3A_79 = arith.constant 0 : index
    %swap3A_80 = arith.constant 0 : index
    %swap3A_81 = vector.load %arg5[%swap3A_79, %swap3A_80] : memref<6x2048xi32, #tpu.memory_space<vmem>>, vector<1x2048xi32>
    %swap3A_82 = vector.shape_cast %swap3A_81 : vector<1x2048xi32> to vector<2048xi32>
    %swap3A_83 = vector.shape_cast %squeeze3A_78 : vector<2048xi32> to vector<1x2048xi32>
    tpu.vector_store %arg5[%swap3A_79, %swap3A_80], %swap3A_83 {strides = array<i32>} : memref<6x2048xi32, #tpu.memory_space<vmem>>, vector<1x2048xi32>,
    %add3A_84 = arith.constant 2.000000e+00 : f32
    %add3A_85 = vector.broadcast %add3A_84 : f32 to vector<2x2048xf32>
    %add3A_86 = arith.addf %floor3A, %add3A_85 : vector<2x2048xf32>
    %sub3A_87 = arith.subf %mul3A_21, %add3A_86 : vector<2x2048xf32>
    %mul3A_88 = arith.constant 1.024000e+03 : f32
    %mul3A_89 = vector.broadcast %mul3A_88 : f32 to vector<2x2048xf32>
    %mul3A_90 = arith.mulf %sub3A_87, %mul3A_89 : vector<2x2048xf32>
    %round3A_91 = math.roundeven %mul3A_90 : vector<2x2048xf32>
    %convert_element_type3A_92 = arith.fptosi %round3A_91 : vector<2x2048xf32> to vector<2x2048xi32>
    %add3A_93 = arith.constant 3072 : i32
    %add3A_94 = vector.broadcast %add3A_93 : i32 to vector<2x2048xi32>
    %add3A_95 = arith.addi %convert_element_type3A_92, %add3A_94 : vector<2x2048xi32>
    %jit3A_96 = arith.constant 5.120000e+02 : f32
    %rem3A_97 = vector.broadcast %jit3A_96 : f32 to vector<2x2048xf32>
    %rem3A_98 = arith.remf %add3A_86, %rem3A_97 : vector<2x2048xf32>
    %ne3A_99 = arith.constant 0.000000e+00 : f32
    %ne3A_100 = vector.broadcast %ne3A_99 : f32 to vector<2x2048xf32>
    %ne3A_101 = arith.cmpf one, %rem3A_98, %ne3A_100 : vector<2x2048xf32>
    %lt3A_102 = arith.constant 0.000000e+00 : f32
    %lt3A_103 = vector.broadcast %lt3A_102 : f32 to vector<2x2048xf32>
    %lt3A_104 = arith.cmpf olt, %rem3A_98, %lt3A_103 : vector<2x2048xf32>
    %lt3A_105 = arith.constant 0.000000e+00 : f32
    %lt3A_106 = arith.cmpf olt, %jit3A_96, %lt3A_105 : f32
    %ne3A_107 = vector.broadcast %lt3A_106 : i1 to vector<2x2048xi1>
    %ne3A_108 = vector.broadcast %ne3A_107 : vector<2x2048xi1> to vector<2x2048xi1>
    %ne3A_109 = arith.xori %lt3A_104, %ne3A_108 : vector<2x2048xi1>
    %and3A_110 = arith.andi %ne3A_109, %ne3A_101 : vector<2x2048xi1>
    %add3A_111 = vector.broadcast %jit3A_96 : f32 to vector<2x2048xf32>
    %add3A_112 = arith.addf %rem3A_98, %add3A_111 : vector<2x2048xf32>
    %select_n3A_113 = arith.select %and3A_110, %add3A_112, %rem3A_98 : vector<2x2048xi1>, vector<2x2048xf32>
    %convert_element_type3A_114 = arith.fptosi %select_n3A_113 : vector<2x2048xf32> to vector<2x2048xi32>
    %mul3A_115 = arith.constant 262144 : i32
    %mul3A_116 = arith.muli %select_n3A, %mul3A_115 : i32
    %slice3A_117 = vector.extract_strided_slice %convert_element_type3A_114 {offsets = [0, 0], sizes = [1, 2048], strides = [1, 1]} : vector<2x2048xi32> to vector<1x2048xi32>
    %squeeze3A_118 = vector.shape_cast %slice3A_117 : vector<1x2048xi32> to vector<2048xi32>
    %mul3A_119 = arith.constant 512 : i32
    %mul3A_120 = vector.broadcast %mul3A_119 : i32 to vector<2048xi32>
    %mul3A_121 = arith.muli %squeeze3A_118, %mul3A_120 : vector<2048xi32>
    %add3A_122 = vector.broadcast %mul3A_116 : i32 to vector<2048xi32>
    %add3A_123 = arith.addi %add3A_122, %mul3A_121 : vector<2048xi32>
    %swap3A_124 = arith.constant 1 : index
    %swap3A_125 = arith.constant 0 : index
    %swap3A_126 = vector.load %arg2[%swap3A_124, %swap3A_125] : memref<6x2048xi32, #tpu.memory_space<vmem>>, vector<1x2048xi32>
    %swap3A_127 = vector.shape_cast %swap3A_126 : vector<1x2048xi32> to vector<2048xi32>
    %swap3A_128 = vector.shape_cast %add3A_123 : vector<2048xi32> to vector<1x2048xi32>
    tpu.vector_store %arg2[%swap3A_124, %swap3A_125], %swap3A_128 {strides = array<i32>} : memref<6x2048xi32, #tpu.memory_space<vmem>>, vector<1x2048xi32>,
    %slice3A_129 = vector.extract_strided_slice %convert_element_type3A_114 {offsets = [1, 0], sizes = [1, 2048], strides = [1, 1]} : vector<2x2048xi32> to vector<1x2048xi32>
    %squeeze3A_130 = vector.shape_cast %slice3A_129 : vector<1x2048xi32> to vector<2048xi32>
    %swap3A_131 = arith.constant 1 : index
    %swap3A_132 = arith.constant 0 : index
    %swap3A_133 = vector.load %arg3[%swap3A_131, %swap3A_132] : memref<6x2048xi32, #tpu.memory_space<vmem>>, vector<1x2048xi32>
    %swap3A_134 = vector.shape_cast %swap3A_133 : vector<1x2048xi32> to vector<2048xi32>
    %swap3A_135 = vector.shape_cast %squeeze3A_130 : vector<2048xi32> to vector<1x2048xi32>
    tpu.vector_store %arg3[%swap3A_131, %swap3A_132], %swap3A_135 {strides = array<i32>} : memref<6x2048xi32, #tpu.memory_space<vmem>>, vector<1x2048xi32>,
    %slice3A_136 = vector.extract_strided_slice %add3A_95 {offsets = [0, 0], sizes = [1, 2048], strides = [1, 1]} : vector<2x2048xi32> to vector<1x2048xi32>
    %squeeze3A_137 = vector.shape_cast %slice3A_136 : vector<1x2048xi32> to vector<2048xi32>
    %swap3A_138 = arith.constant 1 : index
    %swap3A_139 = arith.constant 0 : index
    %swap3A_140 = vector.load %arg4[%swap3A_138, %swap3A_139] : memref<6x2048xi32, #tpu.memory_space<vmem>>, vector<1x2048xi32>
    %swap3A_141 = vector.shape_cast %swap3A_140 : vector<1x2048xi32> to vector<2048xi32>
    %swap3A_142 = vector.shape_cast %squeeze3A_137 : vector<2048xi32> to vector<1x2048xi32>
    tpu.vector_store %arg4[%swap3A_138, %swap3A_139], %swap3A_142 {strides = array<i32>} : memref<6x2048xi32, #tpu.memory_space<vmem>>, vector<1x2048xi32>,
    %slice3A_143 = vector.extract_strided_slice %add3A_95 {offsets = [1, 0], sizes = [1, 2048], strides = [1, 1]} : vector<2x2048xi32> to vector<1x2048xi32>
    %squeeze3A_144 = vector.shape_cast %slice3A_143 : vector<1x2048xi32> to vector<2048xi32>
    %swap3A_145 = arith.constant 1 : index
    %swap3A_146 = arith.constant 0 : index
    %swap3A_147 = vector.load %arg5[%swap3A_145, %swap3A_146] : memref<6x2048xi32, #tpu.memory_space<vmem>>, vector<1x2048xi32>
    %swap3A_148 = vector.shape_cast %swap3A_147 : vector<1x2048xi32> to vector<2048xi32>
    %swap3A_149 = vector.shape_cast %squeeze3A_144 : vector<2048xi32> to vector<1x2048xi32>
    tpu.vector_store %arg5[%swap3A_145, %swap3A_146], %swap3A_149 {strides = array<i32>} : memref<6x2048xi32, #tpu.memory_space<vmem>>, vector<1x2048xi32>,
    %add3A_150 = arith.constant 3.000000e+00 : f32
    %add3A_151 = vector.broadcast %add3A_150 : f32 to vector<2x2048xf32>
    %add3A_152 = arith.addf %floor3A, %add3A_151 : vector<2x2048xf32>
    %sub3A_153 = arith.subf %mul3A_21, %add3A_152 : vector<2x2048xf32>
    %mul3A_154 = arith.constant 1.024000e+03 : f32
    %mul3A_155 = vector.broadcast %mul3A_154 : f32 to vector<2x2048xf32>
    %mul3A_156 = arith.mulf %sub3A_153, %mul3A_155 : vector<2x2048xf32>
    %round3A_157 = math.roundeven %mul3A_156 : vector<2x2048xf32>
    %convert_element_type3A_158 = arith.fptosi %round3A_157 : vector<2x2048xf32> to vector<2x2048xi32>
    %add3A_159 = arith.constant 3072 : i32
    %add3A_160 = vector.broadcast %add3A_159 : i32 to vector<2x2048xi32>
    %add3A_161 = arith.addi %convert_element_type3A_158, %add3A_160 : vector<2x2048xi32>
    %jit3A_162 = arith.constant 5.120000e+02 : f32
    %rem3A_163 = vector.broadcast %jit3A_162 : f32 to vector<2x2048xf32>
    %rem3A_164 = arith.remf %add3A_152, %rem3A_163 : vector<2x2048xf32>
    %ne3A_165 = arith.constant 0.000000e+00 : f32
    %ne3A_166 = vector.broadcast %ne3A_165 : f32 to vector<2x2048xf32>
    %ne3A_167 = arith.cmpf one, %rem3A_164, %ne3A_166 : vector<2x2048xf32>
    %lt3A_168 = arith.constant 0.000000e+00 : f32
    %lt3A_169 = vector.broadcast %lt3A_168 : f32 to vector<2x2048xf32>
    %lt3A_170 = arith.cmpf olt, %rem3A_164, %lt3A_169 : vector<2x2048xf32>
    %lt3A_171 = arith.constant 0.000000e+00 : f32
    %lt3A_172 = arith.cmpf olt, %jit3A_162, %lt3A_171 : f32
    %ne3A_173 = vector.broadcast %lt3A_172 : i1 to vector<2x2048xi1>
    %ne3A_174 = vector.broadcast %ne3A_173 : vector<2x2048xi1> to vector<2x2048xi1>
    %ne3A_175 = arith.xori %lt3A_170, %ne3A_174 : vector<2x2048xi1>
    %and3A_176 = arith.andi %ne3A_175, %ne3A_167 : vector<2x2048xi1>
    %add3A_177 = vector.broadcast %jit3A_162 : f32 to vector<2x2048xf32>
    %add3A_178 = arith.addf %rem3A_164, %add3A_177 : vector<2x2048xf32>
    %select_n3A_179 = arith.select %and3A_176, %add3A_178, %rem3A_164 : vector<2x2048xi1>, vector<2x2048xf32>
    %convert_element_type3A_180 = arith.fptosi %select_n3A_179 : vector<2x2048xf32> to vector<2x2048xi32>
    %mul3A_181 = arith.constant 262144 : i32
    %mul3A_182 = arith.muli %select_n3A, %mul3A_181 : i32
    %slice3A_183 = vector.extract_strided_slice %convert_element_type3A_180 {offsets = [0, 0], sizes = [1, 2048], strides = [1, 1]} : vector<2x2048xi32> to vector<1x2048xi32>
    %squeeze3A_184 = vector.shape_cast %slice3A_183 : vector<1x2048xi32> to vector<2048xi32>
    %mul3A_185 = arith.constant 512 : i32
    %mul3A_186 = vector.broadcast %mul3A_185 : i32 to vector<2048xi32>
    %mul3A_187 = arith.muli %squeeze3A_184, %mul3A_186 : vector<2048xi32>
    %add3A_188 = vector.broadcast %mul3A_182 : i32 to vector<2048xi32>
    %add3A_189 = arith.addi %add3A_188, %mul3A_187 : vector<2048xi32>
    %swap3A_190 = arith.constant 2 : index
    %swap3A_191 = arith.constant 0 : index
    %swap3A_192 = vector.load %arg2[%swap3A_190, %swap3A_191] : memref<6x2048xi32, #tpu.memory_space<vmem>>, vector<1x2048xi32>
    %swap3A_193 = vector.shape_cast %swap3A_192 : vector<1x2048xi32> to vector<2048xi32>
    %swap3A_194 = vector.shape_cast %add3A_189 : vector<2048xi32> to vector<1x2048xi32>
    tpu.vector_store %arg2[%swap3A_190, %swap3A_191], %swap3A_194 {strides = array<i32>} : memref<6x2048xi32, #tpu.memory_space<vmem>>, vector<1x2048xi32>,
    %slice3A_195 = vector.extract_strided_slice %convert_element_type3A_180 {offsets = [1, 0], sizes = [1, 2048], strides = [1, 1]} : vector<2x2048xi32> to vector<1x2048xi32>
    %squeeze3A_196 = vector.shape_cast %slice3A_195 : vector<1x2048xi32> to vector<2048xi32>
    %swap3A_197 = arith.constant 2 : index
    %swap3A_198 = arith.constant 0 : index
    %swap3A_199 = vector.load %arg3[%swap3A_197, %swap3A_198] : memref<6x2048xi32, #tpu.memory_space<vmem>>, vector<1x2048xi32>
    %swap3A_200 = vector.shape_cast %swap3A_199 : vector<1x2048xi32> to vector<2048xi32>
    %swap3A_201 = vector.shape_cast %squeeze3A_196 : vector<2048xi32> to vector<1x2048xi32>
    tpu.vector_store %arg3[%swap3A_197, %swap3A_198], %swap3A_201 {strides = array<i32>} : memref<6x2048xi32, #tpu.memory_space<vmem>>, vector<1x2048xi32>,
    %slice3A_202 = vector.extract_strided_slice %add3A_161 {offsets = [0, 0], sizes = [1, 2048], strides = [1, 1]} : vector<2x2048xi32> to vector<1x2048xi32>
    %squeeze3A_203 = vector.shape_cast %slice3A_202 : vector<1x2048xi32> to vector<2048xi32>
    %swap3A_204 = arith.constant 2 : index
    %swap3A_205 = arith.constant 0 : index
    %swap3A_206 = vector.load %arg4[%swap3A_204, %swap3A_205] : memref<6x2048xi32, #tpu.memory_space<vmem>>, vector<1x2048xi32>
    %swap3A_207 = vector.shape_cast %swap3A_206 : vector<1x2048xi32> to vector<2048xi32>
    %swap3A_208 = vector.shape_cast %squeeze3A_203 : vector<2048xi32> to vector<1x2048xi32>
    tpu.vector_store %arg4[%swap3A_204, %swap3A_205], %swap3A_208 {strides = array<i32>} : memref<6x2048xi32, #tpu.memory_space<vmem>>, vector<1x2048xi32>,
    %slice3A_209 = vector.extract_strided_slice %add3A_161 {offsets = [1, 0], sizes = [1, 2048], strides = [1, 1]} : vector<2x2048xi32> to vector<1x2048xi32>
    %squeeze3A_210 = vector.shape_cast %slice3A_209 : vector<1x2048xi32> to vector<2048xi32>
    %swap3A_211 = arith.constant 2 : index
    %swap3A_212 = arith.constant 0 : index
    %swap3A_213 = vector.load %arg5[%swap3A_211, %swap3A_212] : memref<6x2048xi32, #tpu.memory_space<vmem>>, vector<1x2048xi32>
    %swap3A_214 = vector.shape_cast %swap3A_213 : vector<1x2048xi32> to vector<2048xi32>
    %swap3A_215 = vector.shape_cast %squeeze3A_210 : vector<2048xi32> to vector<1x2048xi32>
    tpu.vector_store %arg5[%swap3A_211, %swap3A_212], %swap3A_215 {strides = array<i32>} : memref<6x2048xi32, #tpu.memory_space<vmem>>, vector<1x2048xi32>,
    %add3A_216 = arith.constant 4.000000e+00 : f32
    %add3A_217 = vector.broadcast %add3A_216 : f32 to vector<2x2048xf32>
    %add3A_218 = arith.addf %floor3A, %add3A_217 : vector<2x2048xf32>
    %sub3A_219 = arith.subf %mul3A_21, %add3A_218 : vector<2x2048xf32>
    %mul3A_220 = arith.constant 1.024000e+03 : f32
    %mul3A_221 = vector.broadcast %mul3A_220 : f32 to vector<2x2048xf32>
    %mul3A_222 = arith.mulf %sub3A_219, %mul3A_221 : vector<2x2048xf32>
    %round3A_223 = math.roundeven %mul3A_222 : vector<2x2048xf32>
    %convert_element_type3A_224 = arith.fptosi %round3A_223 : vector<2x2048xf32> to vector<2x2048xi32>
    %add3A_225 = arith.constant 3072 : i32
    %add3A_226 = vector.broadcast %add3A_225 : i32 to vector<2x2048xi32>
    %add3A_227 = arith.addi %convert_element_type3A_224, %add3A_226 : vector<2x2048xi32>
    %jit3A_228 = arith.constant 5.120000e+02 : f32
    %rem3A_229 = vector.broadcast %jit3A_228 : f32 to vector<2x2048xf32>
    %rem3A_230 = arith.remf %add3A_218, %rem3A_229 : vector<2x2048xf32>
    %ne3A_231 = arith.constant 0.000000e+00 : f32
    %ne3A_232 = vector.broadcast %ne3A_231 : f32 to vector<2x2048xf32>
    %ne3A_233 = arith.cmpf one, %rem3A_230, %ne3A_232 : vector<2x2048xf32>
    %lt3A_234 = arith.constant 0.000000e+00 : f32
    %lt3A_235 = vector.broadcast %lt3A_234 : f32 to vector<2x2048xf32>
    %lt3A_236 = arith.cmpf olt, %rem3A_230, %lt3A_235 : vector<2x2048xf32>
    %lt3A_237 = arith.constant 0.000000e+00 : f32
    %lt3A_238 = arith.cmpf olt, %jit3A_228, %lt3A_237 : f32
    %ne3A_239 = vector.broadcast %lt3A_238 : i1 to vector<2x2048xi1>
    %ne3A_240 = vector.broadcast %ne3A_239 : vector<2x2048xi1> to vector<2x2048xi1>
    %ne3A_241 = arith.xori %lt3A_236, %ne3A_240 : vector<2x2048xi1>
    %and3A_242 = arith.andi %ne3A_241, %ne3A_233 : vector<2x2048xi1>
    %add3A_243 = vector.broadcast %jit3A_228 : f32 to vector<2x2048xf32>
    %add3A_244 = arith.addf %rem3A_230, %add3A_243 : vector<2x2048xf32>
    %select_n3A_245 = arith.select %and3A_242, %add3A_244, %rem3A_230 : vector<2x2048xi1>, vector<2x2048xf32>
    %convert_element_type3A_246 = arith.fptosi %select_n3A_245 : vector<2x2048xf32> to vector<2x2048xi32>
    %mul3A_247 = arith.constant 262144 : i32
    %mul3A_248 = arith.muli %select_n3A, %mul3A_247 : i32
    %slice3A_249 = vector.extract_strided_slice %convert_element_type3A_246 {offsets = [0, 0], sizes = [1, 2048], strides = [1, 1]} : vector<2x2048xi32> to vector<1x2048xi32>
    %squeeze3A_250 = vector.shape_cast %slice3A_249 : vector<1x2048xi32> to vector<2048xi32>
    %mul3A_251 = arith.constant 512 : i32
    %mul3A_252 = vector.broadcast %mul3A_251 : i32 to vector<2048xi32>
    %mul3A_253 = arith.muli %squeeze3A_250, %mul3A_252 : vector<2048xi32>
    %add3A_254 = vector.broadcast %mul3A_248 : i32 to vector<2048xi32>
    %add3A_255 = arith.addi %add3A_254, %mul3A_253 : vector<2048xi32>
    %swap3A_256 = arith.constant 3 : index
    %swap3A_257 = arith.constant 0 : index
    %swap3A_258 = vector.load %arg2[%swap3A_256, %swap3A_257] : memref<6x2048xi32, #tpu.memory_space<vmem>>, vector<1x2048xi32>
    %swap3A_259 = vector.shape_cast %swap3A_258 : vector<1x2048xi32> to vector<2048xi32>
    %swap3A_260 = vector.shape_cast %add3A_255 : vector<2048xi32> to vector<1x2048xi32>
    tpu.vector_store %arg2[%swap3A_256, %swap3A_257], %swap3A_260 {strides = array<i32>} : memref<6x2048xi32, #tpu.memory_space<vmem>>, vector<1x2048xi32>,
    %slice3A_261 = vector.extract_strided_slice %convert_element_type3A_246 {offsets = [1, 0], sizes = [1, 2048], strides = [1, 1]} : vector<2x2048xi32> to vector<1x2048xi32>
    %squeeze3A_262 = vector.shape_cast %slice3A_261 : vector<1x2048xi32> to vector<2048xi32>
    %swap3A_263 = arith.constant 3 : index
    %swap3A_264 = arith.constant 0 : index
    %swap3A_265 = vector.load %arg3[%swap3A_263, %swap3A_264] : memref<6x2048xi32, #tpu.memory_space<vmem>>, vector<1x2048xi32>
    %swap3A_266 = vector.shape_cast %swap3A_265 : vector<1x2048xi32> to vector<2048xi32>
    %swap3A_267 = vector.shape_cast %squeeze3A_262 : vector<2048xi32> to vector<1x2048xi32>
    tpu.vector_store %arg3[%swap3A_263, %swap3A_264], %swap3A_267 {strides = array<i32>} : memref<6x2048xi32, #tpu.memory_space<vmem>>, vector<1x2048xi32>,
    %slice3A_268 = vector.extract_strided_slice %add3A_227 {offsets = [0, 0], sizes = [1, 2048], strides = [1, 1]} : vector<2x2048xi32> to vector<1x2048xi32>
    %squeeze3A_269 = vector.shape_cast %slice3A_268 : vector<1x2048xi32> to vector<2048xi32>
    %swap3A_270 = arith.constant 3 : index
    %swap3A_271 = arith.constant 0 : index
    %swap3A_272 = vector.load %arg4[%swap3A_270, %swap3A_271] : memref<6x2048xi32, #tpu.memory_space<vmem>>, vector<1x2048xi32>
    %swap3A_273 = vector.shape_cast %swap3A_272 : vector<1x2048xi32> to vector<2048xi32>
    %swap3A_274 = vector.shape_cast %squeeze3A_269 : vector<2048xi32> to vector<1x2048xi32>
    tpu.vector_store %arg4[%swap3A_270, %swap3A_271], %swap3A_274 {strides = array<i32>} : memref<6x2048xi32, #tpu.memory_space<vmem>>, vector<1x2048xi32>,
    %slice3A_275 = vector.extract_strided_slice %add3A_227 {offsets = [1, 0], sizes = [1, 2048], strides = [1, 1]} : vector<2x2048xi32> to vector<1x2048xi32>
    %squeeze3A_276 = vector.shape_cast %slice3A_275 : vector<1x2048xi32> to vector<2048xi32>
    %swap3A_277 = arith.constant 3 : index
    %swap3A_278 = arith.constant 0 : index
    %swap3A_279 = vector.load %arg5[%swap3A_277, %swap3A_278] : memref<6x2048xi32, #tpu.memory_space<vmem>>, vector<1x2048xi32>
    %swap3A_280 = vector.shape_cast %swap3A_279 : vector<1x2048xi32> to vector<2048xi32>
    %swap3A_281 = vector.shape_cast %squeeze3A_276 : vector<2048xi32> to vector<1x2048xi32>
    tpu.vector_store %arg5[%swap3A_277, %swap3A_278], %swap3A_281 {strides = array<i32>} : memref<6x2048xi32, #tpu.memory_space<vmem>>, vector<1x2048xi32>,
    %add3A_282 = arith.constant 5.000000e+00 : f32
    %add3A_283 = vector.broadcast %add3A_282 : f32 to vector<2x2048xf32>
    %add3A_284 = arith.addf %floor3A, %add3A_283 : vector<2x2048xf32>
    %sub3A_285 = arith.subf %mul3A_21, %add3A_284 : vector<2x2048xf32>
    %mul3A_286 = arith.constant 1.024000e+03 : f32
    %mul3A_287 = vector.broadcast %mul3A_286 : f32 to vector<2x2048xf32>
    %mul3A_288 = arith.mulf %sub3A_285, %mul3A_287 : vector<2x2048xf32>
    %round3A_289 = math.roundeven %mul3A_288 : vector<2x2048xf32>
    %convert_element_type3A_290 = arith.fptosi %round3A_289 : vector<2x2048xf32> to vector<2x2048xi32>
    %add3A_291 = arith.constant 3072 : i32
    %add3A_292 = vector.broadcast %add3A_291 : i32 to vector<2x2048xi32>
    %add3A_293 = arith.addi %convert_element_type3A_290, %add3A_292 : vector<2x2048xi32>
    %jit3A_294 = arith.constant 5.120000e+02 : f32
    %rem3A_295 = vector.broadcast %jit3A_294 : f32 to vector<2x2048xf32>
    %rem3A_296 = arith.remf %add3A_284, %rem3A_295 : vector<2x2048xf32>
    %ne3A_297 = arith.constant 0.000000e+00 : f32
    %ne3A_298 = vector.broadcast %ne3A_297 : f32 to vector<2x2048xf32>
    %ne3A_299 = arith.cmpf one, %rem3A_296, %ne3A_298 : vector<2x2048xf32>
    %lt3A_300 = arith.constant 0.000000e+00 : f32
    %lt3A_301 = vector.broadcast %lt3A_300 : f32 to vector<2x2048xf32>
    %lt3A_302 = arith.cmpf olt, %rem3A_296, %lt3A_301 : vector<2x2048xf32>
    %lt3A_303 = arith.constant 0.000000e+00 : f32
    %lt3A_304 = arith.cmpf olt, %jit3A_294, %lt3A_303 : f32
    %ne3A_305 = vector.broadcast %lt3A_304 : i1 to vector<2x2048xi1>
    %ne3A_306 = vector.broadcast %ne3A_305 : vector<2x2048xi1> to vector<2x2048xi1>
    %ne3A_307 = arith.xori %lt3A_302, %ne3A_306 : vector<2x2048xi1>
    %and3A_308 = arith.andi %ne3A_307, %ne3A_299 : vector<2x2048xi1>
    %add3A_309 = vector.broadcast %jit3A_294 : f32 to vector<2x2048xf32>
    %add3A_310 = arith.addf %rem3A_296, %add3A_309 : vector<2x2048xf32>
    %select_n3A_311 = arith.select %and3A_308, %add3A_310, %rem3A_296 : vector<2x2048xi1>, vector<2x2048xf32>
    %convert_element_type3A_312 = arith.fptosi %select_n3A_311 : vector<2x2048xf32> to vector<2x2048xi32>
    %mul3A_313 = arith.constant 262144 : i32
    %mul3A_314 = arith.muli %select_n3A, %mul3A_313 : i32
    %slice3A_315 = vector.extract_strided_slice %convert_element_type3A_312 {offsets = [0, 0], sizes = [1, 2048], strides = [1, 1]} : vector<2x2048xi32> to vector<1x2048xi32>
    %squeeze3A_316 = vector.shape_cast %slice3A_315 : vector<1x2048xi32> to vector<2048xi32>
    %mul3A_317 = arith.constant 512 : i32
    %mul3A_318 = vector.broadcast %mul3A_317 : i32 to vector<2048xi32>
    %mul3A_319 = arith.muli %squeeze3A_316, %mul3A_318 : vector<2048xi32>
    %add3A_320 = vector.broadcast %mul3A_314 : i32 to vector<2048xi32>
    %add3A_321 = arith.addi %add3A_320, %mul3A_319 : vector<2048xi32>
    %swap3A_322 = arith.constant 4 : index
    %swap3A_323 = arith.constant 0 : index
    %swap3A_324 = vector.load %arg2[%swap3A_322, %swap3A_323] : memref<6x2048xi32, #tpu.memory_space<vmem>>, vector<1x2048xi32>
    %swap3A_325 = vector.shape_cast %swap3A_324 : vector<1x2048xi32> to vector<2048xi32>
    %swap3A_326 = vector.shape_cast %add3A_321 : vector<2048xi32> to vector<1x2048xi32>
    tpu.vector_store %arg2[%swap3A_322, %swap3A_323], %swap3A_326 {strides = array<i32>} : memref<6x2048xi32, #tpu.memory_space<vmem>>, vector<1x2048xi32>,
    %slice3A_327 = vector.extract_strided_slice %convert_element_type3A_312 {offsets = [1, 0], sizes = [1, 2048], strides = [1, 1]} : vector<2x2048xi32> to vector<1x2048xi32>
    %squeeze3A_328 = vector.shape_cast %slice3A_327 : vector<1x2048xi32> to vector<2048xi32>
    %swap3A_329 = arith.constant 4 : index
    %swap3A_330 = arith.constant 0 : index
    %swap3A_331 = vector.load %arg3[%swap3A_329, %swap3A_330] : memref<6x2048xi32, #tpu.memory_space<vmem>>, vector<1x2048xi32>
    %swap3A_332 = vector.shape_cast %swap3A_331 : vector<1x2048xi32> to vector<2048xi32>
    %swap3A_333 = vector.shape_cast %squeeze3A_328 : vector<2048xi32> to vector<1x2048xi32>
    tpu.vector_store %arg3[%swap3A_329, %swap3A_330], %swap3A_333 {strides = array<i32>} : memref<6x2048xi32, #tpu.memory_space<vmem>>, vector<1x2048xi32>,
    %slice3A_334 = vector.extract_strided_slice %add3A_293 {offsets = [0, 0], sizes = [1, 2048], strides = [1, 1]} : vector<2x2048xi32> to vector<1x2048xi32>
    %squeeze3A_335 = vector.shape_cast %slice3A_334 : vector<1x2048xi32> to vector<2048xi32>
    %swap3A_336 = arith.constant 4 : index
    %swap3A_337 = arith.constant 0 : index
    %swap3A_338 = vector.load %arg4[%swap3A_336, %swap3A_337] : memref<6x2048xi32, #tpu.memory_space<vmem>>, vector<1x2048xi32>
    %swap3A_339 = vector.shape_cast %swap3A_338 : vector<1x2048xi32> to vector<2048xi32>
    %swap3A_340 = vector.shape_cast %squeeze3A_335 : vector<2048xi32> to vector<1x2048xi32>
    tpu.vector_store %arg4[%swap3A_336, %swap3A_337], %swap3A_340 {strides = array<i32>} : memref<6x2048xi32, #tpu.memory_space<vmem>>, vector<1x2048xi32>,
    %slice3A_341 = vector.extract_strided_slice %add3A_293 {offsets = [1, 0], sizes = [1, 2048], strides = [1, 1]} : vector<2x2048xi32> to vector<1x2048xi32>
    %squeeze3A_342 = vector.shape_cast %slice3A_341 : vector<1x2048xi32> to vector<2048xi32>
    %swap3A_343 = arith.constant 4 : index
    %swap3A_344 = arith.constant 0 : index
    %swap3A_345 = vector.load %arg5[%swap3A_343, %swap3A_344] : memref<6x2048xi32, #tpu.memory_space<vmem>>, vector<1x2048xi32>
    %swap3A_346 = vector.shape_cast %swap3A_345 : vector<1x2048xi32> to vector<2048xi32>
    %swap3A_347 = vector.shape_cast %squeeze3A_342 : vector<2048xi32> to vector<1x2048xi32>
    tpu.vector_store %arg5[%swap3A_343, %swap3A_344], %swap3A_347 {strides = array<i32>} : memref<6x2048xi32, #tpu.memory_space<vmem>>, vector<1x2048xi32>,
    %add3A_348 = arith.constant 6.000000e+00 : f32
    %add3A_349 = vector.broadcast %add3A_348 : f32 to vector<2x2048xf32>
    %add3A_350 = arith.addf %floor3A, %add3A_349 : vector<2x2048xf32>
    %sub3A_351 = arith.subf %mul3A_21, %add3A_350 : vector<2x2048xf32>
    %mul3A_352 = arith.constant 1.024000e+03 : f32
    %mul3A_353 = vector.broadcast %mul3A_352 : f32 to vector<2x2048xf32>
    %mul3A_354 = arith.mulf %sub3A_351, %mul3A_353 : vector<2x2048xf32>
    %round3A_355 = math.roundeven %mul3A_354 : vector<2x2048xf32>
    %convert_element_type3A_356 = arith.fptosi %round3A_355 : vector<2x2048xf32> to vector<2x2048xi32>
    %add3A_357 = arith.constant 3072 : i32
    %add3A_358 = vector.broadcast %add3A_357 : i32 to vector<2x2048xi32>
    %add3A_359 = arith.addi %convert_element_type3A_356, %add3A_358 : vector<2x2048xi32>
    %jit3A_360 = arith.constant 5.120000e+02 : f32
    %rem3A_361 = vector.broadcast %jit3A_360 : f32 to vector<2x2048xf32>
    %rem3A_362 = arith.remf %add3A_350, %rem3A_361 : vector<2x2048xf32>
    %ne3A_363 = arith.constant 0.000000e+00 : f32
    %ne3A_364 = vector.broadcast %ne3A_363 : f32 to vector<2x2048xf32>
    %ne3A_365 = arith.cmpf one, %rem3A_362, %ne3A_364 : vector<2x2048xf32>
    %lt3A_366 = arith.constant 0.000000e+00 : f32
    %lt3A_367 = vector.broadcast %lt3A_366 : f32 to vector<2x2048xf32>
    %lt3A_368 = arith.cmpf olt, %rem3A_362, %lt3A_367 : vector<2x2048xf32>
    %lt3A_369 = arith.constant 0.000000e+00 : f32
    %lt3A_370 = arith.cmpf olt, %jit3A_360, %lt3A_369 : f32
    %ne3A_371 = vector.broadcast %lt3A_370 : i1 to vector<2x2048xi1>
    %ne3A_372 = vector.broadcast %ne3A_371 : vector<2x2048xi1> to vector<2x2048xi1>
    %ne3A_373 = arith.xori %lt3A_368, %ne3A_372 : vector<2x2048xi1>
    %and3A_374 = arith.andi %ne3A_373, %ne3A_365 : vector<2x2048xi1>
    %add3A_375 = vector.broadcast %jit3A_360 : f32 to vector<2x2048xf32>
    %add3A_376 = arith.addf %rem3A_362, %add3A_375 : vector<2x2048xf32>
    %select_n3A_377 = arith.select %and3A_374, %add3A_376, %rem3A_362 : vector<2x2048xi1>, vector<2x2048xf32>
    %convert_element_type3A_378 = arith.fptosi %select_n3A_377 : vector<2x2048xf32> to vector<2x2048xi32>
    %mul3A_379 = arith.constant 262144 : i32
    %mul3A_380 = arith.muli %select_n3A, %mul3A_379 : i32
    %slice3A_381 = vector.extract_strided_slice %convert_element_type3A_378 {offsets = [0, 0], sizes = [1, 2048], strides = [1, 1]} : vector<2x2048xi32> to vector<1x2048xi32>
    %squeeze3A_382 = vector.shape_cast %slice3A_381 : vector<1x2048xi32> to vector<2048xi32>
    %mul3A_383 = arith.constant 512 : i32
    %mul3A_384 = vector.broadcast %mul3A_383 : i32 to vector<2048xi32>
    %mul3A_385 = arith.muli %squeeze3A_382, %mul3A_384 : vector<2048xi32>
    %add3A_386 = vector.broadcast %mul3A_380 : i32 to vector<2048xi32>
    %add3A_387 = arith.addi %add3A_386, %mul3A_385 : vector<2048xi32>
    %swap3A_388 = arith.constant 5 : index
    %swap3A_389 = arith.constant 0 : index
    %swap3A_390 = vector.load %arg2[%swap3A_388, %swap3A_389] : memref<6x2048xi32, #tpu.memory_space<vmem>>, vector<1x2048xi32>
    %swap3A_391 = vector.shape_cast %swap3A_390 : vector<1x2048xi32> to vector<2048xi32>
    %swap3A_392 = vector.shape_cast %add3A_387 : vector<2048xi32> to vector<1x2048xi32>
    tpu.vector_store %arg2[%swap3A_388, %swap3A_389], %swap3A_392 {strides = array<i32>} : memref<6x2048xi32, #tpu.memory_space<vmem>>, vector<1x2048xi32>,
    %slice3A_393 = vector.extract_strided_slice %convert_element_type3A_378 {offsets = [1, 0], sizes = [1, 2048], strides = [1, 1]} : vector<2x2048xi32> to vector<1x2048xi32>
    %squeeze3A_394 = vector.shape_cast %slice3A_393 : vector<1x2048xi32> to vector<2048xi32>
    %swap3A_395 = arith.constant 5 : index
    %swap3A_396 = arith.constant 0 : index
    %swap3A_397 = vector.load %arg3[%swap3A_395, %swap3A_396] : memref<6x2048xi32, #tpu.memory_space<vmem>>, vector<1x2048xi32>
    %swap3A_398 = vector.shape_cast %swap3A_397 : vector<1x2048xi32> to vector<2048xi32>
    %swap3A_399 = vector.shape_cast %squeeze3A_394 : vector<2048xi32> to vector<1x2048xi32>
    tpu.vector_store %arg3[%swap3A_395, %swap3A_396], %swap3A_399 {strides = array<i32>} : memref<6x2048xi32, #tpu.memory_space<vmem>>, vector<1x2048xi32>,
    %slice3A_400 = vector.extract_strided_slice %add3A_359 {offsets = [0, 0], sizes = [1, 2048], strides = [1, 1]} : vector<2x2048xi32> to vector<1x2048xi32>
    %squeeze3A_401 = vector.shape_cast %slice3A_400 : vector<1x2048xi32> to vector<2048xi32>
    %swap3A_402 = arith.constant 5 : index
    %swap3A_403 = arith.constant 0 : index
    %swap3A_404 = vector.load %arg4[%swap3A_402, %swap3A_403] : memref<6x2048xi32, #tpu.memory_space<vmem>>, vector<1x2048xi32>
    %swap3A_405 = vector.shape_cast %swap3A_404 : vector<1x2048xi32> to vector<2048xi32>
    %swap3A_406 = vector.shape_cast %squeeze3A_401 : vector<2048xi32> to vector<1x2048xi32>
    tpu.vector_store %arg4[%swap3A_402, %swap3A_403], %swap3A_406 {strides = array<i32>} : memref<6x2048xi32, #tpu.memory_space<vmem>>, vector<1x2048xi32>,
    %slice3A_407 = vector.extract_strided_slice %add3A_359 {offsets = [1, 0], sizes = [1, 2048], strides = [1, 1]} : vector<2x2048xi32> to vector<1x2048xi32>
    %squeeze3A_408 = vector.shape_cast %slice3A_407 : vector<1x2048xi32> to vector<2048xi32>
    %swap3A_409 = arith.constant 5 : index
    %swap3A_410 = arith.constant 0 : index
    %swap3A_411 = vector.load %arg5[%swap3A_409, %swap3A_410] : memref<6x2048xi32, #tpu.memory_space<vmem>>, vector<1x2048xi32>
    %swap3A_412 = vector.shape_cast %swap3A_411 : vector<1x2048xi32> to vector<2048xi32>
    %swap3A_413 = vector.shape_cast %squeeze3A_408 : vector<2048xi32> to vector<1x2048xi32>
    tpu.vector_store %arg5[%swap3A_409, %swap3A_410], %swap3A_413 {strides = array<i32>} : memref<6x2048xi32, #tpu.memory_space<vmem>>, vector<1x2048xi32>,
    return
  }
  func.func @transform_0(%arg0: i32) -> (i32, i32, i32) {
    %jit3A = arith.constant 16 : i32
    %div3A = arith.divsi %arg0, %jit3A : i32
    %sign3A = arith.constant 0 : i32
    %sign3A_0 = arith.cmpi sgt, %arg0, %sign3A : i32
    %sign3A_1 = arith.extui %sign3A_0 : i1 to i32
    %sign3A_2 = arith.constant 0 : i32
    %sign3A_3 = arith.cmpi slt, %arg0, %sign3A_2 : i32
    %sign3A_4 = arith.extui %sign3A_3 : i1 to i32
    %sign3A_5 = arith.subi %sign3A_1, %sign3A_4 : i32
    %sign3A_6 = arith.constant 0 : i32
    %sign3A_7 = arith.cmpi sgt, %jit3A, %sign3A_6 : i32
    %sign3A_8 = arith.extui %sign3A_7 : i1 to i32
    %sign3A_9 = arith.constant 0 : i32
    %sign3A_10 = arith.cmpi slt, %jit3A, %sign3A_9 : i32
    %sign3A_11 = arith.extui %sign3A_10 : i1 to i32
    %sign3A_12 = arith.subi %sign3A_8, %sign3A_11 : i32
    %ne3A = arith.cmpi ne, %sign3A_5, %sign3A_12 : i32
    %rem3A = arith.remsi %arg0, %jit3A : i32
    %ne3A_13 = arith.constant 0 : i32
    %ne3A_14 = arith.cmpi ne, %rem3A, %ne3A_13 : i32
    %and3A = arith.andi %ne3A, %ne3A_14 : i1
    %sub3A = arith.constant 1 : i32
    %sub3A_15 = arith.subi %div3A, %sub3A : i32
    %select_n3A = arith.select %and3A, %sub3A_15, %div3A : i32
    %jit3A_16 = arith.constant 16 : i32
    %eq3A = arith.constant 0 : i32
    %eq3A_17 = arith.cmpi eq, %jit3A_16, %eq3A : i32
    %jit3A_18 = arith.constant 1 : i32
    %select_n3A_19 = arith.select %eq3A_17, %jit3A_18, %jit3A_16 : i32
    %rem3A_20 = arith.remsi %arg0, %select_n3A_19 : i32
    %ne3A_21 = arith.constant 0 : i32
    %ne3A_22 = arith.cmpi ne, %rem3A_20, %ne3A_21 : i32
    %lt3A = arith.constant 0 : i32
    %lt3A_23 = arith.cmpi slt, %rem3A_20, %lt3A : i32
    %lt3A_24 = arith.constant 0 : i32
    %lt3A_25 = arith.cmpi slt, %select_n3A_19, %lt3A_24 : i32
    %ne3A_26 = arith.xori %lt3A_23, %lt3A_25 : i1
    %and3A_27 = arith.andi %ne3A_26, %ne3A_22 : i1
    %add3A = arith.addi %rem3A_20, %select_n3A_19 : i32
    %select_n3A_28 = arith.select %and3A_27, %add3A, %rem3A_20 : i32
    %c0_i32 = arith.constant 0 : i32
    %c0_i32_29 = arith.constant 0 : i32
    return %select_n3A, %c0_i32, %select_n3A_28 : i32, i32, i32
  }
  func.func @transform_1(%arg0: i32) -> (i32, i32) {
    %c0_i32 = arith.constant 0 : i32
    %c0_i32_0 = arith.constant 0 : i32
    return %c0_i32, %arg0 : i32, i32
  }
  func.func @transform_2(%arg0: i32) -> (i32, i32) {
    %c0_i32 = arith.constant 0 : i32
    %c0_i32_0 = arith.constant 0 : i32
    return %c0_i32, %arg0 : i32, i32
  }
  func.func @transform_3(%arg0: i32) -> (i32, i32) {
    %c0_i32 = arith.constant 0 : i32
    %c0_i32_0 = arith.constant 0 : i32
    return %c0_i32, %arg0 : i32, i32
  }
  func.func @transform_4(%arg0: i32) -> (i32, i32) {
    %c0_i32 = arith.constant 0 : i32
    %c0_i32_0 = arith.constant 0 : i32
    return %c0_i32, %arg0 : i32, i32
  }
}

</mosaic_0001>

<sc_bundles>
// kernel: kernel.5.cloned.1.call-start
scs
__scs_entry_jumppad:
0x0: {  	(pc) =	sbr.rel $0x88, $3  }
0x1: {  	(tag) =	ssettag $0x0;
	lr =	simm.s32 $0x1  }
0x2: {  	[smem:$0x3F9B] =	sst lr;
	_ =	strace $0xD0000000  }
0x3: {  	_ = 	snop  }
0x4: {  	_ = 	snop  }
0x5: {  	_ = 	snop  }
0x6: {  	_ = 	snop  }
0x7: {  	_ = 	snop  }
__scs_overlays_trampoline_lowered:
0x8: {  	[smem:$0x3FAA] =	sst s0  }
0x9: {  	[smem:$0x3FAB] =	sst s1  }
0xa: {  	[smem:$0x3FAC] =	sst s2  }
0xb: {  	[smem:$0x3FAD] =	sst s3  }
0xc: {  	[smem:$0x3FAE] =	sst s4  }
0xd: {  	[smem:$0x3FAF] =	sst s5  }
0xe: {  	[smem:$0x3FB0] =	sst s6  }
0xf: {  	[smem:$0x3FB1] =	sst s7  }
0x10: {  	[smem:$0x3FB2] =	sst s8  }
0x11: {  	[smem:$0x3FB3] =	sst s9;
	s0 =	simm.s32 @!p0 $0x0  }
0x12: {  	s1 =	sld [smem:$0x3F99];
	s0 =	simm.s32 @p0 $0x1  }
0x13: {  	[smem:$0x3FB4] =	sst s0;
	s0 =	simm.s32 @!p1 $0x0  }
0x14: {  	s2 =	sld [smem:$0x3F98];
	s0 =	simm.s32 @p1 $0x1  }
0x15: {  	[smem:$0x3FB5] =	sst s0;
	s0 =	simm.s32 @!p2 $0x0  }
0x16: {  	s3 =	sld [smem:$0x3FDB];
	s0 =	simm.s32 @p2 $0x1  }
0x17: {  	s4 =	simm.s32 $0x1BF5;
	[smem:$0x3FB7] =	sst s0  }
0x18: {  	s0 =	sld [smem:$0x3F9A];
	_ =	swait.ge [sflag:s4], $0x0  }
0x19: {  	s7 =	sld [smem:$0x3F9B]  }
0x1a: {  	s8 =	sadd.s32 $0xFFFFE003, lr  }
0x1b: {  	s9 =	sadd.s32 $0xFFFFFEF7, lr;
	s5 =	simm.s32 $0xFFFFFFFF;
	p2 =	slt.u32 s8, $0xFFFFF086  }
0x1c: {  	p1 =	slt.u32 s9, $0xF7A;
	s5 =	simm.s32 @!p2 $0x0  }
0x1d: {  	s5 =	simm.s32 @p1 $0x1;
	p0 =	seq.s32 s7, s2  }
0x1e: {  	s7 =	smul.u32 @!p0 $0xF7A, s2;
	p2 =	seq.s32 @!p0 s5, $0x0  }
0x1f: {  	s9 =	smul.u32 $0xF7A, s1;
	s8 =	simm.s32 @!p0 $0x1BF5;
	p2 =	por !p2, p0  }
0x20: {  	[sflag:s8] =	ssyncset.s32 @!p0 $0xFFFFF086;
	s6 =	sadd.s32 @!p0 s3, s7;
	s7 =	simm.s32 @!p0 $0x108  }
0x21: {  	s3 =	sadd.s32 s3, s9;
	s6 =	sadd.s32 @!p0 $0x88, s6;
	s7 =	simm.s32 @p2 $0x1082  }
0x22: {  	[simem:s7], [sflag:s8] =	dma.local @!p0 [hbm:s6], $0xF7A  }
0x23: {  	s9 =	sor.u32 $0xD0000000, s2;
	s6 =	simm.s32 $0x108;
	_ =	swait.ge @!p0 [sflag:s8], $0x0  }
0x24: {  	s3 =	sadd.s32 $0x88, s3;
	s6 =	simm.s32 @!p1 $0x1082;
	[sflag:s4] =	ssyncset.s32 $0xFFFFF086  }
0x25: {  	[simem:s6], [sflag:s4] =	dma.local [hbm:s3], $0xF7A  }
0x26: {  	[smem:$0x3F9B] =	sst s1;
	(tag) =	ssettag s2;
	_ =	strace s9  }
0x27: {  	s1 =	sld [smem:$0x3FAB]  }
0x28: {  	s2 =	sld [smem:$0x3FAC]  }
0x29: {  	s4 =	sld [smem:$0x3FAE]  }
0x2a: {  	p0 =	seq.s32 s5, $0x0;
	s5 =	sld [smem:$0x3FAF]  }
0x2b: {  	s6 =	sld [smem:$0x3FB0]  }
0x2c: {  	s7 =	sld [smem:$0x3FB1]  }
0x2d: {  	s3 =	simm.s32 $0x108;
	s8 =	sld [smem:$0x3FB2]  }
0x2e: {  	s3 =	simm.s32 @!p0 $0x1082;
	s9 =	sld [smem:$0x3FB3]  }
0x2f: {  	lr =	sadd.s32 s0, s3;
	s0 =	sld [smem:$0x3FAA]  }
0x30: {  	s3 =	sld [smem:$0x3FAD]  }
0x31: {  	[smem:$0x3FB6] =	sst s10  }
0x32: {  	s10 =	sld [smem:$0x3FB4];
	_ =	sdelay $0x3  }
0x33: {  	p0 =	seq.s32 s10, $0x1;
	s10 =	sld [smem:$0x3FB6];
	_ =	sdelay $0x3  }
0x34: {  	[smem:$0x3FB6] =	sst s10  }
0x35: {  	s10 =	sld [smem:$0x3FB5];
	_ =	sdelay $0x3  }
0x36: {  	p1 =	seq.s32 s10, $0x1;
	s10 =	sld [smem:$0x3FB6];
	_ =	sdelay $0x3  }
0x37: {  	[smem:$0x3FB6] =	sst s10  }
0x38: {  	s10 =	sld [smem:$0x3FB7]  }
0x39: {  	_ = 	snop;
	(pc) =	sbr.ind lr, $3  }
0x3a: {  	_ = 	snop  }
0x3b: {  	_ = 	snop  }
0x3c: {  	p2 =	seq.s32 s10, $0x1;
	s10 =	sld [smem:$0x3FB6]  }
0x3d: {  	_ =	shalt  }
0x3e: {  	_ =	shalt  }
0x3f: {  	_ =	shalt  }
0x40: {  	_ =	shalt  }
0x41: {  	_ =	shalt  }
0x42: {  	_ =	shalt  }
0x43: {  	_ =	shalt  }
0x44: {  	_ =	shalt  }
0x45: {  	_ =	shalt  }
0x46: {  	_ =	shalt  }
0x47: {  	_ =	shalt  }
0x48: {  	_ =	shalt  }
0x49: {  	_ =	shalt  }
0x4a: {  	_ =	shalt  }
0x4b: {  	_ =	shalt  }
0x4c: {  	_ =	shalt  }
0x4d: {  	_ =	shalt  }
0x4e: {  	_ =	shalt  }
0x4f: {  	_ =	shalt  }
0x50: {  	_ =	shalt  }
0x51: {  	_ =	shalt  }
0x52: {  	_ =	shalt  }
0x53: {  	_ =	shalt  }
0x54: {  	_ =	shalt  }
0x55: {  	_ =	shalt  }
0x56: {  	_ =	shalt  }
0x57: {  	_ =	shalt  }
0x58: {  	_ =	shalt  }
0x59: {  	_ =	shalt  }
0x5a: {  	_ =	shalt  }
0x5b: {  	_ =	shalt  }
0x5c: {  	_ =	shalt  }
0x5d: {  	_ =	shalt  }
0x5e: {  	_ =	shalt  }
0x5f: {  	_ =	shalt  }
0x60: {  	_ =	shalt  }
0x61: {  	_ =	shalt  }
0x62: {  	_ =	shalt  }
0x63: {  	_ =	shalt  }
0x64: {  	_ =	shalt  }
0x65: {  	_ =	shalt  }
0x66: {  	_ =	shalt  }
0x67: {  	_ =	shalt  }
0x68: {  	_ =	shalt  }
0x69: {  	_ =	shalt  }
0x6a: {  	_ =	shalt  }
0x6b: {  	_ =	shalt  }
0x6c: {  	_ =	shalt  }
0x6d: {  	_ =	shalt  }
0x6e: {  	_ =	shalt  }
0x6f: {  	_ =	shalt  }
0x70: {  	_ =	shalt  }
0x71: {  	_ =	shalt  }
0x72: {  	_ =	shalt  }
0x73: {  	_ =	shalt  }
0x74: {  	_ =	shalt  }
0x75: {  	_ =	shalt  }
0x76: {  	_ =	shalt  }
0x77: {  	_ =	shalt  }
0x78: {  	_ =	shalt  }
0x79: {  	_ =	shalt  }
0x7a: {  	_ =	shalt  }
0x7b: {  	_ =	shalt  }
0x7c: {  	_ =	shalt  }
0x7d: {  	_ =	shalt  }
0x7e: {  	_ =	shalt  }
0x7f: {  	_ =	shalt  }
0x80: {  	_ =	shalt  }
0x81: {  	_ =	shalt  }
0x82: {  	_ =	shalt  }
0x83: {  	_ =	shalt  }
0x84: {  	_ =	shalt  }
0x85: {  	_ =	shalt  }
0x86: {  	_ =	shalt  }
0x87: {  	_ =	shalt  }
.Lfunc_end0:
.L_simem_size_0:
called_computation.2_lowered:
.L_overlay_start_0:
0x88: {  	s2 =	sld [smem:$0x3FD9]  }
0x89: {  	s3 =	sld [smem:$0x3FFE];
	_ =	sdelay $0x1  }
0x8a: {  	s1 =	srdreg.scid  }
0x8b: {  	s0 =	sand.u32 $0x1, s1  }
0x8c: {  	s17 =	sshll.u32 s0, $0xA;
	s2 =	sadd.s32 s3, s2  }
0x8d: {  	s2 =	sadd.s32 s2, s17  }
0x8e: {  	[smem:$0x3FC2] =	sst s2  }
0x8f: {  	_ = 	snop  }
0x90: {  	s2 =	sld [smem:$0x3FD0];
	(tm) =	ssettm $0x1  }
0x91: {  	s18 =	sld [smem:$0x3FFB];
	_ =	sdelay $0x3  }
0x92: {  	_ =	strace s18  }
0x93: {  	s3 =	sld [smem:$0x3FFC];
	_ =	sdelay $0x3  }
0x94: {  	_ =	strace s3  }
0x95: {  	s3 =	sld [smem:$0x3FFD];
	_ =	sdelay $0x3  }
0x96: {  	_ =	strace s3  }
0x97: {  	_ =	strace $0x8FFFFFFF  }
0x98: {  	s19 =	sld [smem:$0x3FDB];
	_ =	sdelay $0x1  }
0x99: {  	s4 =	simm.s32 $_scs_section_size  }
0x9a: {  	s5 =	simm.s32 $_size__tile_overlayer_lowered;
	s6 =	simm.s32 $_tile_overlayer_lowered  }
0x9b: {  	s22 =	simm.s32 $0x1BFF;
	s21 =	sshll.u32 s6, $0x1;
	s3 =	sadd.s32 s4, s19  }
0x9c: {  	s7 =	simm.s32 $0x0;
	s20 =	sshll.u32 s5, $0x1;
	s5 =	sadd.s32 s21, s3  }
0x9d: {  	[timem:s7], [sflag:s22] =	dma.local [hbm:s5], s20  }
0x9e: {  	_ =	swait.ge [sflag:s22], s20  }
0x9f: {  	s4 =	ssub.s32 $0x0, s20;
	[sflag:s22] =	ssyncset.done $0x0  }
0xa0: {  	[sflag:s22] =	ssyncadd.s32 s4;
	_ =	sdelay $0x1  }
0xa1: {  	s23 =	simm.s32 $0x1B8B  }
0xa2: {  	_ =	swait.ge [sflag:s23], $0x1  }
0xa3: {  	[sflag:s23] =	ssyncset.done $0x0  }
0xa4: {  	s25 =	simm.s32 $0x1B8E;
	s24 =	sld [smem:$0x3FFE];
	[sflag:s23] =	ssyncadd.s32 $0xFFFFFFFF  }
0xa5: {  	s26 =	simm.s32 $execute0_lowered;
	[smem:$0x3FD2] =	sst s25  }
0xa6: {  	s5 =	sshll.u32 s26, $0x1;
	_ =	strace $0x8000004C;
	[dreg:$0x1] =	wrdreg $0xFFFFFFFF  }
0xa7: {  	s28 =	simm.s32 $_size_execute0_lowered;
	s3 =	sadd.s32 s3, s5;
	[dreg:$0x0] =	wrdreg $0x0  }
0xa8: {  	s5 =	sshll.u32 s28, $0x1;
	[dreg:$0x2] =	wrdreg s3  }
0xa9: {  	[dreg:$0x3] =	wrdreg s5  }
0xaa: {  	[dreg:$0x4] =	wrdreg $0xC0  }
0xab: {  	_ =	task [dreg:s7], $0x5FFFF  }
0xac: {  	[dreg:$0x1] =	wrdreg $0xFFFFFFFF  }
0xad: {  	[dreg:$0x0] =	wrdreg $0x60  }
0xae: {  	[dreg:$0x2] =	wrdreg s24  }
0xaf: {  	[dreg:$0x3] =	wrdreg s2  }
0xb0: {  	[dreg:$0x4] =	wrdreg $0x9  }
0xb1: {  	_ =	task.clear_ibuf [dreg:s7], $0x5FFFF;
	_ =	strace $0x9000004C  }
0xb2: {  	s29 =	simm.s32 $0x9;
	_ =	strace $0x8000004E  }
0xb3: {  	_ =	swait.ge [sflag:s29], $0x1  }
0xb4: {  	[sflag:s29] =	ssyncadd.s32 $0xFFFFFFFF  }
0xb5: {  	_ =	strace $0x9000004E  }
0xb6: {  	_ =	sfence  }
0xb7: {  	s30 =	sld [smem:$0x0];
	_ =	sdelay $0x2  }
0xb8: {  	s31 =	sshll.u32 s1, $0xD;
	s1 =	sshrl.u32 s1, $0x2  }
0xb9: {  	s3 =	sand.u32 $0x4000, s31;
	s1 =	sadd.s32 s1, s30  }
0xba: {  	s0 =	sor.u32 s3, s0;
	s1 =	sshll.u32 s1, $0x11  }
0xbb: {  	s0 =	sor.u32 s1, s0  }
0xbc: {  	s0 =	sadd.s32 $0x8F2B, s0  }
0xbd: {  	[sflag:s0] =	ssyncadd.remote.s32 $0x1  }
0xbe: {  	_ =	sfence.sel $0xFFFF  }
0xbf: {  	[dreg:$0x0] =	wrdreg $0xFFFFFFFF;
	(pc) =	sbr.abs _section_cstart, $3  }
0xc0: {  	[dreg:$0x1] =	wrdreg $0xFFFFFFFF  }
0xc1: {  	_ =	task.clear_ibuf [dreg:s7], $0x2FFFF;
	_ =	strace $0x9FFFFFFF  }
0xc2: {  	(tm) =	ssettm $0x7FFFFFFF  }
0xc3: {  	_ =	shalt  }
tec
execute0_lowered:
.L_overlay_start_1:
0x0: {  	(tag) =	ssettag $0x1  }
0x1: {  	s0 =	rddreg [dreg:$0x0]  }
0x2: {  	v0 =	vlaneseq.u32;
	s1 =	rddreg [dreg:$0x1];
	v35 =	vimm.s32 $0xEFCDAB89;
	v36 =	vimm.f32 $1.000000000e+00  }
0x3: {  	s2 =	simm.s32 $0x0;
	s17 =	srdreg.scid;
	s7 =	stileid.u32;
	vm0 =	vcmask $0x300;
	v37 =	vimm.s32 $0x67452301;
	vm9 =	vcmask $0xB08  }
0x4: {  	s14 =	simm.s32 $0x1808;
	vm10 =	vcmask $0x1310;
	vm11 =	vcmask $0x1B18;
	s28 =	simm.s32 $0x10850;
	vm12 =	vcmask $0x2320;
	s29 =	simm.s32 $0x100D0  }
0x5: {  	s30 =	simm.s32 $0x10E50;
	s31 =	simm.s32 $0x10130;
	vm13 =	vcmask $0x2B28;
	vm14 =	vcmask $0x3330;
	s13 =	simm.s32 $0x0;
	v1 =	vmul.u32 $0x24, v0  }
0x6: {  	vm15 =	vcmask $0x3B38;
	[smem:$0x7FF] =	sst s2;
	s2 =	sand.u32 $0x1, s17;
	s3 =	sadd.s32 $0x2400, s0;
	v35 =	vunpack.c.l.s4.s8 v35;
	v36 =	vsel vm0, $0xBF800000, v36  }
0x7: {  	s4 =	sshll.u32 s7, $0x1;
	s5 =	sadd.s32 $0x92A400, s0;
	s6 =	sadd.s32 $0x92A800, s0;
	v37 =	vunpack.c.l.s4.s8 v37;
	v36 =	vsel vm9, $0xBF800000, v36;
	v2 =	vor.u32 $0x1, v1  }
0x8: {  	s7 =	sshrl.u32 s7, $0x3;
	_ =	strace $0x8000004D;
	[dreg:$0x3] =	wrdreg s5;
	v3 =	vor.u32 $0x2, v1;
	v4 =	vor.u32 $0x3, v1;
	v5 =	vadd.s32 $0x4, v1  }
0x9: {  	s17 =	simm.s32 $0x11A50;
	s4 =	sor.u32 s2, s4;
	[dreg:$0x4] =	wrdreg s6;
	v6 =	vadd.s32 $0x5, v1;
	v7 =	vadd.s32 $0x6, v1;
	v8 =	vadd.s32 $0x7, v1  }
0xa: {  	s2 =	ssub.s32 $0x2, s2;
	s21 =	sshll.u32 s7, $0xF;
	s24 =	sshll.u32 s7, $0x13;
	v10 =	vadd.s32 $0x9, v1;
	v11 =	vadd.s32 $0xA, v1;
	v12 =	vadd.s32 $0xB, v1  }
0xb: {  	s5 =	simm.s32 $0x12990;
	s7 =	simm.s32 $0x0;
	v13 =	vadd.s32 $0xC, v1;
	v14 =	vadd.s32 $0xD, v1;
	s18 =	sshll.u32 s4, $0x8;
	v15 =	vadd.s32 $0xE, v1  }
0xc: {  	v16 =	vadd.s32 $0xF, v1;
	v17 =	vadd.s32 $0x10, v1;
	s20 =	sshrl.u32 s2, $0x1;
	v18 =	vadd.s32 $0x11, v1;
	s4 =	sshll.u32 s4, $0xB;
	s19 =	sadd.s32 s18, s0  }
0xd: {  	v19 =	vadd.s32 $0x12, v1;
	v20 =	vadd.s32 $0x13, v1;
	v21 =	vadd.s32 $0x14, v1;
	s0 =	sadd.s32 $0x102400, s0;
	s1 =	sadd.s32 s1, s18;
	s18 =	simm.s32 $0x101F0  }
0xe: {  	v22 =	vadd.s32 $0x15, v1;
	v23 =	vadd.s32 $0x16, v1;
	v24 =	vadd.s32 $0x17, v1;
	[dreg:$0x5] =	wrdreg s0;
	s8 =	sadd.s32 $0x902400, s19;
	s0 =	ssub.s32 s2, s20  }
0xf: {  	v25 =	vadd.s32 $0x18, v1;
	v26 =	vadd.s32 $0x19, v1;
	v27 =	vadd.s32 $0x1A, v1;
	s22 =	sadd.s32 $0x90E400, s19;
	s2 =	ssub.s32 s4, s21;
	[dreg:$0x9] =	wrdreg s1  }
0x10: {  	v9 =	vadd.s32 $0x8, v1;
	v28 =	vadd.s32 $0x1B, v1;
	v29 =	vadd.s32 $0x1C, v1;
	s23 =	sadd.s32 $0x91A400, s19;
	s25 =	sadd.s32 $0x926400, s19;
	[dreg:$0x6] =	wrdreg s8  }
0x11: {  	v30 =	vadd.s32 $0x1D, v1;
	v31 =	vadd.s32 $0x1E, v1;
	v61 =	vsel vm10, $0xBF800000, v36;
	s20 =	simm.s32 $0x12050;
	s21 =	simm.s32 $0x1;
	[dreg:$0x7] =	wrdreg s22  }
0x12: {  	v38 =	vunpack.c.0.s8.s32 v35;
	v62 =	vunpack.c.0.s8.s32 v37;
	v63 =	vsel vm11, $0xBF800000, v61;
	s1 =	simm.s32 $0x12650;
	s4 =	simm.s32 $0x12890;
	[dreg:$0x8] =	wrdreg s23  }
0x13: {  	v32 =	vadd.s32 $0x1F, v1;
	v33 =	vadd.s32 $0x20, v1;
	v37 =	vsel vm12, $0xBF800000, v63;
	[dreg:$0xa] =	wrdreg s25;
	s26 =	sadd.s32 s24, s2;
	s0 =	smax.u32 s0, $0x1  }
0x14: {  	v34 =	vadd.s32 $0x21, v1;
	v38 =	vcombine.low v62, v38;
	s22 =	simm.s32 $0xF010;
	s23 =	simm.s32 $0x10010;
	s24 =	simm.s32 $0x60;
	v37 =	vsel vm13, $0xBF800000, v37  }
0x15: {  	v35 =	vadd.s32 $0x22, v1;
	v36 =	vadd.s32 $0x23, v1;
	s25 =	simm.s32 $0x10250;
	s2 =	simm.s32 $0x10190;
	[dreg:$0xb] =	wrdreg s26;
	v39 =	vsel vm14, $0xBF800000, v37  }
0x16: {  	[dreg:$0xc] =	wrdreg s0;
	s26 =	simm.s32 $0x10070;
	s0 =	simm.s32 $0x11450;
	v37 =	vand.u32 $0xF, v38;
	v38 =	vsel vm15, $0xBF800000, v39;
	v39 =	vmul.u32 $0x80, v0  }
.LBB2_1:
0x17: {  	[dreg:$0xd] =	wrdreg s7  }
0x18: {  	s6 =	simm.s32 $0x0;
	s11 =	rddreg [dreg:$0x3];
	s10 =	simm.s32 $0x2  }
0x19: {  	[tilespmem:s6], [sflag:$0x2] =	stream.linear.gather [hbm4b:s11+s6], $0x1808, $0x38;
	[tilespmem:$0x13190] =	vst v63  }
0x1a: {  	_ =	swait.ge [sflag:s10], $0x1808  }
0x1b: {  	[sflag:s10] =	ssyncset.done $0x0  }
0x1c: {  	s12 =	rddreg [dreg:$0x4];
	[sflag:s10] =	ssyncadd.s32 $0xFFFFE7F8  }
0x1d: {  	[tilespmem:s14], [sflag:$0x2] =	stream.linear.gather [hbm4b:s12+s6], $0x1808, $0x38;
	[tilespmem:$0x13190] =	vst v63  }
0x1e: {  	_ =	swait.ge [sflag:s10], $0x1808  }
0x1f: {  	s7 =	simm.s32 $0x800;
	s8 =	simm.s32 $0x10000;
	[sflag:s10] =	ssyncset.done $0x0  }
0x20: {  	s9 =	simm.s32 $0x3010;
	s15 =	rddreg [dreg:$0x9];
	[sflag:s10] =	ssyncadd.s32 $0xFFFFE7F8  }
0x21: {  	[tilespmem:s9], [sflag:$0x2] =	stream.strided.gather [hbm4b:s15+s7], $0x3000, s8, s7, $0x38;
	[tilespmem:$0x13190] =	vst v63  }
0x22: {  	_ =	swait.ge [sflag:s10], $0x3000  }
0x23: {  	[sflag:s10] =	ssyncset.done $0x0  }
0x24: {  	s19 =	simm.s32 $0x6010;
	s16 =	rddreg [dreg:$0x6];
	[sflag:s10] =	ssyncadd.s32 $0xFFFFD000  }
0x25: {  	[tilespmem:s19], [sflag:$0x2] =	stream.strided.gather [hbm4b:s16+s7], $0x3000, s8, s7, $0x38;
	[tilespmem:$0x13190] =	vst v63  }
0x26: {  	_ =	swait.ge [sflag:s10], $0x3000  }
0x27: {  	[sflag:s10] =	ssyncset.done $0x0  }
0x28: {  	s12 =	simm.s32 $0x9010;
	s11 =	rddreg [dreg:$0x7];
	[sflag:s10] =	ssyncadd.s32 $0xFFFFD000  }
0x29: {  	[tilespmem:s12], [sflag:$0x2] =	stream.strided.gather [hbm4b:s11+s7], $0x3000, s8, s7, $0x38;
	[tilespmem:$0x13190] =	vst v63  }
0x2a: {  	_ =	swait.ge [sflag:s10], $0x3000  }
0x2b: {  	[sflag:s10] =	ssyncset.done $0x0  }
0x2c: {  	s16 =	simm.s32 $0xC010;
	s15 =	rddreg [dreg:$0x8];
	[sflag:s10] =	ssyncadd.s32 $0xFFFFD000  }
0x2d: {  	[tilespmem:s16], [sflag:$0x2] =	stream.strided.gather [hbm4b:s15+s7], $0x3000, s8, s7, $0x38;
	[tilespmem:$0x13190] =	vst v63  }
0x2e: {  	_ =	swait.ge [sflag:s10], $0x3000  }
0x2f: {  	[sflag:s10] =	ssyncset.done $0x0  }
0x30: {  	s19 =	rddreg [dreg:$0xa];
	[sflag:s10] =	ssyncadd.s32 $0xFFFFD000  }
0x31: {  	[tilespmem:s22], [sflag:$0x2] =	stream.strided.gather [hbm4b:s19+s7], $0x1000, s8, s7, $0x38;
	[tilespmem:$0x13190] =	vst v63  }
0x32: {  	_ =	swait.ge [sflag:s10], $0x1000  }
0x33: {  	[sflag:s10] =	ssyncset.done $0x0  }
0x34: {  	[sflag:s10] =	ssyncadd.s32 $0xFFFFF000;
	s10 =	simm.s32 $0x0  }
.LBB2_2:
0x35: {  	s11 =	sshll.u32 s10, $0x7  }
0x36: {  	s15 =	simm.s32 $0x0;
	v40 =	vmov s11  }
.LBB2_3:
0x37: {  	_ =	sdelay $0x2  }
0x38: {  	s16 =	sshll.u32 s15, $0x4  }
0x39: {  	v41 =	vld.idx.msk [tilespmem:v40+s16+$0xC010 ss:$0x1], $0xffff  }
0x3a: {  	v42 =	vld.idx.msk [tilespmem:v40+s16+$0x9010 ss:$0x1], $0xffff  }
0x3b: {  	v63 =	vld.idx.msk [tilespmem:v40+s16+$0xC810 ss:$0x1], $0xffff  }
0x3c: {  	v43 =	vld.idx.msk [tilespmem:v40+s16+$0xD010 ss:$0x1], $0xffff  }
0x3d: {  	v47 =	vld.idx.msk [tilespmem:v40+s16+$0xD810 ss:$0x1], $0xffff  }
0x3e: {  	v48 =	vld.idx.msk [tilespmem:v40+s16+$0xE010 ss:$0x1], $0xffff  }
0x3f: {  	v49 =	vld.idx.msk [tilespmem:v40+s16+$0xE810 ss:$0x1], $0xffff  }
0x40: {  	v50 =	vld.idx.msk [tilespmem:v40+s16+$0x3010 ss:$0x1], $0xffff  }
0x41: {  	v52 =	vld.idx.msk [tilespmem:v40+s16+$0x6010 ss:$0x1], $0xffff  }
0x42: {  	v44 =	vld.idx.msk [tilespmem:v41+s14+$0x0], $0xffff  }
0x43: {  	v51 =	vld.idx.msk [tilespmem:v42+s13+$0x0], $0xffff;
	_ =	sdelay $0x1  }
0x44: {  	v46 =	vld.idx.msk [tilespmem:v63+s14+$0x0], $0xffff  }
0x45: {  	v45 =	vld.idx.msk [tilespmem:v43+s14+$0x0], $0xffff  }
0x46: {  	v43 =	vld.idx.msk [tilespmem:v47+s14+$0x0], $0xffff  }
0x47: {  	v56 =	vadd.s32 v50, v52;
	v42 =	vld.idx.msk [tilespmem:v48+s14+$0x0], $0xffff;
	v57 =	vmul.f32 v51, v44  }
0x48: {  	v41 =	vld.idx.msk [tilespmem:v49+s14+$0x0], $0xffff;
	[tilespmem:v1+s23+$0x0] =	vst.idx.msk $0xffff, v56  }
0x49: {  	[tilespmem:$0x12650] =	vst v57  }
0x4a: {  	v47 =	vld.idx.msk [tilespmem:v40+s16+$0x6810 ss:$0x1], $0xffff;
	_ =	sdelay $0x4  }
0x4b: {  	v58 =	vmul.f32 v51, v46;
	v47 =	vadd.s32 v50, v47  }
0x4c: {  	[tilespmem:v2+s23+$0x0] =	vst.idx.msk $0xffff, v47  }
0x4d: {  	[tilespmem:$0x12660] =	vst v58  }
0x4e: {  	v47 =	vld.idx.msk [tilespmem:v40+s16+$0x7010 ss:$0x1], $0xffff;
	_ =	sdelay $0x4  }
0x4f: {  	v59 =	vmul.f32 v51, v45;
	v47 =	vadd.s32 v50, v47  }
0x50: {  	[tilespmem:v3+s23+$0x0] =	vst.idx.msk $0xffff, v47  }
0x51: {  	[tilespmem:$0x12670] =	vst v59  }
0x52: {  	v47 =	vld.idx.msk [tilespmem:v40+s16+$0x7810 ss:$0x1], $0xffff;
	_ =	sdelay $0x4  }
0x53: {  	v60 =	vmul.f32 v51, v43;
	v47 =	vadd.s32 v50, v47  }
0x54: {  	[tilespmem:v4+s23+$0x0] =	vst.idx.msk $0xffff, v47  }
0x55: {  	[tilespmem:$0x12680] =	vst v60  }
0x56: {  	v47 =	vld.idx.msk [tilespmem:v40+s16+$0x8010 ss:$0x1], $0xffff;
	_ =	sdelay $0x4  }
0x57: {  	v61 =	vmul.f32 v51, v42;
	v47 =	vadd.s32 v50, v47  }
0x58: {  	[tilespmem:v5+s23+$0x0] =	vst.idx.msk $0xffff, v47  }
0x59: {  	[tilespmem:$0x12690] =	vst v61  }
0x5a: {  	v47 =	vld.idx.msk [tilespmem:v40+s16+$0x8810 ss:$0x1], $0xffff;
	_ =	sdelay $0x4  }
0x5b: {  	v62 =	vmul.f32 v51, v41;
	v47 =	vadd.s32 v50, v47  }
0x5c: {  	[tilespmem:v6+s23+$0x0] =	vst.idx.msk $0xffff, v47  }
0x5d: {  	[tilespmem:$0x126A0] =	vst v62  }
0x5e: {  	v47 =	vld.idx.msk [tilespmem:v40+s16+$0x9810 ss:$0x1], $0xffff;
	_ =	sdelay $0x5  }
0x5f: {  	v48 =	vld.idx.msk [tilespmem:v40+s16+$0x3810 ss:$0x1], $0xffff  }
0x60: {  	v63 =	vld.idx.msk [tilespmem:v40+s16+$0x6010 ss:$0x1], $0xffff  }
0x61: {  	v47 =	vld.idx.msk [tilespmem:v47+s13+$0x0], $0xffff;
	_ =	sdelay $0x4  }
0x62: {  	v49 =	vadd.s32 v48, v63;
	v52 =	vmul.f32 v47, v44  }
0x63: {  	[tilespmem:v7+s23+$0x0] =	vst.idx.msk $0xffff, v49  }
0x64: {  	[tilespmem:$0x126B0] =	vst v52  }
0x65: {  	v49 =	vld.idx.msk [tilespmem:v40+s16+$0x6810 ss:$0x1], $0xffff;
	_ =	sdelay $0x4  }
0x66: {  	v53 =	vmul.f32 v47, v46;
	v49 =	vadd.s32 v48, v49  }
0x67: {  	[tilespmem:v8+s23+$0x0] =	vst.idx.msk $0xffff, v49  }
0x68: {  	[tilespmem:$0x126C0] =	vst v53  }
0x69: {  	v49 =	vld.idx.msk [tilespmem:v40+s16+$0x7010 ss:$0x1], $0xffff;
	_ =	sdelay $0x4  }
0x6a: {  	v54 =	vmul.f32 v47, v45;
	v49 =	vadd.s32 v48, v49  }
0x6b: {  	[tilespmem:v9+s23+$0x0] =	vst.idx.msk $0xffff, v49  }
0x6c: {  	[tilespmem:$0x126D0] =	vst v54  }
0x6d: {  	v49 =	vld.idx.msk [tilespmem:v40+s16+$0x7810 ss:$0x1], $0xffff;
	_ =	sdelay $0x4  }
0x6e: {  	v55 =	vmul.f32 v47, v43;
	v49 =	vadd.s32 v48, v49  }
0x6f: {  	[tilespmem:v10+s23+$0x0] =	vst.idx.msk $0xffff, v49  }
0x70: {  	[tilespmem:$0x126E0] =	vst v55  }
0x71: {  	v49 =	vld.idx.msk [tilespmem:v40+s16+$0x8010 ss:$0x1], $0xffff;
	_ =	sdelay $0x4  }
0x72: {  	v56 =	vmul.f32 v47, v42;
	v49 =	vadd.s32 v48, v49  }
0x73: {  	[tilespmem:v11+s23+$0x0] =	vst.idx.msk $0xffff, v49  }
0x74: {  	[tilespmem:$0x126F0] =	vst v56  }
0x75: {  	v49 =	vld.idx.msk [tilespmem:v40+s16+$0x8810 ss:$0x1], $0xffff;
	_ =	sdelay $0x4  }
0x76: {  	v47 =	vmul.f32 v47, v41;
	v48 =	vadd.s32 v48, v49  }
0x77: {  	[tilespmem:v12+s23+$0x0] =	vst.idx.msk $0xffff, v48  }
0x78: {  	[tilespmem:$0x12700] =	vst v47  }
0x79: {  	v47 =	vld.idx.msk [tilespmem:v40+s16+$0xA010 ss:$0x1], $0xffff;
	_ =	sdelay $0x5  }
0x7a: {  	v48 =	vld.idx.msk [tilespmem:v40+s16+$0x4010 ss:$0x1], $0xffff  }
0x7b: {  	v57 =	vld.idx.msk [tilespmem:v40+s16+$0x6010 ss:$0x1], $0xffff  }
0x7c: {  	v47 =	vld.idx.msk [tilespmem:v47+s13+$0x0], $0xffff;
	_ =	sdelay $0x4  }
0x7d: {  	v49 =	vadd.s32 v48, v57;
	v58 =	vmul.f32 v47, v44  }
0x7e: {  	[tilespmem:v13+s23+$0x0] =	vst.idx.msk $0xffff, v49  }
0x7f: {  	[tilespmem:$0x12710] =	vst v58  }
0x80: {  	v49 =	vld.idx.msk [tilespmem:v40+s16+$0x6810 ss:$0x1], $0xffff;
	_ =	sdelay $0x4  }
0x81: {  	v59 =	vmul.f32 v47, v46;
	v49 =	vadd.s32 v48, v49  }
0x82: {  	[tilespmem:v14+s23+$0x0] =	vst.idx.msk $0xffff, v49  }
0x83: {  	[tilespmem:$0x12720] =	vst v59  }
0x84: {  	v49 =	vld.idx.msk [tilespmem:v40+s16+$0x7010 ss:$0x1], $0xffff;
	_ =	sdelay $0x4  }
0x85: {  	v60 =	vmul.f32 v47, v45;
	v49 =	vadd.s32 v48, v49  }
0x86: {  	[tilespmem:v15+s23+$0x0] =	vst.idx.msk $0xffff, v49  }
0x87: {  	[tilespmem:$0x12730] =	vst v60  }
0x88: {  	v49 =	vld.idx.msk [tilespmem:v40+s16+$0x7810 ss:$0x1], $0xffff;
	_ =	sdelay $0x4  }
0x89: {  	v61 =	vmul.f32 v47, v43;
	v49 =	vadd.s32 v48, v49  }
0x8a: {  	[tilespmem:v16+s23+$0x0] =	vst.idx.msk $0xffff, v49  }
0x8b: {  	[tilespmem:$0x12740] =	vst v61  }
0x8c: {  	v49 =	vld.idx.msk [tilespmem:v40+s16+$0x8010 ss:$0x1], $0xffff;
	_ =	sdelay $0x4  }
0x8d: {  	v62 =	vmul.f32 v47, v42;
	v49 =	vadd.s32 v48, v49  }
0x8e: {  	[tilespmem:v17+s23+$0x0] =	vst.idx.msk $0xffff, v49  }
0x8f: {  	[tilespmem:$0x12750] =	vst v62  }
0x90: {  	v49 =	vld.idx.msk [tilespmem:v40+s16+$0x8810 ss:$0x1], $0xffff;
	_ =	sdelay $0x4  }
0x91: {  	v47 =	vmul.f32 v47, v41;
	v48 =	vadd.s32 v48, v49  }
0x92: {  	[tilespmem:v18+s23+$0x0] =	vst.idx.msk $0xffff, v48  }
0x93: {  	[tilespmem:$0x12760] =	vst v47  }
0x94: {  	v47 =	vld.idx.msk [tilespmem:v40+s16+$0xA810 ss:$0x1], $0xffff;
	_ =	sdelay $0x5  }
0x95: {  	v48 =	vld.idx.msk [tilespmem:v40+s16+$0x4810 ss:$0x1], $0xffff  }
0x96: {  	v63 =	vld.idx.msk [tilespmem:v40+s16+$0x6010 ss:$0x1], $0xffff  }
0x97: {  	v47 =	vld.idx.msk [tilespmem:v47+s13+$0x0], $0xffff;
	_ =	sdelay $0x4  }
0x98: {  	v49 =	vadd.s32 v48, v63;
	v52 =	vmul.f32 v47, v44  }
0x99: {  	[tilespmem:v19+s23+$0x0] =	vst.idx.msk $0xffff, v49  }
0x9a: {  	[tilespmem:$0x12770] =	vst v52  }
0x9b: {  	v49 =	vld.idx.msk [tilespmem:v40+s16+$0x6810 ss:$0x1], $0xffff;
	_ =	sdelay $0x4  }
0x9c: {  	v53 =	vmul.f32 v47, v46;
	v49 =	vadd.s32 v48, v49  }
0x9d: {  	[tilespmem:v20+s23+$0x0] =	vst.idx.msk $0xffff, v49  }
0x9e: {  	[tilespmem:$0x12780] =	vst v53  }
0x9f: {  	v49 =	vld.idx.msk [tilespmem:v40+s16+$0x7010 ss:$0x1], $0xffff;
	_ =	sdelay $0x4  }
0xa0: {  	v54 =	vmul.f32 v47, v45;
	v49 =	vadd.s32 v48, v49  }
0xa1: {  	[tilespmem:v21+s23+$0x0] =	vst.idx.msk $0xffff, v49  }
0xa2: {  	[tilespmem:$0x12790] =	vst v54  }
0xa3: {  	v49 =	vld.idx.msk [tilespmem:v40+s16+$0x7810 ss:$0x1], $0xffff;
	_ =	sdelay $0x4  }
0xa4: {  	v55 =	vmul.f32 v47, v43;
	v49 =	vadd.s32 v48, v49  }
0xa5: {  	[tilespmem:v22+s23+$0x0] =	vst.idx.msk $0xffff, v49  }
0xa6: {  	[tilespmem:$0x127A0] =	vst v55  }
0xa7: {  	v49 =	vld.idx.msk [tilespmem:v40+s16+$0x8010 ss:$0x1], $0xffff;
	_ =	sdelay $0x4  }
0xa8: {  	v56 =	vmul.f32 v47, v42;
	v49 =	vadd.s32 v48, v49  }
0xa9: {  	[tilespmem:v23+s23+$0x0] =	vst.idx.msk $0xffff, v49  }
0xaa: {  	[tilespmem:$0x127B0] =	vst v56  }
0xab: {  	v49 =	vld.idx.msk [tilespmem:v40+s16+$0x8810 ss:$0x1], $0xffff;
	_ =	sdelay $0x4  }
0xac: {  	v47 =	vmul.f32 v47, v41;
	v48 =	vadd.s32 v48, v49  }
0xad: {  	[tilespmem:v24+s23+$0x0] =	vst.idx.msk $0xffff, v48  }
0xae: {  	[tilespmem:$0x127C0] =	vst v47  }
0xaf: {  	v47 =	vld.idx.msk [tilespmem:v40+s16+$0xB010 ss:$0x1], $0xffff;
	_ =	sdelay $0x5  }
0xb0: {  	v48 =	vld.idx.msk [tilespmem:v40+s16+$0x5010 ss:$0x1], $0xffff  }
0xb1: {  	v57 =	vld.idx.msk [tilespmem:v40+s16+$0x6010 ss:$0x1], $0xffff  }
0xb2: {  	v47 =	vld.idx.msk [tilespmem:v47+s13+$0x0], $0xffff;
	_ =	sdelay $0x4  }
0xb3: {  	v49 =	vadd.s32 v48, v57;
	v58 =	vmul.f32 v47, v44  }
0xb4: {  	[tilespmem:v25+s23+$0x0] =	vst.idx.msk $0xffff, v49  }
0xb5: {  	[tilespmem:$0x127D0] =	vst v58  }
0xb6: {  	v49 =	vld.idx.msk [tilespmem:v40+s16+$0x6810 ss:$0x1], $0xffff;
	_ =	sdelay $0x4  }
0xb7: {  	v59 =	vmul.f32 v47, v46;
	v49 =	vadd.s32 v48, v49  }
0xb8: {  	[tilespmem:v26+s23+$0x0] =	vst.idx.msk $0xffff, v49  }
0xb9: {  	[tilespmem:$0x127E0] =	vst v59  }
0xba: {  	v49 =	vld.idx.msk [tilespmem:v40+s16+$0x7010 ss:$0x1], $0xffff;
	_ =	sdelay $0x4  }
0xbb: {  	v60 =	vmul.f32 v47, v45;
	v49 =	vadd.s32 v48, v49  }
0xbc: {  	[tilespmem:v27+s23+$0x0] =	vst.idx.msk $0xffff, v49  }
0xbd: {  	[tilespmem:$0x127F0] =	vst v60  }
0xbe: {  	v49 =	vld.idx.msk [tilespmem:v40+s16+$0x7810 ss:$0x1], $0xffff;
	_ =	sdelay $0x4  }
0xbf: {  	v61 =	vmul.f32 v47, v43;
	v49 =	vadd.s32 v48, v49  }
0xc0: {  	[tilespmem:v28+s23+$0x0] =	vst.idx.msk $0xffff, v49  }
0xc1: {  	[tilespmem:$0x12800] =	vst v61  }
0xc2: {  	v49 =	vld.idx.msk [tilespmem:v40+s16+$0x8010 ss:$0x1], $0xffff;
	_ =	sdelay $0x4  }
0xc3: {  	v62 =	vmul.f32 v47, v42;
	v49 =	vadd.s32 v48, v49  }
0xc4: {  	[tilespmem:v29+s23+$0x0] =	vst.idx.msk $0xffff, v49  }
0xc5: {  	[tilespmem:$0x12810] =	vst v62  }
0xc6: {  	v49 =	vld.idx.msk [tilespmem:v40+s16+$0x8810 ss:$0x1], $0xffff;
	_ =	sdelay $0x4  }
0xc7: {  	v47 =	vmul.f32 v47, v41;
	v48 =	vadd.s32 v48, v49  }
0xc8: {  	[tilespmem:v30+s23+$0x0] =	vst.idx.msk $0xffff, v48  }
0xc9: {  	[tilespmem:$0x12820] =	vst v47  }
0xca: {  	v47 =	vld.idx.msk [tilespmem:v40+s16+$0xB810 ss:$0x1], $0xffff;
	_ =	sdelay $0x5  }
0xcb: {  	v48 =	vld.idx.msk [tilespmem:v40+s16+$0x5810 ss:$0x1], $0xffff  }
0xcc: {  	v63 =	vld.idx.msk [tilespmem:v40+s16+$0x6010 ss:$0x1], $0xffff  }
0xcd: {  	v47 =	vld.idx.msk [tilespmem:v47+s13+$0x0], $0xffff;
	_ =	sdelay $0x4  }
0xce: {  	v49 =	vadd.s32 v48, v63;
	v44 =	vmul.f32 v47, v44  }
0xcf: {  	[tilespmem:v31+s23+$0x0] =	vst.idx.msk $0xffff, v49  }
0xd0: {  	[tilespmem:$0x12830] =	vst v44  }
0xd1: {  	v44 =	vld.idx.msk [tilespmem:v40+s16+$0x6810 ss:$0x1], $0xffff;
	_ =	sdelay $0x4  }
0xd2: {  	v46 =	vmul.f32 v47, v46;
	v44 =	vadd.s32 v48, v44  }
0xd3: {  	[tilespmem:v32+s23+$0x0] =	vst.idx.msk $0xffff, v44  }
0xd4: {  	[tilespmem:$0x12840] =	vst v46  }
0xd5: {  	v44 =	vld.idx.msk [tilespmem:v40+s16+$0x7010 ss:$0x1], $0xffff;
	_ =	sdelay $0x4  }
0xd6: {  	v45 =	vmul.f32 v47, v45;
	v44 =	vadd.s32 v48, v44  }
0xd7: {  	[tilespmem:v33+s23+$0x0] =	vst.idx.msk $0xffff, v44  }
0xd8: {  	[tilespmem:$0x12850] =	vst v45  }
0xd9: {  	v44 =	vld.idx.msk [tilespmem:v40+s16+$0x7810 ss:$0x1], $0xffff;
	_ =	sdelay $0x4  }
0xda: {  	v43 =	vmul.f32 v47, v43;
	v44 =	vadd.s32 v48, v44  }
0xdb: {  	[tilespmem:v34+s23+$0x0] =	vst.idx.msk $0xffff, v44  }
0xdc: {  	[tilespmem:$0x12860] =	vst v43  }
0xdd: {  	v43 =	vld.idx.msk [tilespmem:v40+s16+$0x8010 ss:$0x1], $0xffff;
	_ =	sdelay $0x4  }
0xde: {  	v42 =	vmul.f32 v47, v42;
	v43 =	vadd.s32 v48, v43  }
0xdf: {  	[tilespmem:v35+s23+$0x0] =	vst.idx.msk $0xffff, v43  }
0xe0: {  	[tilespmem:$0x12870] =	vst v42  }
0xe1: {  	v42 =	vld.idx.msk [tilespmem:v40+s16+$0x8810 ss:$0x1], $0xffff;
	_ =	sdelay $0x4  }
0xe2: {  	v41 =	vmul.f32 v47, v41;
	v42 =	vadd.s32 v48, v42  }
0xe3: {  	[tilespmem:v36+s23+$0x0] =	vst.idx.msk $0xffff, v42  }
0xe4: {  	[tilespmem:$0x12880] =	vst v41  }
0xe5: {  	[tilespmem:s25], [sflag:$0x1] =	stream.indirect.gather [hbm4b:s3+s24], $0x10, s23, s24, $0xb8;
	[tilespmem:$0x13190] =	vst v63  }
0xe6: {  	_ = 	snop  }
0xe7: {  	[tilespmem:s28], [sflag:$0x1] =	stream.indirect.gather [hbm4b:s3+s24], $0x10, s26, s24, $0xb8;
	[tilespmem:$0x13190] =	vst v63  }
0xe8: {  	_ = 	snop  }
0xe9: {  	[tilespmem:s30], [sflag:$0x1] =	stream.indirect.gather [hbm4b:s3+s24], $0x10, s29, s24, $0xb8;
	[tilespmem:$0x13190] =	vst v63  }
0xea: {  	_ = 	snop  }
0xeb: {  	[tilespmem:s0], [sflag:$0x1] =	stream.indirect.gather [hbm4b:s3+s24], $0x10, s31, s24, $0xb8;
	[tilespmem:$0x13190] =	vst v63  }
0xec: {  	_ = 	snop  }
0xed: {  	[tilespmem:s17], [sflag:$0x1] =	stream.indirect.gather [hbm4b:s3+s24], $0x10, s2, s24, $0xb8;
	[tilespmem:$0x13190] =	vst v63  }
0xee: {  	_ = 	snop  }
0xef: {  	[tilespmem:s20], [sflag:$0x1] =	stream.indirect.gather [hbm4b:s3+s24], $0x10, s18, s24, $0xb8;
	[tilespmem:$0x13190] =	vst v63  }
0xf0: {  	_ =	swait.ge [sflag:s21], $0x600  }
0xf1: {  	[sflag:s21] =	ssyncset.done $0x0  }
0xf2: {  	[sflag:s21] =	ssyncadd.s32 $0xFFFFFA00  }
0xf3: {  	_ =	swait.ge [sflag:s21], $0x600  }
0xf4: {  	[sflag:s21] =	ssyncset.done $0x0  }
0xf5: {  	[sflag:s21] =	ssyncadd.s32 $0xFFFFFA00  }
0xf6: {  	_ =	swait.ge [sflag:s21], $0x600  }
0xf7: {  	[sflag:s21] =	ssyncset.done $0x0  }
0xf8: {  	[sflag:s21] =	ssyncadd.s32 $0xFFFFFA00  }
0xf9: {  	_ =	swait.ge [sflag:s21], $0x600  }
0xfa: {  	[sflag:s21] =	ssyncset.done $0x0  }
0xfb: {  	[sflag:s21] =	ssyncadd.s32 $0xFFFFFA00  }
0xfc: {  	_ =	swait.ge [sflag:s21], $0x600  }
0xfd: {  	[sflag:s21] =	ssyncset.done $0x0  }
0xfe: {  	[sflag:s21] =	ssyncadd.s32 $0xFFFFFA00  }
0xff: {  	_ =	swait.ge [sflag:s21], $0x600  }
0x100: {  	s7 =	simm.s32 $0x0;
	[sflag:s21] =	ssyncset.done $0x0  }
0x101: {  	s8 =	simm.s32 $0x0;
	s9 =	sadd.s32 s11, s16;
	[sflag:s21] =	ssyncadd.s32 $0xFFFFFA00  }
.LBB2_4:
0x102: {  	s6 =	simm.s32 $0x0  }
0x103: {  	s12 =	sadd.s32 $0x0, s7;
	s6 =	sor.u32 s8, s6  }
0x104: {  	s12 =	sshll.u32 s12, $0x4;
	v41 =	vmov s6  }
0x105: {  	v42 =	vor.u32 s12, v0;
	_ =	sdelay $0x1  }
0x106: {  	s12 =	simm.s32 $0x10  }
0x107: {  	s19 =	sadd.s32 $0x1, s7;
	s6 =	sor.u32 s8, s12  }
0x108: {  	s12 =	sshll.u32 s19, $0x4;
	v43 =	vmov s6;
	v47 =	vld.idx.msk [tilespmem:v41+s1+$0x0], $0xffff  }
0x109: {  	v44 =	vor.u32 s12, v0;
	v48 =	vld.idx.msk [tilespmem:v42+s25+$0x0], $0xffff;
	_ =	sdelay $0x1  }
0x10a: {  	s19 =	simm.s32 $0x20;
	s12 =	sadd.s32 $0x2, s7  }
0x10b: {  	s19 =	sor.u32 s8, s19;
	s12 =	sshll.u32 s12, $0x4  }
0x10c: {  	v46 =	vmov s19;
	v45 =	vor.u32 s12, v0;
	v43 =	vld.idx.msk [tilespmem:v43+s1+$0x0], $0xffff  }
0x10d: {  	s6 =	simm.s32 $0x3;
	v41 =	vmov s8;
	v42 =	vimm.f32 $0.0e+00;
	v44 =	vld.idx.msk [tilespmem:v44+s25+$0x0], $0xffff;
	v47 =	vmul.f32 v48, v47  }
.LBB2_5:
0x10e: {  	p0 =	sne.s32 s6, $0x23;
	s12 =	smov.u32 s6;
	s6 =	sadd.s32 $0x1, s6  }
.Ltmp0:
0x10f: {  	v42 =	vadd.f32 v47, v42;
	(pc) =	sbr.rel @p0 .LBB2_5-.Ltmp0, $4  }
0x110: {  	_ = 	snop  }
0x111: {  	s19 =	sshll.u32 s12, $0x4;
	s12 =	sadd.s32 s12, s7  }
0x112: {  	s19 =	sor.u32 s8, s19;
	s12 =	sshll.u32 s12, $0x4;
	v47 =	vmov v43;
	v43 =	vld.idx.msk [tilespmem:v46+s1+$0x0], $0xffff  }
0x113: {  	v46 =	vmov s19;
	v47 =	vmul.f32 v44, v47;
	v44 =	vld.idx.msk [tilespmem:v45+s25+$0x0], $0xffff;
	v45 =	vor.u32 s12, v0  }
0x114: {  	_ =	sdelay $0x3  }
0x115: {  	v46 =	vld.idx.msk [tilespmem:v46+s1+$0x0], $0xffff  }
0x116: {  	v45 =	vld.idx.msk [tilespmem:v45+s25+$0x0], $0xffff  }
0x117: {  	v41 =	vshll.u32 v41, $0x4  }
0x118: {  	v41 =	vbroadcast v41, $0x0  }
0x119: {  	s6 =	sor.u32 s9, s8;
	v42 =	vadd.f32 v47, v42;
	v43 =	vmul.f32 v44, v43  }
0x11a: {  	v59 =	vmov s6;
	v57 =	vor.u32 v0, v41  }
0x11b: {  	v41 =	vor.u32 v37, v41;
	v58 =	vmul.f32 v45, v46;
	v42 =	vadd.f32 v43, v42  }
0x11c: {  	v60 =	vor.u32 $0x800, v59  }
0x11d: {  	v42 =	vadd.f32 v58, v42;
	_ =	sdelay $0x1  }
0x11e: {  	[tilespmem:v57+s4+$0x0] =	vst.idx.msk $0xffff, v42  }
0x11f: {  	v41 =	vld.idx.msk [tilespmem:v41+s4+$0x0], $0xffff  }
0x120: {  	v43 =	vld.idx.msk [tilespmem:v60+s22+$0x0], $0xffff  }
0x121: {  	s19 =	sadd.s32 s16, s8  }
0x122: {  	v62 =	vmov s19;
	v61 =	vld.idx.msk [tilespmem:v59+s22+$0x0], $0xffff  }
0x123: {  	v45 =	vand.u32 $0x7F, v62  }
0x124: {  	v45 =	vbroadcast v45, $0x0  }
0x125: {  	s8 =	sadd.s32 $0x1, s8;
	v41 =	vmul.f32 v43, v41  }
0x126: {  	p0 =	sne.s32 s8, $0x10;
	v63 =	vor.u32 v39, v45  }
.Ltmp1:
0x127: {  	v42 =	vmul.f32 v61, v42;
	v41 =	vmul.f32 v38, v41;
	(pc) =	sbr.rel @p0 .LBB2_4-.Ltmp1, $3  }
0x128: {  	_ = 	snop  }
0x129: {  	v41 =	vadd.f32 v41, v42;
	_ =	sdelay $0x1  }
0x12a: {  	s7 =	sadd.s32 $0x24, s7;
	[tilespmem:v63+s5+$0x0] =	vst.idx.msk $0xffff, v41  }
0x12b: {  	s15 =	sadd.s32 $0x1, s15  }
0x12c: {  	p0 =	sne.s32 s15, $0x8  }
.Ltmp2:
0x12d: {  	_ = 	snop;
	(pc) =	sbr.rel @p0 .LBB2_3-.Ltmp2, $1  }
0x12e: {  	_ =	sdelay $0x3  }
0x12f: {  	s6 =	rddreg [dreg:$0xb]  }
0x130: {  	s7 =	rddreg [dreg:$0x5]  }
0x131: {  	s16 =	simm.s32 $0x80;
	s10 =	sadd.s32 $0x1, s10;
	s6 =	sadd.s32 s11, s6  }
0x132: {  	s8 =	simm.s32 $0x8000;
	p0 =	sne.s32 s10, $0x10;
	s6 =	sshrl.u32 s6, $0x3  }
.Ltmp3:
0x133: {  	s19 =	simm.s32 $0x2;
	s6 =	sadd.s32 s7, s6;
	(pc) =	sbr.rel @p0 .LBB2_2-.Ltmp3, $4  }
0x134: {  	[hbm4b:s6+s16] =	stream.strided.scatter [tilespmem:s5], [sflag:$0x2], $0x800, s8, s16, $0x38;
	[tilespmem:$0x13190] =	vst v63  }
0x135: {  	_ =	swait.ge [sflag:s19], $0x800  }
0x136: {  	[sflag:s19] =	ssyncset.done $0x0  }
0x137: {  	[sflag:s19] =	ssyncadd.s32 $0xFFFFF800  }
0x138: {  	s7 =	rddreg [dreg:$0xd]  }
0x139: {  	s6 =	rddreg [dreg:$0xc];
	s7 =	sadd.s32 $0x1, s7  }
0x13a: {  	p0 =	sne.s32 s7, s6  }
.Ltmp4:
0x13b: {  	_ = 	snop;
	(pc) =	sbr.rel @p0 .LBB2_1-.Ltmp4, $1  }
0x13c: {  	_ =	sdelay $0x3  }
0x13d: {  	_ =	sfence.sel $0x180000  }
0x13e: {  	[bflag:$0x0] =	sbarrier.arrive $0xFFFF  }
0x13f: {  	_ =	strace $0x9000004D  }
0x140: {  	s0 =	stileid.u32;
	[bflag:$0x2] =	sbarrier.arrive $0xFFFF  }
0x141: {  	p0 =	sne.s32 s0, $0x0;
	s0 =	rddreg [dreg:$0x2]  }
0x142: {  	s0 =	sadd.s32 @!p0 $0x100000, s0  }
0x143: {  	[sflag:s0] =	ssyncadd.tile.s32 @!p0 $0x1;
	_ =	shalt  }
.Lfunc_end2:
_tile_overlayer_lowered:
.L_overlay_start_2:
0x144: {  	(tag) =	ssettag $0x2  }
0x145: {  	s0 =	rddreg [dreg:$0x0];
	s2 =	stileid.u32  }
0x146: {  	s1 =	rddreg [dreg:$0x1];
	p0 =	sne.s32 s2, $0x0  }
0x147: {  	s3 =	rddreg [dreg:$0x2];
	[bflag:$0x3] =	sbarrier.arrive $0xFFFF;
	s2 =	simm.s32 @!p0 $0x1C02  }
0x148: {  	[timem:s3], [sflag:s2] =	dma.local @!p0 [hbm:s0], s1  }
0x149: {  	s0 =	simm.s32 @!p0 $0x2  }
0x14a: {  	_ =	swait.ge @!p0 [sflag:s0], s1  }
0x14b: {  	s1 =	ssub.s32 @!p0 $0x0, s1;
	[sflag:s0] =	ssyncset.done @!p0 $0x0  }
0x14c: {  	[sflag:s0] =	ssyncadd.s32 @!p0 s1  }
0x14d: {  	[bflag:$0x3] =	sbarrier.arrive $0xFFFF  }
0x14e: {  	_ =	shalt  }

// kernel: sparse-core-data-format-call.1.cloned.1.call-start
scs
called_computation.1_lowered:
.L_overlay_start_0:
0x0: {  	s1 =	sld [smem:$0x3FD9]  }
0x1: {  	s2 =	sld [smem:$0x3FFE];
	_ =	sdelay $0x1  }
0x2: {  	s3 =	srdreg.scid  }
0x3: {  	s0 =	sand.u32 $0x1, s3  }
0x4: {  	s17 =	sshll.u32 s0, $0xA;
	s1 =	sadd.s32 s2, s1  }
0x5: {  	s1 =	sadd.s32 s1, s17  }
0x6: {  	[smem:$0x3FC2] =	sst s1  }
0x7: {  	_ = 	snop  }
0x8: {  	(tm) =	ssettm $0x1  }
0x9: {  	s18 =	sld [smem:$0x3FFB];
	_ =	sdelay $0x3  }
0xa: {  	_ =	strace s18  }
0xb: {  	s1 =	sld [smem:$0x3FFC];
	_ =	sdelay $0x3  }
0xc: {  	_ =	strace s1  }
0xd: {  	s1 =	sld [smem:$0x3FFD];
	_ =	sdelay $0x3  }
0xe: {  	_ =	strace s1  }
0xf: {  	_ =	strace $0x8FFFFFFF  }
0x10: {  	s19 =	sld [smem:$0x3FDB];
	_ =	sdelay $0x1  }
0x11: {  	s20 =	simm.s32 $_scs_section_size  }
0x12: {  	s4 =	simm.s32 $_size__tile_overlayer_lowered;
	s5 =	simm.s32 $_tile_overlayer_lowered  }
0x13: {  	s23 =	simm.s32 $0x1BFF;
	s22 =	sshll.u32 s5, $0x1;
	s1 =	sadd.s32 s20, s19  }
0x14: {  	s6 =	simm.s32 $0x0;
	s21 =	sshll.u32 s4, $0x1;
	s4 =	sadd.s32 s22, s1  }
0x15: {  	[timem:s6], [sflag:s23] =	dma.local [hbm:s4], s21  }
0x16: {  	_ =	swait.ge [sflag:s23], s21  }
0x17: {  	s2 =	ssub.s32 $0x0, s21;
	[sflag:s23] =	ssyncset.done $0x0  }
0x18: {  	[sflag:s23] =	ssyncadd.s32 s2;
	_ =	sdelay $0x1  }
0x19: {  	s24 =	simm.s32 $0x1B8B  }
0x1a: {  	_ =	swait.ge [sflag:s24], $0x1  }
0x1b: {  	[sflag:s24] =	ssyncset.done $0x0  }
0x1c: {  	s26 =	simm.s32 $0x1B8E;
	s25 =	sld [smem:$0x3FFE];
	[sflag:s24] =	ssyncadd.s32 $0xFFFFFFFF  }
0x1d: {  	s27 =	simm.s32 $execute0_lowered;
	[smem:$0x3FD2] =	sst s26  }
0x1e: {  	s4 =	sshll.u32 s27, $0x1;
	_ =	strace $0x80000046;
	[dreg:$0x1] =	wrdreg $0xFFFFFFFF  }
0x1f: {  	s28 =	simm.s32 $_size_execute0_lowered;
	s1 =	sadd.s32 s1, s4;
	[dreg:$0x0] =	wrdreg $0x0  }
0x20: {  	s4 =	sshll.u32 s28, $0x1;
	[dreg:$0x2] =	wrdreg s1  }
0x21: {  	[dreg:$0x3] =	wrdreg s4  }
0x22: {  	[dreg:$0x4] =	wrdreg $0xC0  }
0x23: {  	_ =	task [dreg:s6], $0x5FFFF  }
0x24: {  	[dreg:$0x1] =	wrdreg $0xFFFFFFFF  }
0x25: {  	[dreg:$0x0] =	wrdreg $0x60  }
0x26: {  	[dreg:$0x2] =	wrdreg s25  }
0x27: {  	[dreg:$0x3] =	wrdreg $0x9  }
0x28: {  	_ =	task.clear_ibuf [dreg:s6], $0x4FFFF;
	_ =	strace $0x90000046  }
0x29: {  	s29 =	simm.s32 $0x9;
	_ =	strace $0x80000048  }
0x2a: {  	_ =	swait.ge [sflag:s29], $0x1  }
0x2b: {  	[sflag:s29] =	ssyncadd.s32 $0xFFFFFFFF  }
0x2c: {  	_ =	strace $0x90000048  }
0x2d: {  	_ =	sfence  }
0x2e: {  	s30 =	sld [smem:$0x0];
	_ =	sdelay $0x2  }
0x2f: {  	s31 =	sshll.u32 s3, $0xD;
	s3 =	sshrl.u32 s3, $0x2  }
0x30: {  	s2 =	sand.u32 $0x4000, s31;
	s1 =	sadd.s32 s3, s30  }
0x31: {  	s0 =	sor.u32 s2, s0;
	s1 =	sshll.u32 s1, $0x11  }
0x32: {  	s0 =	sor.u32 s1, s0  }
0x33: {  	s0 =	sadd.s32 $0x8F2B, s0  }
0x34: {  	[sflag:s0] =	ssyncadd.remote.s32 $0x1  }
0x35: {  	_ =	sfence.sel $0xFFFF  }
0x36: {  	[dreg:$0x0] =	wrdreg $0xFFFFFFFF;
	(pc) =	sbr.abs _section_cstart, $3  }
0x37: {  	[dreg:$0x1] =	wrdreg $0xFFFFFFFF  }
0x38: {  	_ =	task.clear_ibuf [dreg:s6], $0x2FFFF;
	_ =	strace $0x9FFFFFFF  }
0x39: {  	(tm) =	ssettm $0x7FFFFFFF  }
tec
execute0_lowered:
.L_overlay_start_1:
0x0: {  	(tag) =	ssettag $0x1  }
0x1: {  	s5 =	stileid.u32  }
0x2: {  	s0 =	srdreg.scid;
	s29 =	rddreg [dreg:$0x0];
	_ =	strace $0x80000047  }
0x3: {  	s30 =	simm.s32 $0x1;
	s31 =	simm.s32 $0x2;
	s18 =	simm.s32 $0x0  }
0x4: {  	s17 =	simm.s32 $0x0;
	s19 =	simm.s32 $0x0;
	s20 =	simm.s32 $0x0  }
0x5: {  	s12 =	simm.s32 $0x0;
	s6 =	sand.u32 $0x1, s0;
	s7 =	sand.u32 $0x1, s5  }
0x6: {  	s0 =	sadd.s32 $0x102400, s29;
	s1 =	ssub.s32 $0x2, s7;
	s2 =	ssub.s32 $0x2, s6  }
0x7: {  	s3 =	sshrl.u32 s1, $0x1;
	s1 =	sand.u32 $0x1, s1;
	s4 =	sshrl.u32 s2, $0x1  }
0x8: {  	[dreg:$0x5] =	wrdreg s0;
	s1 =	sadd.s32 s1, s3;
	s2 =	ssub.s32 s2, s4  }
0x9: {  	s16 =	simm.s32 $0x0;
	[dreg:$0x2] =	wrdreg s6;
	s1 =	smul.u32 s2, s1  }
.Ltmp0:
0xa: {  	s8 =	sadd.s32 $0x2400, s29;
	[dreg:$0x3] =	wrdreg s7;
	(pc) =	sbr.rel .LBB1_1-.Ltmp0, $4  }
0xb: {  	s9 =	sshrl.u32 s5, $0x1;
	[sflag:s30] =	ssyncpa.u1 $0x0;
	[dreg:$0x4] =	wrdreg s8  }
0xc: {  	[sflag:s31] =	ssyncpa.u1 $0x0;
	[dreg:$0x6] =	wrdreg s9;
	s10 =	sshll.u32 s1, $0x4  }
0xd: {  	s13 =	smov.u32 s6;
	s11 =	sor.u32 $0x1, s10;
	[dreg:$0x7] =	wrdreg s10  }
0xe: {  	s14 =	smov.u32 s9;
	s15 =	smov.u32 s7;
	[dreg:$0x8] =	wrdreg s11  }
.LBB1_4:
0xf: {  	_ =	sdelay $0x3  }
0x10: {  	[tilespmem:v0+s30+$0x0 ss:$0x1] =	vst.idx.msk $0xffff, v7  }
0x11: {  	s23 =	sor.u32 s2, s1;
	v30 =	vld.idx.msk [tilespmem:v1+s24+$0x0 ss:$0x1], $0xffff;
	[tilespmem:v0+s29+$0x0 ss:$0x1] =	vst.idx.msk $0xffff, v6  }
0x12: {  	[tilespmem:v0+s28+$0x0 ss:$0x1] =	vst.idx.msk $0xffff, v4;
	v31 =	vld.idx.msk [tilespmem:v1+s22+$0x0 ss:$0x1], $0xffff;
	s20 =	sor.u32 $0x410, s23  }
0x13: {  	[tilespmem:v0+s26+$0x0 ss:$0x1] =	vst.idx.msk $0xffff, v3;
	s30 =	sor.u32 $0x420, s23;
	v32 =	vld.idx.msk [tilespmem:v1+s20+$0x0 ss:$0x1], $0xffff  }
0x14: {  	[tilespmem:v0+s27+$0x0 ss:$0x1] =	vst.idx.msk $0xffff, v2;
	s31 =	sor.u32 $0x430, s23;
	v44 =	vld.idx.msk [tilespmem:v1+s30+$0x0 ss:$0x1], $0xffff  }
0x15: {  	[tilespmem:v0+s25+$0x0 ss:$0x1] =	vst.idx.msk $0xffff, v5;
	s6 =	sor.u32 $0x440, s23;
	v45 =	vld.idx.msk [tilespmem:v1+s31+$0x0 ss:$0x1], $0xffff  }
0x16: {  	s7 =	sor.u32 $0x450, s23;
	v46 =	vld.idx.msk [tilespmem:v1+s6+$0x0 ss:$0x1], $0xffff;
	[tilespmem:v0+s24+$0x0 ss:$0x1] =	vst.idx.msk $0xffff, v30  }
0x17: {  	s8 =	sor.u32 $0x460, s23;
	v47 =	vld.idx.msk [tilespmem:v1+s7+$0x0 ss:$0x1], $0xffff;
	[tilespmem:v0+s22+$0x0 ss:$0x1] =	vst.idx.msk $0xffff, v31  }
0x18: {  	s9 =	sor.u32 $0x470, s23;
	v48 =	vld.idx.msk [tilespmem:v1+s8+$0x0 ss:$0x1], $0xffff;
	[tilespmem:v0+s20+$0x0 ss:$0x1] =	vst.idx.msk $0xffff, v32  }
0x19: {  	s10 =	sor.u32 $0x810, s23;
	v49 =	vld.idx.msk [tilespmem:v1+s9+$0x0 ss:$0x1], $0xffff;
	[tilespmem:v0+s30+$0x0 ss:$0x1] =	vst.idx.msk $0xffff, v44  }
0x1a: {  	s11 =	sor.u32 $0x820, s23;
	v50 =	vld.idx.msk [tilespmem:v1+s10+$0x0 ss:$0x1], $0xffff;
	[tilespmem:v0+s31+$0x0 ss:$0x1] =	vst.idx.msk $0xffff, v45  }
0x1b: {  	s12 =	sor.u32 $0x830, s23;
	v51 =	vld.idx.msk [tilespmem:v1+s11+$0x0 ss:$0x1], $0xffff;
	[tilespmem:v0+s6+$0x0 ss:$0x1] =	vst.idx.msk $0xffff, v46  }
0x1c: {  	s13 =	sor.u32 $0x840, s23;
	v52 =	vld.idx.msk [tilespmem:v1+s12+$0x0 ss:$0x1], $0xffff;
	[tilespmem:v0+s7+$0x0 ss:$0x1] =	vst.idx.msk $0xffff, v47  }
0x1d: {  	s14 =	sor.u32 $0x850, s23;
	v53 =	vld.idx.msk [tilespmem:v1+s13+$0x0 ss:$0x1], $0xffff;
	[tilespmem:v0+s8+$0x0 ss:$0x1] =	vst.idx.msk $0xffff, v48  }
0x1e: {  	s15 =	sor.u32 $0x860, s23;
	v54 =	vld.idx.msk [tilespmem:v1+s14+$0x0 ss:$0x1], $0xffff;
	[tilespmem:v0+s9+$0x0 ss:$0x1] =	vst.idx.msk $0xffff, v49  }
0x1f: {  	s16 =	sor.u32 $0x870, s23;
	v55 =	vld.idx.msk [tilespmem:v1+s15+$0x0 ss:$0x1], $0xffff;
	[tilespmem:v0+s10+$0x0 ss:$0x1] =	vst.idx.msk $0xffff, v50  }
0x20: {  	s17 =	sor.u32 $0xC10, s23;
	v56 =	vld.idx.msk [tilespmem:v1+s16+$0x0 ss:$0x1], $0xffff;
	[tilespmem:v0+s11+$0x0 ss:$0x1] =	vst.idx.msk $0xffff, v51  }
0x21: {  	s0 =	sand.u32 $0x180, s21;
	s1 =	sand.u32 $0x3200, s23;
	s18 =	sor.u32 $0xC20, s23;
	v57 =	vld.idx.msk [tilespmem:v1+s17+$0x0 ss:$0x1], $0xffff;
	[tilespmem:v0+s12+$0x0 ss:$0x1] =	vst.idx.msk $0xffff, v52  }
0x22: {  	s0 =	sor.u32 s0, s1;
	v58 =	vld.idx.msk [tilespmem:v1+s18+$0x0 ss:$0x1], $0xffff;
	[tilespmem:v0+s13+$0x0 ss:$0x1] =	vst.idx.msk $0xffff, v53  }
0x23: {  	s21 =	sor.u32 $0xC00, s0;
	v37 =	vld.idx.msk [tilespmem:v1+s0+$0x0 ss:$0x1], $0xffff;
	[tilespmem:v0+s14+$0x0 ss:$0x1] =	vst.idx.msk $0xffff, v54  }
0x24: {  	s3 =	sor.u32 $0x10, s0;
	v33 =	vld.idx.msk [tilespmem:v1+s21+$0x0 ss:$0x1], $0xffff;
	[tilespmem:v0+s15+$0x0 ss:$0x1] =	vst.idx.msk $0xffff, v55  }
0x25: {  	s4 =	sor.u32 $0x20, s0;
	v34 =	vld.idx.msk [tilespmem:v1+s3+$0x0 ss:$0x1], $0xffff;
	[tilespmem:v0+s16+$0x0 ss:$0x1] =	vst.idx.msk $0xffff, v56  }
0x26: {  	s5 =	sor.u32 $0x30, s0;
	v35 =	vld.idx.msk [tilespmem:v1+s4+$0x0 ss:$0x1], $0xffff;
	[tilespmem:v0+s17+$0x0 ss:$0x1] =	vst.idx.msk $0xffff, v57  }
0x27: {  	s25 =	sor.u32 $0x40, s0;
	v36 =	vld.idx.msk [tilespmem:v1+s5+$0x0 ss:$0x1], $0xffff;
	[tilespmem:v0+s18+$0x0 ss:$0x1] =	vst.idx.msk $0xffff, v58  }
0x28: {  	s26 =	sor.u32 $0x50, s0;
	v38 =	vld.idx.msk [tilespmem:v1+s25+$0x0 ss:$0x1], $0xffff;
	[tilespmem:v0+s0+$0x0 ss:$0x1] =	vst.idx.msk $0xffff, v37  }
0x29: {  	s27 =	sor.u32 $0x60, s0;
	v39 =	vld.idx.msk [tilespmem:v1+s26+$0x0 ss:$0x1], $0xffff;
	[tilespmem:v0+s21+$0x0 ss:$0x1] =	vst.idx.msk $0xffff, v33  }
0x2a: {  	s28 =	sor.u32 $0x70, s0;
	v40 =	vld.idx.msk [tilespmem:v1+s27+$0x0 ss:$0x1], $0xffff;
	[tilespmem:v0+s3+$0x0 ss:$0x1] =	vst.idx.msk $0xffff, v34  }
0x2b: {  	s29 =	sor.u32 $0x400, s0;
	v41 =	vld.idx.msk [tilespmem:v1+s28+$0x0 ss:$0x1], $0xffff;
	[tilespmem:v0+s4+$0x0 ss:$0x1] =	vst.idx.msk $0xffff, v35  }
0x2c: {  	v42 =	vld.idx.msk [tilespmem:v1+s29+$0x0 ss:$0x1], $0xffff;
	s0 =	sor.u32 $0x800, s0;
	[tilespmem:v0+s5+$0x0 ss:$0x1] =	vst.idx.msk $0xffff, v36  }
0x2d: {  	s19 =	sor.u32 $0xC30, s23;
	[tilespmem:v0+s25+$0x0 ss:$0x1] =	vst.idx.msk $0xffff, v38;
	v43 =	vld.idx.msk [tilespmem:v1+s0+$0x0 ss:$0x1], $0xffff  }
0x2e: {  	v59 =	vld.idx.msk [tilespmem:v1+s19+$0x0 ss:$0x1], $0xffff;
	s20 =	sor.u32 $0xC40, s23;
	[tilespmem:v0+s26+$0x0 ss:$0x1] =	vst.idx.msk $0xffff, v39  }
0x2f: {  	v60 =	vld.idx.msk [tilespmem:v1+s20+$0x0 ss:$0x1], $0xffff;
	[tilespmem:v0+s27+$0x0 ss:$0x1] =	vst.idx.msk $0xffff, v40  }
0x30: {  	[tilespmem:v0+s28+$0x0 ss:$0x1] =	vst.idx.msk $0xffff, v41;
	s21 =	sor.u32 $0xC50, s23  }
0x31: {  	s22 =	sor.u32 $0xC60, s23;
	[tilespmem:v0+s29+$0x0 ss:$0x1] =	vst.idx.msk $0xffff, v42;
	v61 =	vld.idx.msk [tilespmem:v1+s21+$0x0 ss:$0x1], $0xffff  }
0x32: {  	v62 =	vld.idx.msk [tilespmem:v1+s22+$0x0 ss:$0x1], $0xffff;
	s23 =	sor.u32 $0xC70, s23;
	[tilespmem:v0+s0+$0x0 ss:$0x1] =	vst.idx.msk $0xffff, v43  }
0x33: {  	v63 =	vld.idx.msk [tilespmem:v1+s23+$0x0 ss:$0x1], $0xffff;
	s6 =	rddreg [dreg:$0xf];
	[tilespmem:v0+s19+$0x0 ss:$0x1] =	vst.idx.msk $0xffff, v59  }
0x34: {  	s26 =	rddreg [dreg:$0x11];
	[tilespmem:v0+s20+$0x0 ss:$0x1] =	vst.idx.msk $0xffff, v60  }
0x35: {  	s5 =	rddreg [dreg:$0x10]  }
0x36: {  	s7 =	rddreg [dreg:$0x5];
	[tilespmem:v0+s21+$0x0 ss:$0x1] =	vst.idx.msk $0xffff, v61  }
0x37: {  	s29 =	rddreg [dreg:$0xe];
	[tilespmem:v0+s22+$0x0 ss:$0x1] =	vst.idx.msk $0xffff, v62  }
0x38: {  	s24 =	sshll.u32 s6, $0x9;
	s25 =	sshll.u32 s6, $0x7;
	s6 =	sshll.u32 s26, $0xF;
	[tilespmem:v0+s23+$0x0 ss:$0x1] =	vst.idx.msk $0xffff, v63  }
0x39: {  	s5 =	sshll.u32 s5, $0x11;
	s6 =	sadd.s32 s7, s6;
	s2 =	rddreg [dreg:$0x12]  }
0x3a: {  	s28 =	sadd.s32 s5, s6;
	s6 =	rddreg [dreg:$0x2]  }
0x3b: {  	s7 =	rddreg [dreg:$0x3]  }
0x3c: {  	s8 =	rddreg [dreg:$0x4]  }
0x3d: {  	s9 =	rddreg [dreg:$0x6]  }
0x3e: {  	s10 =	rddreg [dreg:$0x7]  }
0x3f: {  	s11 =	rddreg [dreg:$0x8]  }
0x40: {  	s12 =	rddreg [dreg:$0x9]  }
0x41: {  	s3 =	sand.u32 $0x3F000, s24;
	s4 =	sand.u32 $0x380, s25;
	s13 =	rddreg [dreg:$0xa]  }
0x42: {  	s27 =	sor.u32 s4, s3;
	s4 =	sshll.u32 s29, $0x10;
	s14 =	rddreg [dreg:$0xb]  }
0x43: {  	s0 =	sshrl.u32 s27, $0x3;
	s15 =	rddreg [dreg:$0xc];
	s30 =	sadd.s32 s4, s28  }
0x44: {  	s31 =	simm.s32 $0x0;
	s16 =	rddreg [dreg:$0xd];
	s0 =	sadd.s32 s0, s30  }
0x45: {  	[hbm4b:s0+s31] =	stream.linear.scatter [tilespmem:s2], [sflag:$0x2], $0x4000, $0x38;
	[tilespmem:$0x10000] =	vst v63  }
.LBB1_5:
0x46: {  	s0 =	sadd.s32 $0x20, s12  }
0x47: {  	s1 =	sadd.s32 $0x2, s13;
	s2 =	smov.u32 s13;
	p1 =	sgt.s32 s0, $0x1FF  }
0x48: {  	s2 =	smov.u32 @p1 s1  }
0x49: {  	s3 =	smov.u32 s14;
	s1 =	sadd.s32 $0x8, s14;
	p2 =	sgt.s32 s2, $0x1  }
0x4a: {  	s3 =	smov.u32 @p2 s1  }
0x4b: {  	s4 =	smov.u32 s15;
	s1 =	sadd.s32 $0x2, s15;
	p3 =	sgt.s32 s3, $0x7  }
0x4c: {  	s4 =	smov.u32 @p3 s1  }
0x4d: {  	p0 =	slt.u32 s16, $0x2;
	s0 =	simm.s32 @p1 $0x0;
	p1 =	sgt.s32 s4, $0x1  }
0x4e: {  	s18 =	smov.u32 s12;
	s4 =	smov.u32 @p1 s7;
	p1 =	sne.s32 s16, s11  }
.Ltmp1:
0x4f: {  	s17 =	smov.u32 s13;
	s19 =	smov.u32 s14;
	(pc) =	sbr.rel @!p1 .LBB1_6-.Ltmp1, $4  }
0x50: {  	s20 =	smov.u32 s15;
	s12 =	smov.u32 s0;
	s1 =	simm.s32 @!p0 $0x2  }
0x51: {  	s2 =	smov.u32 @p2 s6;
	s3 =	smov.u32 @p3 s9;
	_ =	swait.ge @!p0 [sflag:s1], $0x4000  }
0x52: {  	s13 =	smov.u32 s2;
	s14 =	smov.u32 s3;
	[sflag:s1] =	ssyncset.done @!p0 $0x0  }
0x53: {  	s16 =	sadd.s32 $0x1, s16;
	[sflag:s1] =	ssyncadd.s32 @!p0 $0xFFFFC000;
	s15 =	smov.u32 s4  }
.LBB1_1:
0x54: {  	p0 =	sge.u32 s16, s10  }
0x55: {  	s31 =	sadd.s32 $0xFFFFFFFF, s16;
	s0 =	sxor.u32 @!p0 $0xFFFFFFFF, s16;
	s1 =	sshll.u32 @!p0 s12, $0x9  }
0x56: {  	s2 =	sshll.u32 @!p0 s12, $0x7;
	s3 =	sshll.u32 @!p0 s15, $0x13;
	s4 =	sshll.u32 @!p0 s14, $0x10  }
0x57: {  	s1 =	sand.u32 @!p0 $0x3F000, s1;
	s2 =	sand.u32 @!p0 $0x380, s2;
	s3 =	sadd.s32 @!p0 s8, s3  }
0x58: {  	s5 =	sshll.u32 @!p0 s13, $0xF;
	s1 =	sor.u32 @!p0 s2, s1;
	s2 =	sadd.s32 @!p0 s4, s3  }
0x59: {  	s0 =	sshll.u32 @!p0 s0, $0xE;
	s1 =	sshrl.u32 @!p0 s1, $0x3;
	s2 =	sadd.s32 @!p0 s5, s2  }
0x5a: {  	s0 =	sand.u32 @!p0 $0x4000, s0;
	s1 =	sadd.s32 @!p0 s1, s2;
	s2 =	simm.s32 @!p0 $0x0  }
0x5b: {  	[tilespmem:s0], [sflag:$0x1] =	stream.linear.gather @!p0 [hbm4b:s1+s2], $0x4000, $0x38;
	[tilespmem:$0x10000] =	vst v63  }
0x5c: {  	p0 =	sge.u32 s31, s10  }
.Ltmp2:
0x5d: {  	_ = 	snop;
	(pc) =	sbr.rel @p0 .LBB1_5-.Ltmp2, $1  }
0x5e: {  	_ =	sdelay $0x3  }
0x5f: {  	[dreg:$0x11] =	wrdreg s20  }
0x60: {  	[dreg:$0x10] =	wrdreg s19  }
0x61: {  	[dreg:$0xf] =	wrdreg s18  }
0x62: {  	[dreg:$0xe] =	wrdreg s17  }
0x63: {  	[dreg:$0xc] =	wrdreg s15  }
0x64: {  	[dreg:$0xb] =	wrdreg s14  }
0x65: {  	[dreg:$0xa] =	wrdreg s13;
	s0 =	sshll.u32 s16, $0xE  }
0x66: {  	[dreg:$0x9] =	wrdreg s12;
	s0 =	sand.u32 $0x4000, s0  }
0x67: {  	[dreg:$0xd] =	wrdreg s16;
	s4 =	simm.s32 $0x1;
	v1 =	vmov s0  }
0x68: {  	s1 =	simm.s32 $0x0;
	_ =	swait.ge [sflag:s4], $0x4000  }
0x69: {  	s2 =	sand.u32 $0x3000, s1;
	s3 =	sand.u32 $0x380, s1;
	s1 =	sand.u32 $0x180, s1  }
0x6a: {  	[sflag:s4] =	ssyncset.done $0x0;
	s21 =	sor.u32 s3, s2;
	s24 =	sor.u32 $0x8000, s0  }
0x6b: {  	[sflag:s4] =	ssyncadd.s32 $0xFFFFC000;
	s2 =	sand.u32 $0x3200, s21;
	s3 =	sor.u32 $0x410, s21  }
0x6c: {  	s25 =	sor.u32 s1, s2;
	v2 =	vld.idx.msk [tilespmem:v1+s3+$0x0 ss:$0x1], $0xffff;
	[dreg:$0x12] =	wrdreg s24  }
0x6d: {  	v0 =	vmov s24;
	s1 =	sor.u32 $0xC00, s25;
	v3 =	vld.idx.msk [tilespmem:v1+s25+$0x0 ss:$0x1], $0xffff  }
0x6e: {  	s2 =	sor.u32 $0x10, s25;
	v4 =	vld.idx.msk [tilespmem:v1+s1+$0x0 ss:$0x1], $0xffff  }
0x6f: {  	s26 =	sor.u32 $0x20, s25;
	v5 =	vld.idx.msk [tilespmem:v1+s2+$0x0 ss:$0x1], $0xffff  }
0x70: {  	s5 =	sor.u32 $0x30, s25;
	v6 =	vld.idx.msk [tilespmem:v1+s26+$0x0 ss:$0x1], $0xffff  }
0x71: {  	s6 =	sor.u32 $0x40, s25;
	v7 =	vld.idx.msk [tilespmem:v1+s5+$0x0 ss:$0x1], $0xffff  }
0x72: {  	s19 =	sor.u32 $0x840, s21;
	v8 =	vld.idx.msk [tilespmem:v1+s6+$0x0 ss:$0x1], $0xffff;
	[tilespmem:v0+s3+$0x0 ss:$0x1] =	vst.idx.msk $0xffff, v2  }
0x73: {  	s7 =	sor.u32 $0x50, s25;
	v9 =	vld.idx.msk [tilespmem:v1+s19+$0x0 ss:$0x1], $0xffff;
	[tilespmem:v0+s25+$0x0 ss:$0x1] =	vst.idx.msk $0xffff, v3  }
0x74: {  	s31 =	sor.u32 $0x60, s25;
	v2 =	vld.idx.msk [tilespmem:v1+s7+$0x0 ss:$0x1], $0xffff;
	[tilespmem:v0+s1+$0x0 ss:$0x1] =	vst.idx.msk $0xffff, v4  }
0x75: {  	s8 =	sor.u32 $0x70, s25;
	v3 =	vld.idx.msk [tilespmem:v1+s31+$0x0 ss:$0x1], $0xffff;
	[tilespmem:v0+s2+$0x0 ss:$0x1] =	vst.idx.msk $0xffff, v5  }
0x76: {  	s9 =	sor.u32 $0x400, s25;
	v4 =	vld.idx.msk [tilespmem:v1+s8+$0x0 ss:$0x1], $0xffff;
	[tilespmem:v0+s26+$0x0 ss:$0x1] =	vst.idx.msk $0xffff, v6  }
0x77: {  	s0 =	sor.u32 $0x800, s25;
	v5 =	vld.idx.msk [tilespmem:v1+s9+$0x0 ss:$0x1], $0xffff;
	[tilespmem:v0+s5+$0x0 ss:$0x1] =	vst.idx.msk $0xffff, v7  }
0x78: {  	s10 =	sor.u32 $0x420, s21;
	v6 =	vld.idx.msk [tilespmem:v1+s0+$0x0 ss:$0x1], $0xffff;
	[tilespmem:v0+s6+$0x0 ss:$0x1] =	vst.idx.msk $0xffff, v8  }
0x79: {  	s15 =	sor.u32 $0x470, s21;
	v7 =	vld.idx.msk [tilespmem:v1+s10+$0x0 ss:$0x1], $0xffff;
	[tilespmem:v0+s19+$0x0 ss:$0x1] =	vst.idx.msk $0xffff, v9  }
0x7a: {  	s11 =	sor.u32 $0x430, s21;
	v8 =	vld.idx.msk [tilespmem:v1+s15+$0x0 ss:$0x1], $0xffff;
	[tilespmem:v0+s7+$0x0 ss:$0x1] =	vst.idx.msk $0xffff, v2  }
0x7b: {  	s12 =	sor.u32 $0x440, s21;
	v2 =	vld.idx.msk [tilespmem:v1+s11+$0x0 ss:$0x1], $0xffff;
	[tilespmem:v0+s31+$0x0 ss:$0x1] =	vst.idx.msk $0xffff, v3  }
0x7c: {  	s13 =	sor.u32 $0x450, s21;
	v3 =	vld.idx.msk [tilespmem:v1+s12+$0x0 ss:$0x1], $0xffff;
	[tilespmem:v0+s8+$0x0 ss:$0x1] =	vst.idx.msk $0xffff, v4  }
0x7d: {  	s14 =	sor.u32 $0x460, s21;
	v4 =	vld.idx.msk [tilespmem:v1+s13+$0x0 ss:$0x1], $0xffff;
	[tilespmem:v0+s9+$0x0 ss:$0x1] =	vst.idx.msk $0xffff, v5  }
0x7e: {  	s16 =	sor.u32 $0x810, s21;
	v5 =	vld.idx.msk [tilespmem:v1+s14+$0x0 ss:$0x1], $0xffff;
	[tilespmem:v0+s0+$0x0 ss:$0x1] =	vst.idx.msk $0xffff, v6  }
0x7f: {  	s23 =	sor.u32 $0x860, s21;
	[tilespmem:v0+s10+$0x0 ss:$0x1] =	vst.idx.msk $0xffff, v7;
	v6 =	vld.idx.msk [tilespmem:v1+s16+$0x0 ss:$0x1], $0xffff  }
0x80: {  	s30 =	sor.u32 $0x870, s21;
	[tilespmem:v0+s15+$0x0 ss:$0x1] =	vst.idx.msk $0xffff, v8;
	v8 =	vld.idx.msk [tilespmem:v1+s23+$0x0 ss:$0x1], $0xffff  }
0x81: {  	s17 =	sor.u32 $0x820, s21;
	v7 =	vld.idx.msk [tilespmem:v1+s30+$0x0 ss:$0x1], $0xffff;
	[tilespmem:v0+s11+$0x0 ss:$0x1] =	vst.idx.msk $0xffff, v2  }
0x82: {  	s18 =	sor.u32 $0x830, s21;
	v2 =	vld.idx.msk [tilespmem:v1+s17+$0x0 ss:$0x1], $0xffff;
	[tilespmem:v0+s12+$0x0 ss:$0x1] =	vst.idx.msk $0xffff, v3  }
0x83: {  	s20 =	sor.u32 $0x850, s21;
	v3 =	vld.idx.msk [tilespmem:v1+s18+$0x0 ss:$0x1], $0xffff;
	[tilespmem:v0+s13+$0x0 ss:$0x1] =	vst.idx.msk $0xffff, v4  }
0x84: {  	s29 =	sor.u32 $0xC10, s21;
	[tilespmem:v0+s14+$0x0 ss:$0x1] =	vst.idx.msk $0xffff, v5;
	v5 =	vld.idx.msk [tilespmem:v1+s20+$0x0 ss:$0x1], $0xffff  }
0x85: {  	s28 =	sor.u32 $0xC20, s21;
	[tilespmem:v0+s16+$0x0 ss:$0x1] =	vst.idx.msk $0xffff, v6;
	v6 =	vld.idx.msk [tilespmem:v1+s29+$0x0 ss:$0x1], $0xffff  }
0x86: {  	s27 =	sor.u32 $0xC40, s21;
	v4 =	vld.idx.msk [tilespmem:v1+s28+$0x0 ss:$0x1], $0xffff;
	[tilespmem:v0+s23+$0x0 ss:$0x1] =	vst.idx.msk $0xffff, v8  }
0x87: {  	s22 =	sor.u32 $0xC70, s21;
	s24 =	sor.u32 $0xC60, s21;
	s26 =	sor.u32 $0xC30, s21;
	[tilespmem:v0+s17+$0x0 ss:$0x1] =	vst.idx.msk $0xffff, v2;
	v2 =	vld.idx.msk [tilespmem:v1+s27+$0x0 ss:$0x1], $0xffff  }
0x88: {  	s25 =	sor.u32 $0xC50, s21;
	s21 =	simm.s32 $0x80;
	s31 =	simm.s32 $0x200;
	[tilespmem:v0+s18+$0x0 ss:$0x1] =	vst.idx.msk $0xffff, v3;
	v3 =	vld.idx.msk [tilespmem:v1+s26+$0x0 ss:$0x1], $0xffff  }
0x89: {  	s2 =	sand.u32 $0x380, s21;
	s1 =	sand.u32 $0x3000, s31;
	s23 =	simm.s32 $0x400;
	[tilespmem:v0+s20+$0x0 ss:$0x1] =	vst.idx.msk $0xffff, v5;
	v5 =	vld.idx.msk [tilespmem:v1+s25+$0x0 ss:$0x1], $0xffff  }
.LBB1_3:
0x8a: {  	p0 =	sne.s32 s23, $0x3E00;
	s10 =	sor.u32 s2, s1;
	[tilespmem:v0+s30+$0x0 ss:$0x1] =	vst.idx.msk $0xffff, v7;
	v7 =	vld.idx.msk [tilespmem:v1+s24+$0x0 ss:$0x1], $0xffff  }
0x8b: {  	s0 =	sand.u32 $0x180, s21;
	s1 =	sand.u32 $0x3200, s10;
	s5 =	sor.u32 $0x410, s10;
	[tilespmem:v0+s29+$0x0 ss:$0x1] =	vst.idx.msk $0xffff, v6;
	v6 =	vld.idx.msk [tilespmem:v1+s22+$0x0 ss:$0x1], $0xffff  }
0x8c: {  	s31 =	sor.u32 $0x430, s10;
	s0 =	sor.u32 s0, s1;
	v8 =	vld.idx.msk [tilespmem:v1+s5+$0x0 ss:$0x1], $0xffff;
	s1 =	sor.u32 $0x420, s10;
	[tilespmem:v0+s28+$0x0 ss:$0x1] =	vst.idx.msk $0xffff, v4  }
0x8d: {  	v4 =	vld.idx.msk [tilespmem:v1+s0+$0x0 ss:$0x1], $0xffff;
	s16 =	sor.u32 $0x10, s0;
	s18 =	sor.u32 $0x20, s0;
	s28 =	sor.u32 $0xC00, s0;
	[tilespmem:v0+s26+$0x0 ss:$0x1] =	vst.idx.msk $0xffff, v3  }
0x8e: {  	s19 =	sor.u32 $0x30, s0;
	s17 =	sor.u32 $0x40, s0;
	s11 =	sor.u32 $0x50, s0;
	v3 =	vld.idx.msk [tilespmem:v1+s28+$0x0 ss:$0x1], $0xffff;
	[tilespmem:v0+s27+$0x0 ss:$0x1] =	vst.idx.msk $0xffff, v2  }
0x8f: {  	s12 =	sor.u32 $0x60, s0;
	s13 =	sor.u32 $0x70, s0;
	s14 =	sor.u32 $0x400, s0;
	v2 =	vld.idx.msk [tilespmem:v1+s16+$0x0 ss:$0x1], $0xffff;
	[tilespmem:v0+s25+$0x0 ss:$0x1] =	vst.idx.msk $0xffff, v5  }
0x90: {  	s20 =	sor.u32 $0x440, s10;
	s2 =	sor.u32 $0x450, s10;
	s15 =	sor.u32 $0x800, s0;
	v5 =	vld.idx.msk [tilespmem:v1+s18+$0x0 ss:$0x1], $0xffff;
	[tilespmem:v0+s24+$0x0 ss:$0x1] =	vst.idx.msk $0xffff, v7  }
0x91: {  	s8 =	sor.u32 $0x460, s10;
	s3 =	sor.u32 $0x470, s10;
	s4 =	sor.u32 $0x810, s10;
	v7 =	vld.idx.msk [tilespmem:v1+s19+$0x0 ss:$0x1], $0xffff;
	[tilespmem:v0+s22+$0x0 ss:$0x1] =	vst.idx.msk $0xffff, v6  }
0x92: {  	s6 =	sor.u32 $0x820, s10;
	s9 =	sor.u32 $0x830, s10;
	v6 =	vld.idx.msk [tilespmem:v1+s17+$0x0 ss:$0x1], $0xffff;
	[tilespmem:v0+s5+$0x0 ss:$0x1] =	vst.idx.msk $0xffff, v8;
	s5 =	sor.u32 $0x840, s10  }
0x93: {  	s7 =	sor.u32 $0x850, s10;
	s30 =	sor.u32 $0x870, s10;
	[tilespmem:v0+s0+$0x0 ss:$0x1] =	vst.idx.msk $0xffff, v4;
	v4 =	vld.idx.msk [tilespmem:v1+s11+$0x0 ss:$0x1], $0xffff;
	s0 =	sor.u32 $0x860, s10  }
0x94: {  	s29 =	sor.u32 $0xC10, s10;
	s26 =	sor.u32 $0xC30, s10;
	v8 =	vld.idx.msk [tilespmem:v1+s12+$0x0 ss:$0x1], $0xffff;
	[tilespmem:v0+s28+$0x0 ss:$0x1] =	vst.idx.msk $0xffff, v3;
	s28 =	sor.u32 $0xC20, s10  }
0x95: {  	s27 =	sor.u32 $0xC40, s10;
	s25 =	sor.u32 $0xC50, s10;
	s24 =	sor.u32 $0xC60, s10;
	[tilespmem:v0+s16+$0x0 ss:$0x1] =	vst.idx.msk $0xffff, v2;
	v2 =	vld.idx.msk [tilespmem:v1+s13+$0x0 ss:$0x1], $0xffff  }
0x96: {  	s22 =	sor.u32 $0xC70, s10;
	[tilespmem:v0+s18+$0x0 ss:$0x1] =	vst.idx.msk $0xffff, v5;
	v3 =	vld.idx.msk [tilespmem:v1+s14+$0x0 ss:$0x1], $0xffff  }
0x97: {  	[tilespmem:v0+s19+$0x0 ss:$0x1] =	vst.idx.msk $0xffff, v7;
	v5 =	vld.idx.msk [tilespmem:v1+s15+$0x0 ss:$0x1], $0xffff  }
0x98: {  	[tilespmem:v0+s17+$0x0 ss:$0x1] =	vst.idx.msk $0xffff, v6;
	v6 =	vld.idx.msk [tilespmem:v1+s1+$0x0 ss:$0x1], $0xffff  }
0x99: {  	[tilespmem:v0+s11+$0x0 ss:$0x1] =	vst.idx.msk $0xffff, v4;
	v4 =	vld.idx.msk [tilespmem:v1+s31+$0x0 ss:$0x1], $0xffff  }
0x9a: {  	[tilespmem:v0+s12+$0x0 ss:$0x1] =	vst.idx.msk $0xffff, v8;
	v7 =	vld.idx.msk [tilespmem:v1+s20+$0x0 ss:$0x1], $0xffff  }
0x9b: {  	[tilespmem:v0+s13+$0x0 ss:$0x1] =	vst.idx.msk $0xffff, v2;
	v2 =	vld.idx.msk [tilespmem:v1+s2+$0x0 ss:$0x1], $0xffff  }
0x9c: {  	[tilespmem:v0+s14+$0x0 ss:$0x1] =	vst.idx.msk $0xffff, v3;
	v3 =	vld.idx.msk [tilespmem:v1+s8+$0x0 ss:$0x1], $0xffff  }
0x9d: {  	v8 =	vld.idx.msk [tilespmem:v1+s3+$0x0 ss:$0x1], $0xffff;
	[tilespmem:v0+s15+$0x0 ss:$0x1] =	vst.idx.msk $0xffff, v5  }
0x9e: {  	[tilespmem:v0+s1+$0x0 ss:$0x1] =	vst.idx.msk $0xffff, v6;
	v5 =	vld.idx.msk [tilespmem:v1+s4+$0x0 ss:$0x1], $0xffff  }
0x9f: {  	[tilespmem:v0+s31+$0x0 ss:$0x1] =	vst.idx.msk $0xffff, v4;
	v4 =	vld.idx.msk [tilespmem:v1+s6+$0x0 ss:$0x1], $0xffff  }
0xa0: {  	[tilespmem:v0+s20+$0x0 ss:$0x1] =	vst.idx.msk $0xffff, v7;
	v9 =	vld.idx.msk [tilespmem:v1+s9+$0x0 ss:$0x1], $0xffff  }
0xa1: {  	[tilespmem:v0+s2+$0x0 ss:$0x1] =	vst.idx.msk $0xffff, v2;
	v2 =	vld.idx.msk [tilespmem:v1+s5+$0x0 ss:$0x1], $0xffff  }
0xa2: {  	[tilespmem:v0+s8+$0x0 ss:$0x1] =	vst.idx.msk $0xffff, v3;
	v10 =	vld.idx.msk [tilespmem:v1+s7+$0x0 ss:$0x1], $0xffff  }
0xa3: {  	[tilespmem:v0+s3+$0x0 ss:$0x1] =	vst.idx.msk $0xffff, v8;
	v8 =	vld.idx.msk [tilespmem:v1+s0+$0x0 ss:$0x1], $0xffff  }
0xa4: {  	[tilespmem:v0+s4+$0x0 ss:$0x1] =	vst.idx.msk $0xffff, v5;
	v7 =	vld.idx.msk [tilespmem:v1+s30+$0x0 ss:$0x1], $0xffff  }
.Ltmp3:
0xa5: {  	[tilespmem:v0+s6+$0x0 ss:$0x1] =	vst.idx.msk $0xffff, v4;
	v6 =	vld.idx.msk [tilespmem:v1+s29+$0x0 ss:$0x1], $0xffff;
	(pc) =	sbr.rel @p0 .LBB1_3-.Ltmp3, $4  }
0xa6: {  	[tilespmem:v0+s9+$0x0 ss:$0x1] =	vst.idx.msk $0xffff, v9;
	v4 =	vld.idx.msk [tilespmem:v1+s28+$0x0 ss:$0x1], $0xffff  }
0xa7: {  	[tilespmem:v0+s5+$0x0 ss:$0x1] =	vst.idx.msk $0xffff, v2;
	v3 =	vld.idx.msk [tilespmem:v1+s26+$0x0 ss:$0x1], $0xffff  }
0xa8: {  	s21 =	sadd.s32 $0x80, s21;
	[tilespmem:v0+s7+$0x0 ss:$0x1] =	vst.idx.msk $0xffff, v10;
	v2 =	vld.idx.msk [tilespmem:v1+s27+$0x0 ss:$0x1], $0xffff  }
0xa9: {  	s1 =	sand.u32 $0x3000, s23;
	s23 =	sadd.s32 $0x200, s23;
	s2 =	sand.u32 $0x380, s21;
	[tilespmem:v0+s0+$0x0 ss:$0x1] =	vst.idx.msk $0xffff, v8;
	v5 =	vld.idx.msk [tilespmem:v1+s25+$0x0 ss:$0x1], $0xffff  }
.Ltmp4:
0xaa: {  	_ = 	snop;
	(pc) =	sbr.rel .LBB1_4-.Ltmp4, $1  }
0xab: {  	_ =	sdelay $0x3  }
.LBB1_6:
0xac: {  	_ =	sfence.sel $0x180000  }
0xad: {  	s0 =	simm.s32 $0x1;
	[bflag:$0x0] =	sbarrier.arrive $0xFFFF  }
0xae: {  	s30 =	simm.s32 $0x2;
	[sflag:s0] =	ssyncpa.u1 $0x1  }
0xaf: {  	[sflag:s30] =	ssyncpa.u1 $0x1  }
0xb0: {  	_ =	strace $0x90000047  }
0xb1: {  	s31 =	stileid.u32;
	[bflag:$0x2] =	sbarrier.arrive $0xFFFF  }
0xb2: {  	p0 =	sne.s32 s31, $0x0;
	s0 =	rddreg [dreg:$0x1]  }
0xb3: {  	s0 =	sadd.s32 @!p0 $0x100000, s0  }
0xb4: {  	[sflag:s0] =	ssyncadd.tile.s32 @!p0 $0x1;
	_ =	shalt  }
.Lfunc_end1:
_tile_overlayer_lowered:
.L_overlay_start_2:
0xb5: {  	(tag) =	ssettag $0x2  }
0xb6: {  	s0 =	rddreg [dreg:$0x0];
	s2 =	stileid.u32  }
0xb7: {  	s1 =	rddreg [dreg:$0x1];
	p0 =	sne.s32 s2, $0x0  }
0xb8: {  	s3 =	rddreg [dreg:$0x2];
	[bflag:$0x3] =	sbarrier.arrive $0xFFFF;
	s2 =	simm.s32 @!p0 $0x1C01  }
0xb9: {  	[timem:s3], [sflag:s2] =	dma.local @!p0 [hbm:s0], s1  }
0xba: {  	s0 =	simm.s32 @!p0 $0x1  }
0xbb: {  	_ =	swait.ge @!p0 [sflag:s0], s1  }
0xbc: {  	s1 =	ssub.s32 @!p0 $0x0, s1;
	[sflag:s0] =	ssyncset.done @!p0 $0x0  }
0xbd: {  	[sflag:s0] =	ssyncadd.s32 @!p0 s1  }
0xbe: {  	[bflag:$0x3] =	sbarrier.arrive $0xFFFF  }
0xbf: {  	_ =	shalt  }

// kernel: sparse-core-data-format-call.cloned.1.call-start
scs
called_computation_lowered:
.L_overlay_start_0:
0x0: {  	s1 =	sld [smem:$0x3FD9]  }
0x1: {  	s2 =	sld [smem:$0x3FFE];
	_ =	sdelay $0x1  }
0x2: {  	s3 =	srdreg.scid  }
0x3: {  	s0 =	sand.u32 $0x1, s3  }
0x4: {  	s17 =	sshll.u32 s0, $0xA;
	s1 =	sadd.s32 s2, s1  }
0x5: {  	s1 =	sadd.s32 s1, s17  }
0x6: {  	[smem:$0x3FC2] =	sst s1  }
0x7: {  	_ = 	snop  }
0x8: {  	(tm) =	ssettm $0x1  }
0x9: {  	s18 =	sld [smem:$0x3FFB];
	_ =	sdelay $0x3  }
0xa: {  	_ =	strace s18  }
0xb: {  	s1 =	sld [smem:$0x3FFC];
	_ =	sdelay $0x3  }
0xc: {  	_ =	strace s1  }
0xd: {  	s1 =	sld [smem:$0x3FFD];
	_ =	sdelay $0x3  }
0xe: {  	_ =	strace s1  }
0xf: {  	_ =	strace $0x8FFFFFFF  }
0x10: {  	s19 =	sld [smem:$0x3FDB];
	_ =	sdelay $0x1  }
0x11: {  	s20 =	simm.s32 $_scs_section_size  }
0x12: {  	s4 =	simm.s32 $_size__tile_overlayer_lowered;
	s5 =	simm.s32 $_tile_overlayer_lowered  }
0x13: {  	s23 =	simm.s32 $0x1BFF;
	s22 =	sshll.u32 s5, $0x1;
	s1 =	sadd.s32 s20, s19  }
0x14: {  	s6 =	simm.s32 $0x0;
	s21 =	sshll.u32 s4, $0x1;
	s4 =	sadd.s32 s22, s1  }
0x15: {  	[timem:s6], [sflag:s23] =	dma.local [hbm:s4], s21  }
0x16: {  	_ =	swait.ge [sflag:s23], s21  }
0x17: {  	s2 =	ssub.s32 $0x0, s21;
	[sflag:s23] =	ssyncset.done $0x0  }
0x18: {  	[sflag:s23] =	ssyncadd.s32 s2;
	_ =	sdelay $0x1  }
0x19: {  	s24 =	simm.s32 $0x1B8B  }
0x1a: {  	_ =	swait.ge [sflag:s24], $0x1  }
0x1b: {  	[sflag:s24] =	ssyncset.done $0x0  }
0x1c: {  	s26 =	simm.s32 $0x1B8E;
	s25 =	sld [smem:$0x3FFE];
	[sflag:s24] =	ssyncadd.s32 $0xFFFFFFFF  }
0x1d: {  	s27 =	simm.s32 $execute0_lowered;
	[smem:$0x3FD2] =	sst s26  }
0x1e: {  	s4 =	sshll.u32 s27, $0x1;
	_ =	strace $0x80000049;
	[dreg:$0x1] =	wrdreg $0xFFFFFFFF  }
0x1f: {  	s28 =	simm.s32 $_size_execute0_lowered;
	s1 =	sadd.s32 s1, s4;
	[dreg:$0x0] =	wrdreg $0x0  }
0x20: {  	s4 =	sshll.u32 s28, $0x1;
	[dreg:$0x2] =	wrdreg s1  }
0x21: {  	[dreg:$0x3] =	wrdreg s4  }
0x22: {  	[dreg:$0x4] =	wrdreg $0xC0  }
0x23: {  	_ =	task [dreg:s6], $0x5FFFF  }
0x24: {  	[dreg:$0x1] =	wrdreg $0xFFFFFFFF  }
0x25: {  	[dreg:$0x0] =	wrdreg $0x60  }
0x26: {  	[dreg:$0x2] =	wrdreg s25  }
0x27: {  	[dreg:$0x3] =	wrdreg $0x9  }
0x28: {  	_ =	task.clear_ibuf [dreg:s6], $0x4FFFF;
	_ =	strace $0x90000049  }
0x29: {  	s29 =	simm.s32 $0x9;
	_ =	strace $0x8000004B  }
0x2a: {  	_ =	swait.ge [sflag:s29], $0x1  }
0x2b: {  	[sflag:s29] =	ssyncadd.s32 $0xFFFFFFFF  }
0x2c: {  	_ =	strace $0x9000004B  }
0x2d: {  	_ =	sfence  }
0x2e: {  	s30 =	sld [smem:$0x0];
	_ =	sdelay $0x2  }
0x2f: {  	s31 =	sshll.u32 s3, $0xD;
	s3 =	sshrl.u32 s3, $0x2  }
0x30: {  	s2 =	sand.u32 $0x4000, s31;
	s1 =	sadd.s32 s3, s30  }
0x31: {  	s0 =	sor.u32 s2, s0;
	s1 =	sshll.u32 s1, $0x11  }
0x32: {  	s0 =	sor.u32 s1, s0  }
0x33: {  	s0 =	sadd.s32 $0x8F2B, s0  }
0x34: {  	[sflag:s0] =	ssyncadd.remote.s32 $0x1  }
0x35: {  	_ =	sfence.sel $0xFFFF  }
0x36: {  	[dreg:$0x0] =	wrdreg $0xFFFFFFFF;
	(pc) =	sbr.abs _section_cstart, $3  }
0x37: {  	[dreg:$0x1] =	wrdreg $0xFFFFFFFF  }
0x38: {  	_ =	task.clear_ibuf [dreg:s6], $0x2FFFF;
	_ =	strace $0x9FFFFFFF  }
0x39: {  	(tm) =	ssettm $0x7FFFFFFF  }
tec
execute0_lowered:
.L_overlay_start_1:
0x0: {  	(tag) =	ssettag $0x1  }
0x1: {  	s0 =	srdreg.scid  }
0x2: {  	s2 =	stileid.u32;
	s0 =	sshll.u32 s0, $0x4  }
0x3: {  	s1 =	rddreg [dreg:$0x0];
	_ =	strace $0x8000004A;
	s0 =	sand.u32 $0x10, s0  }
0x4: {  	s31 =	simm.s32 $0x1;
	s5 =	simm.s32 $0x2;
	s0 =	sor.u32 s2, s0  }
0x5: {  	s13 =	simm.s32 $0x0;
	s10 =	simm.s32 $0x0;
	s6 =	sshll.u32 s0, $0xA  }
0x6: {  	s7 =	sadd.s32 $0x2400, s1;
	s1 =	sadd.s32 $0x102400, s1;
	s0 =	ssub.s32 $0x80000, s6  }
0x7: {  	s11 =	simm.s32 $0x0;
	[dreg:$0x4] =	wrdreg s1;
	s4 =	sand.u32 $0x7C00, s0  }
.Ltmp0:
0x8: {  	p0 =	sne.s32 s4, $0x0;
	s4 =	simm.s32 $0x1;
	(pc) =	sbr.rel .LBB1_1-.Ltmp0, $4  }
0x9: {  	[dreg:$0x3] =	wrdreg s7;
	s0 =	sshrl.u32 s0, $0xF;
	s4 =	simm.s32 @!p0 $0x0  }
0xa: {  	[sflag:s31] =	ssyncpa.u1 $0x0;
	[dreg:$0x2] =	wrdreg s6;
	s8 =	sadd.s32 s4, s0  }
0xb: {  	[sflag:s5] =	ssyncpa.u1 $0x0;
	s9 =	sadd.s32 $0x1, s8;
	[dreg:$0x5] =	wrdreg s8  }
0xc: {  	s2 =	simm.s32 $0x0;
	s12 =	smov.u32 s6;
	[dreg:$0x6] =	wrdreg s9  }
.LBB1_7:
0xd: {  	s0 =	sadd.s32 $0x8000, s12  }
0xe: {  	s2 =	sadd.s32 $0x10, s10;
	s3 =	smov.u32 s10;
	p1 =	sgt.s32 s0, $0x7FFFF  }
0xf: {  	s3 =	smov.u32 @p1 s2  }
0x10: {  	s0 =	smov.u32 @p1 s6;
	p1 =	sgt.s32 s3, $0xF  }
0x11: {  	s3 =	simm.s32 @p1 $0x0;
	p1 =	sne.s32 s11, s9  }
.Ltmp1:
0x12: {  	p0 =	slt.u32 s11, $0x2;
	(pc) =	sbr.rel @!p1 .LBB1_8-.Ltmp1, $4  }
0x13: {  	s1 =	simm.s32 @!p0 $0x2  }
0x14: {  	s13 =	smov.u32 s12;
	_ =	swait.ge @!p0 [sflag:s1], $0x4000  }
0x15: {  	s2 =	smov.u32 s10;
	[sflag:s1] =	ssyncset.done @!p0 $0x0;
	s12 =	smov.u32 s0  }
0x16: {  	s11 =	sadd.s32 $0x1, s11;
	[sflag:s1] =	ssyncadd.s32 @!p0 $0xFFFFC000;
	s10 =	smov.u32 s3  }
.LBB1_1:
0x17: {  	p0 =	sge.u32 s11, s8;
	s31 =	sadd.s32 $0xFFFFFFFF, s11  }
0x18: {  	s0 =	sand.u32 @!p0 $0x78, s12;
	s1 =	sshll.u32 @!p0 s10, $0x13;
	s4 =	sshll.u32 @!p0 s10, $0x7  }
0x19: {  	s5 =	sshll.u32 @!p0 s12, $0x3;
	s1 =	sand.u32 @!p0 $0x400000, s1;
	s4 =	sand.u32 @!p0 $0x380, s4  }
0x1a: {  	s1 =	sadd.s32 @!p0 s1, s5;
	s5 =	sand.u32 @!p0 $0x7FC00, s5;
	s0 =	sor.u32 @!p0 s4, s0  }
0x1b: {  	s4 =	sxor.u32 @!p0 $0xFFFFFFFF, s11;
	s1 =	sand.u32 @!p0 $0x780000, s1;
	s0 =	sor.u32 @!p0 s5, s0  }
0x1c: {  	s4 =	sshll.u32 @!p0 s4, $0xE;
	s0 =	sor.u32 @!p0 s1, s0;
	s1 =	sand.u32 @!p0 $0x7, s12  }
0x1d: {  	s5 =	simm.s32 @!p0 $0x400000;
	s0 =	sshrl.u32 @!p0 s0, $0x3;
	s1 =	sshll.u32 @!p0 s1, $0x12  }
0x1e: {  	s4 =	sand.u32 @!p0 $0x4000, s4;
	s0 =	sadd.s32 @!p0 s7, s0;
	s1 =	sor.u32 @!p0 $0x2000, s1  }
0x1f: {  	[tilespmem:s4], [sflag:$0x1] =	stream.strided.gather @!p0 [hbm4b:s0+s1], $0x4000, s5, s1, $0x38;
	[tilespmem:$0x10800] =	vst v63  }
0x20: {  	p0 =	sge.u32 s31, s8  }
.Ltmp2:
0x21: {  	_ = 	snop;
	(pc) =	sbr.rel @p0 .LBB1_7-.Ltmp2, $1  }
0x22: {  	_ =	sdelay $0x3  }
0x23: {  	[dreg:$0x9] =	wrdreg s13  }
0x24: {  	[dreg:$0x8] =	wrdreg s2;
	s0 =	sand.u32 $0x1, s11  }
0x25: {  	[dreg:$0x7] =	wrdreg s12;
	s31 =	simm.s32 $0x1;
	s1 =	smul.u32 $0x11000, s0  }
0x26: {  	_ =	swait.ge [sflag:s31], $0x4000  }
0x27: {  	s16 =	simm.s32 $0x0;
	[sflag:s31] =	ssyncset.done $0x0;
	s1 =	sshrl.u32 s1, $0x2  }
0x28: {  	s15 =	sshll.u32 s0, $0xE;
	[sflag:s31] =	ssyncadd.s32 $0xFFFFC000;
	s14 =	sor.u32 $0x8000, s1  }
.LBB1_3:
0x29: {  	s0 =	sshll.u32 s16, $0xA  }
0x2a: {  	s1 =	sshll.u32 s16, $0x7;
	s0 =	sand.u32 $0x2000, s0  }
0x2b: {  	s1 =	sand.u32 $0x380, s1;
	s0 =	sadd.s32 s0, s15  }
0x2c: {  	s0 =	sadd.s32 s1, s0  }
0x2d: {  	s17 =	sadd.s32 s16, s14;
	p0 =	por $0x1, $0x1;
	s18 =	simm.s32 $0x0;
	v0 =	vmov s0  }
.LBB1_4:
0x2e: {  	s0 =	smul.u32 $0x44, s18;
	s1 =	sshll.u32 s18, $0x3;
	s4 =	sor.u32 $0x80, s18  }
0x2f: {  	s9 =	sor.u32 $0x90, s18;
	s22 =	sor.u32 $0xA0, s18;
	s25 =	sor.u32 $0xB0, s18  }
0x30: {  	s2 =	sor.u32 $0xC0, s18;
	s3 =	sor.u32 $0xD0, s18;
	s7 =	smul.u32 $0x44, s4  }
0x31: {  	p1 =	por p0, p0;
	s29 =	sand.u32 $0x3FFFFFF8, s1;
	s13 =	smul.u32 $0x44, s9  }
0x32: {  	s8 =	sshll.u32 s4, $0x3;
	s21 =	sshll.u32 s9, $0x3;
	s5 =	smul.u32 $0x44, s22  }
0x33: {  	s24 =	sshll.u32 s22, $0x3;
	s27 =	smul.u32 $0x44, s25;
	s28 =	sshll.u32 s25, $0x3  }
0x34: {  	s4 =	sshll.u32 s2, $0x3;
	s25 =	smul.u32 $0x44, s3;
	s0 =	sshra.s32 s0, $0x2  }
0x35: {  	s30 =	sand.u32 $0x3FFFFFF8, s8;
	s31 =	sand.u32 $0x1400, s21;
	s1 =	sand.u32 $0x1400, s24  }
0x36: {  	s24 =	smul.u32 $0x44, s2;
	s8 =	sand.u32 $0x1400, s4;
	s0 =	sadd.s32 s0, s14  }
0x37: {  	s12 =	sshra.s32 s7, $0x2;
	s23 =	sshra.s32 s13, $0x2;
	s26 =	sshra.s32 s5, $0x2  }
0x38: {  	s5 =	sshra.s32 s27, $0x2;
	s7 =	sshll.u32 s3, $0x3;
	s9 =	sshra.s32 s25, $0x2  }
0x39: {  	s3 =	sor.u32 $0x100, s18;
	v55 =	vld.idx.msk [tilespmem:v0+s31+$0x10 ss:$0x1], $0xffff;
	s31 =	sor.u32 $0x140, s18;
	s19 =	sadd.s32 s16, s0  }
0x3a: {  	s20 =	sadd.s32 s12, s17;
	s21 =	sadd.s32 s23, s17;
	s22 =	sadd.s32 s26, s17  }
0x3b: {  	s0 =	sand.u32 $0x1400, s28;
	s23 =	sadd.s32 s5, s17;
	s6 =	sshra.s32 s24, $0x2  }
0x3c: {  	v1 =	vld.idx.msk [tilespmem:v0+s29+$0x0 ss:$0x1], $0xffff;
	s26 =	sor.u32 $0xE0, s18;
	s5 =	sand.u32 $0x1400, s7;
	s25 =	sadd.s32 s9, s17  }
0x3d: {  	v2 =	vld.idx.msk [tilespmem:v0+s29+$0x10 ss:$0x1], $0xffff;
	s28 =	sor.u32 $0xF0, s18;
	s24 =	sadd.s32 s6, s17;
	s27 =	smul.u32 $0x44, s26  }
0x3e: {  	v3 =	vld.idx.msk [tilespmem:v0+s29+$0x20 ss:$0x1], $0xffff;
	s12 =	sshll.u32 s26, $0x3;
	s2 =	smul.u32 $0x44, s28;
	s28 =	sshll.u32 s28, $0x3  }
0x3f: {  	s6 =	smul.u32 $0x44, s3;
	s3 =	sshll.u32 s3, $0x3;
	s4 =	sand.u32 $0x1400, s12  }
0x40: {  	v4 =	vld.idx.msk [tilespmem:v0+s29+$0x30 ss:$0x1], $0xffff;
	s7 =	sand.u32 $0x1400, s28;
	s3 =	sand.u32 $0x3FFFFFF8, s3;
	s13 =	sshra.s32 s27, $0x2  }
0x41: {  	v5 =	vld.idx.msk [tilespmem:v0+s29+$0x40 ss:$0x1], $0xffff;
	s27 =	sshra.s32 s2, $0x2;
	s2 =	sor.u32 $0x110, s18;
	s28 =	sshra.s32 s6, $0x2;
	[tilespmem:s19+$0x0 ss:$0x11] =	vst.msk $0xffff, v1  }
0x42: {  	v1 =	vld.idx.msk [tilespmem:v0+s29+$0x50 ss:$0x1], $0xffff;
	[tilespmem:s19+$0x110 ss:$0x11] =	vst.msk $0xffff, v2;
	s26 =	sadd.s32 s13, s17;
	s27 =	sadd.s32 s27, s17;
	s6 =	smul.u32 $0x44, s2  }
0x43: {  	v2 =	vld.idx.msk [tilespmem:v0+s29+$0x60 ss:$0x1], $0xffff;
	[tilespmem:s19+$0x220 ss:$0x11] =	vst.msk $0xffff, v3;
	s28 =	sadd.s32 s28, s17;
	s2 =	sshll.u32 s2, $0x3;
	s13 =	sor.u32 $0x120, s18  }
0x44: {  	v3 =	vld.idx.msk [tilespmem:v0+s29+$0x70 ss:$0x1], $0xffff;
	[tilespmem:s21+$0x0 ss:$0x11] =	vst.msk $0xffff, v55;
	s21 =	sor.u32 $0x170, s18;
	s2 =	sand.u32 $0x1800, s2;
	s12 =	smul.u32 $0x44, s13  }
0x45: {  	v54 =	vld.idx.msk [tilespmem:v0+s30+$0x0 ss:$0x1], $0xffff;
	[tilespmem:s19+$0x330 ss:$0x11] =	vst.msk $0xffff, v4;
	s9 =	sshll.u32 s13, $0x3;
	s13 =	sor.u32 $0x130, s18;
	s6 =	sshra.s32 s6, $0x2  }
0x46: {  	[tilespmem:s19+$0x440 ss:$0x11] =	vst.msk $0xffff, v5;
	s29 =	sadd.s32 s6, s17;
	s6 =	sand.u32 $0x1800, s9;
	s12 =	sshra.s32 s12, $0x2  }
0x47: {  	s9 =	smul.u32 $0x44, s13;
	s13 =	sshll.u32 s13, $0x3;
	s30 =	sadd.s32 s12, s17;
	[tilespmem:s19+$0x550 ss:$0x11] =	vst.msk $0xffff, v1;
	v1 =	vld.idx.msk [tilespmem:v0+s1+$0x20 ss:$0x1], $0xffff  }
0x48: {  	s1 =	sand.u32 $0x1800, s13;
	s12 =	smul.u32 $0x44, s31;
	[tilespmem:s19+$0x660 ss:$0x11] =	vst.msk $0xffff, v2;
	v2 =	vld.idx.msk [tilespmem:v0+s0+$0x30 ss:$0x1], $0xffff;
	s13 =	sshll.u32 s31, $0x3  }
0x49: {  	s31 =	sor.u32 $0x150, s18;
	[tilespmem:s19+$0x770 ss:$0x11] =	vst.msk $0xffff, v3;
	v3 =	vld.idx.msk [tilespmem:v0+s8+$0x40 ss:$0x1], $0xffff;
	s9 =	sshra.s32 s9, $0x2;
	s8 =	sand.u32 $0x1800, s13  }
0x4a: {  	v56 =	vld.idx.msk [tilespmem:v0+s5+$0x50 ss:$0x1], $0xffff;
	[tilespmem:s20+$0x0 ss:$0x11] =	vst.msk $0xffff, v54;
	s19 =	smul.u32 $0x44, s31;
	s20 =	sshll.u32 s31, $0x3;
	s31 =	sor.u32 $0x160, s18  }
0x4b: {  	v57 =	vld.idx.msk [tilespmem:v0+s4+$0x60 ss:$0x1], $0xffff;
	s0 =	sadd.s32 s9, s17;
	s12 =	sshra.s32 s12, $0x2;
	s4 =	sand.u32 $0x1800, s20  }
0x4c: {  	s5 =	sadd.s32 s12, s17;
	s12 =	sshra.s32 s19, $0x2;
	s19 =	smul.u32 $0x44, s31  }
0x4d: {  	s20 =	sshll.u32 s31, $0x3;
	s31 =	sor.u32 $0x180, s18;
	[tilespmem:s22+$0x0 ss:$0x11] =	vst.msk $0xffff, v1;
	v1 =	vld.idx.msk [tilespmem:v0+s7+$0x70 ss:$0x1], $0xffff;
	s7 =	sadd.s32 s12, s17  }
0x4e: {  	[tilespmem:s23+$0x0 ss:$0x11] =	vst.msk $0xffff, v2;
	v2 =	vld.idx.msk [tilespmem:v0+s3+$0x0 ss:$0x1], $0xffff;
	s3 =	sand.u32 $0x1800, s20;
	s22 =	sshra.s32 s19, $0x2;
	s23 =	smul.u32 $0x44, s21  }
0x4f: {  	[tilespmem:s24+$0x0 ss:$0x11] =	vst.msk $0xffff, v3;
	v3 =	vld.idx.msk [tilespmem:v0+s2+$0x10 ss:$0x1], $0xffff;
	s24 =	sshll.u32 s21, $0x3;
	s20 =	smul.u32 $0x44, s31;
	s21 =	sshll.u32 s31, $0x3  }
0x50: {  	[tilespmem:s25+$0x0 ss:$0x11] =	vst.msk $0xffff, v56;
	v58 =	vld.idx.msk [tilespmem:v0+s6+$0x20 ss:$0x1], $0xffff;
	s2 =	sadd.s32 s22, s17;
	s6 =	sand.u32 $0x1800, s24;
	s22 =	sor.u32 $0x190, s18  }
0x51: {  	[tilespmem:s26+$0x0 ss:$0x11] =	vst.msk $0xffff, v57;
	v59 =	vld.idx.msk [tilespmem:v0+s1+$0x30 ss:$0x1], $0xffff;
	s19 =	sshra.s32 s23, $0x2;
	s23 =	sand.u32 $0x3FFFFFF8, s21;
	s24 =	sshra.s32 s20, $0x2  }
0x52: {  	s25 =	smul.u32 $0x44, s22;
	s1 =	sadd.s32 s19, s17;
	s19 =	sor.u32 $0x1B0, s18;
	[tilespmem:s27+$0x0 ss:$0x11] =	vst.msk $0xffff, v1;
	v1 =	vld.idx.msk [tilespmem:v0+s8+$0x40 ss:$0x1], $0xffff  }
0x53: {  	s26 =	sshll.u32 s22, $0x3;
	s22 =	sshll.u32 s19, $0x3;
	[tilespmem:s28+$0x0 ss:$0x11] =	vst.msk $0xffff, v2;
	v2 =	vld.idx.msk [tilespmem:v0+s4+$0x50 ss:$0x1], $0xffff;
	s4 =	sadd.s32 s24, s17  }
0x54: {  	s27 =	sor.u32 $0x1A0, s18;
	[tilespmem:s29+$0x0 ss:$0x11] =	vst.msk $0xffff, v3;
	v3 =	vld.idx.msk [tilespmem:v0+s3+$0x60 ss:$0x1], $0xffff;
	s28 =	sand.u32 $0x1C00, s26;
	s29 =	sshra.s32 s25, $0x2  }
0x55: {  	[tilespmem:s30+$0x0 ss:$0x11] =	vst.msk $0xffff, v58;
	v60 =	vld.idx.msk [tilespmem:v0+s6+$0x70 ss:$0x1], $0xffff;
	s24 =	sand.u32 $0x1C00, s22;
	s25 =	sor.u32 $0x1C0, s18;
	s26 =	smul.u32 $0x44, s19  }
0x56: {  	[tilespmem:s0+$0x0 ss:$0x11] =	vst.msk $0xffff, v59;
	v61 =	vld.idx.msk [tilespmem:v0+s23+$0x0 ss:$0x1], $0xffff;
	s31 =	smul.u32 $0x44, s27;
	s6 =	sadd.s32 s29, s17;
	s13 =	sshll.u32 s27, $0x3  }
0x57: {  	s27 =	sshll.u32 s25, $0x3;
	s19 =	smul.u32 $0x44, s25;
	s20 =	sand.u32 $0x1C00, s13;
	[tilespmem:s5+$0x0 ss:$0x11] =	vst.msk $0xffff, v1;
	v1 =	vld.idx.msk [tilespmem:v0+s28+$0x10 ss:$0x1], $0xffff  }
0x58: {  	s29 =	sand.u32 $0x1C00, s27;
	s21 =	sshra.s32 s31, $0x2;
	[tilespmem:s7+$0x0 ss:$0x11] =	vst.msk $0xffff, v2;
	v2 =	vld.idx.msk [tilespmem:v0+s20+$0x20 ss:$0x1], $0xffff;
	s28 =	sor.u32 $0x1D0, s18  }
0x59: {  	s31 =	sor.u32 $0x1E0, s18;
	s23 =	sadd.s32 s21, s17;
	[tilespmem:s2+$0x0 ss:$0x11] =	vst.msk $0xffff, v3;
	v3 =	vld.idx.msk [tilespmem:v0+s24+$0x30 ss:$0x1], $0xffff;
	s30 =	sshll.u32 s28, $0x3  }
0x5a: {  	[tilespmem:s1+$0x0 ss:$0x11] =	vst.msk $0xffff, v60;
	v62 =	vld.idx.msk [tilespmem:v0+s29+$0x40 ss:$0x1], $0xffff;
	s13 =	sshll.u32 s31, $0x3;
	s18 =	sor.u32 $0x1F0, s18;
	s12 =	sand.u32 $0x1C00, s30  }
0x5b: {  	[tilespmem:s4+$0x0 ss:$0x11] =	vst.msk $0xffff, v61;
	s20 =	sand.u32 $0x1C00, s13;
	s24 =	smul.u32 $0x44, s31;
	s21 =	sshll.u32 s18, $0x3;
	v63 =	vld.idx.msk [tilespmem:v0+s12+$0x50 ss:$0x1], $0xffff  }
0x5c: {  	s0 =	sshra.s32 s26, $0x2;
	s22 =	smul.u32 $0x44, s28;
	s2 =	sand.u32 $0x1C00, s21;
	[tilespmem:s6+$0x0 ss:$0x11] =	vst.msk $0xffff, v1;
	v1 =	vld.idx.msk [tilespmem:v0+s20+$0x60 ss:$0x1], $0xffff  }
0x5d: {  	s0 =	sadd.s32 s0, s17;
	s26 =	smul.u32 $0x44, s18;
	[tilespmem:s23+$0x0 ss:$0x11] =	vst.msk $0xffff, v2;
	v2 =	vld.idx.msk [tilespmem:v0+s2+$0x70 ss:$0x1], $0xffff;
	s23 =	sshra.s32 s19, $0x2  }
.Ltmp3:
0x5e: {  	s1 =	sshra.s32 s22, $0x2;
	[tilespmem:s0+$0x0 ss:$0x11] =	vst.msk $0xffff, v3;
	s25 =	sadd.s32 s23, s17;
	(pc) =	sbr.rel @p1 .LBB1_4-.Ltmp3, $4  }
0x5f: {  	s28 =	sshra.s32 s24, $0x2;
	s27 =	sadd.s32 s1, s17;
	[tilespmem:s25+$0x0 ss:$0x11] =	vst.msk $0xffff, v62  }
0x60: {  	s29 =	sadd.s32 s28, s17;
	s30 =	sshra.s32 s26, $0x2;
	[tilespmem:s27+$0x0 ss:$0x11] =	vst.msk $0xffff, v63  }
0x61: {  	s31 =	sadd.s32 s30, s17;
	[tilespmem:s29+$0x0 ss:$0x11] =	vst.msk $0xffff, v1  }
0x62: {  	p0 =	por $0x0, $0x0;
	s18 =	simm.s32 $0x200;
	[tilespmem:s31+$0x0 ss:$0x11] =	vst.msk $0xffff, v2  }
0x63: {  	s16 =	sadd.s32 $0x1, s16  }
0x64: {  	p0 =	sne.s32 s16, $0x10  }
.Ltmp4:
0x65: {  	_ = 	snop;
	(pc) =	sbr.rel @p0 .LBB1_3-.Ltmp4, $1  }
0x66: {  	_ =	sdelay $0x3  }
0x67: {  	s0 =	rddreg [dreg:$0x9]  }
0x68: {  	s3 =	rddreg [dreg:$0x8]  }
0x69: {  	s29 =	rddreg [dreg:$0x4]  }
0x6a: {  	s31 =	simm.s32 $0x80;
	s6 =	rddreg [dreg:$0x2]  }
0x6b: {  	s7 =	rddreg [dreg:$0x3];
	s0 =	sshll.u32 s0, $0x7;
	s1 =	sshll.u32 s3, $0x3  }
0x6c: {  	s8 =	rddreg [dreg:$0x5];
	s2 =	sand.u32 $0x3FFFC00, s0;
	s1 =	sand.u32 $0x3FFFC00, s1  }
0x6d: {  	s9 =	rddreg [dreg:$0x6];
	s0 =	sand.u32 $0x380, s0;
	s1 =	sadd.s32 s1, s2  }
.Ltmp5:
0x6e: {  	s27 =	sshrl.u32 s3, $0x3;
	s0 =	sor.u32 s0, s1;
	(pc) =	sbr.rel .LBB1_7-.Ltmp5, $4  }
0x6f: {  	s28 =	sand.u32 $0x7, s3;
	s1 =	sand.u32 $0xF, s27;
	s0 =	sshrl.u32 s0, $0x3  }
0x70: {  	s2 =	sshll.u32 s28, $0x12;
	s1 =	sadd.s32 s29, s1;
	s0 =	sand.u32 $0x7FFFF0, s0  }
0x71: {  	s12 =	rddreg [dreg:$0x7];
	s30 =	sor.u32 $0x10, s2;
	s0 =	sadd.s32 s0, s1  }
0x72: {  	[hbm4b:s0+s30] =	stream.strided.scatter [tilespmem:s14], [sflag:$0x2], $0x4000, s31, s30, $0x8;
	[tilespmem:$0x10800] =	vst v63  }
.LBB1_8:
0x73: {  	_ =	sfence.sel $0x180000  }
0x74: {  	s0 =	simm.s32 $0x1;
	[bflag:$0x0] =	sbarrier.arrive $0xFFFF  }
0x75: {  	s30 =	simm.s32 $0x2;
	[sflag:s0] =	ssyncpa.u1 $0x1  }
0x76: {  	[sflag:s30] =	ssyncpa.u1 $0x1  }
0x77: {  	_ =	strace $0x9000004A  }
0x78: {  	s31 =	stileid.u32;
	[bflag:$0x2] =	sbarrier.arrive $0xFFFF  }
0x79: {  	p0 =	sne.s32 s31, $0x0;
	s0 =	rddreg [dreg:$0x1]  }
0x7a: {  	s0 =	sadd.s32 @!p0 $0x100000, s0  }
0x7b: {  	[sflag:s0] =	ssyncadd.tile.s32 @!p0 $0x1;
	_ =	shalt  }
.Lfunc_end1:
_tile_overlayer_lowered:
.L_overlay_start_2:
0x7c: {  	(tag) =	ssettag $0x2  }
0x7d: {  	s0 =	rddreg [dreg:$0x0];
	s2 =	stileid.u32  }
0x7e: {  	s1 =	rddreg [dreg:$0x1];
	p0 =	sne.s32 s2, $0x0  }
0x7f: {  	s3 =	rddreg [dreg:$0x2];
	[bflag:$0x3] =	sbarrier.arrive $0xFFFF;
	s2 =	simm.s32 @!p0 $0x1C01  }
0x80: {  	[timem:s3], [sflag:s2] =	dma.local @!p0 [hbm:s0], s1  }
0x81: {  	s0 =	simm.s32 @!p0 $0x1  }
0x82: {  	_ =	swait.ge @!p0 [sflag:s0], s1  }
0x83: {  	s1 =	ssub.s32 @!p0 $0x0, s1;
	[sflag:s0] =	ssyncset.done @!p0 $0x0  }
0x84: {  	[sflag:s0] =	ssyncadd.s32 @!p0 s1  }
0x85: {  	[bflag:$0x3] =	sbarrier.arrive $0xFFFF  }
0x86: {  	_ =	shalt  }

</sc_bundles>
